<compile_context>
chip_gen: v7x
topology: tpu7x:2x2x1
jax: 0.10.2.dev20260603
libtpu: 0.0.44.dev20260713+nightly
codegen_flags: <defaults>
</compile_context>

<pallas_src>
import jax
import jax.numpy as jnp
import numpy as np
from jax import lax
from jax.experimental import pallas as pl
from jax.experimental.pallas import tpu as pltpu
import jax.experimental.pallas.tpu_sc as plsc

N_NODES = 10000
N_GRAPHS = 8
K = 5
EPS = 1e-5

N_PAD = 10240
ROW_TILE = 256
N_ROW_TILES = N_PAD // ROW_TILE


def _stage3_body(lo_ref, hi_ref, x1_ref, z4_ref, batch_ref, w5a_ref, w5b_ref,
                 b5_ref, s4_ref, be4_ref, out_ref):
    i = pl.program_id(0)

    @pl.when(i == 0)
    def _init():
        out_ref[...] = jnp.full_like(out_ref, -jnp.inf)

    x2 = jnp.maximum(z4_ref[...], 0.0) * s4_ref[...] + be4_ref[...]
    z = jax.lax.dot_general(x1_ref[...], w5a_ref[...], (((1,), (1,)), ((), ())),
                            preferred_element_type=jnp.float32)
    z = z + jax.lax.dot_general(x2, w5b_ref[...], (((1,), (1,)), ((), ())),
                                preferred_element_type=jnp.float32)
    z = z + b5_ref[...]
    lo = lo_ref[i]
    hi = hi_ref[i]
    batch = batch_ref[...]

    def body(g, _):
        mask = batch == g
        zm = jnp.max(jnp.where(mask, z, -jnp.inf), axis=0, keepdims=True)
        cur = out_ref[pl.ds(g, 1), :]
        out_ref[pl.ds(g, 1), :] = jnp.maximum(cur, zm)
        return 0

    jax.lax.fori_loop(lo, hi + 1, body, 0)


def _stage3_pool(x1_pad, z4, batch_pad, lo, hi, W5, b5, s4, be4):
    grid_spec = pltpu.PrefetchScalarGridSpec(
        num_scalar_prefetch=2,
        grid=(N_ROW_TILES,),
        in_specs=[
            pl.BlockSpec((ROW_TILE, 64), lambda i, lo, hi: (i, 0)),
            pl.BlockSpec((ROW_TILE, 128), lambda i, lo, hi: (i, 0)),
            pl.BlockSpec((ROW_TILE, 1), lambda i, lo, hi: (i, 0)),
            pl.BlockSpec((1024, 64), lambda i, lo, hi: (0, 0)),
            pl.BlockSpec((1024, 128), lambda i, lo, hi: (0, 0)),
            pl.BlockSpec((1, 1024), lambda i, lo, hi: (0, 0)),
            pl.BlockSpec((1, 128), lambda i, lo, hi: (0, 0)),
            pl.BlockSpec((1, 128), lambda i, lo, hi: (0, 0)),
        ],
        out_specs=pl.BlockSpec((16, 1024), lambda i, lo, hi: (0, 0)),
    )
    out = pl.pallas_call(
        _stage3_body,
        grid_spec=grid_spec,
        out_shape=jax.ShapeDtypeStruct((16, 1024), jnp.float32),
    )(lo, hi, x1_pad, z4, batch_pad, W5[:, :64], W5[:, 64:],
      b5.reshape(1, 1024), s4.reshape(1, 128), be4.reshape(1, 128))
    return out[:N_GRAPHS]


def _head_body(z_ref, s5_ref, be5_ref, w6_ref, b6_ref, s6_ref, be6_ref,
               w7_ref, b7_ref, s7_ref, be7_ref, w8_ref, b8_ref, out_ref):
    x = jnp.maximum(z_ref[...], 0.0) * s5_ref[...] + be5_ref[...]
    z = jax.lax.dot_general(x, w6_ref[...], (((1,), (1,)), ((), ())),
                            preferred_element_type=jnp.float32) + b6_ref[...]
    x = jnp.maximum(z, 0.0) * s6_ref[...] + be6_ref[...]
    z = jax.lax.dot_general(x, w7_ref[...], (((1,), (1,)), ((), ())),
                            preferred_element_type=jnp.float32) + b7_ref[...]
    x = jnp.maximum(z, 0.0) * s7_ref[...] + be7_ref[...]
    out_ref[...] = jax.lax.dot_general(x, w8_ref[...], (((1,), (1,)), ((), ())),
                                       preferred_element_type=jnp.float32) \
        + b8_ref[...]


def _head(z5max, p, s):
    args = (z5max, s['s5'].reshape(1, -1), p['be5'].reshape(1, -1),
            p['W6'], p['b6'].reshape(1, -1), s['s6'].reshape(1, -1),
            p['be6'].reshape(1, -1),
            p['W7'], p['b7'].reshape(1, -1), s['s7'].reshape(1, -1),
            p['be7'].reshape(1, -1),
            p['W8'], p['b8'].reshape(1, -1))
    return pl.pallas_call(
        _head_body,
        out_shape=jax.ShapeDtypeStruct((N_GRAPHS, 40), jnp.float32),
    )(*args)


E_REAL = N_NODES + 160000
E_PAD = 172032
NW = 32
PER_W_E = E_PAD // NW
GC = 1344
NPW = N_PAD // NW

_SC_MESH = dict(core_axis_name="c", subcore_axis_name="s",
                num_cores=2, num_subcores=16)


def _ab_body(pos_ref, wa_ref, wb_ref, b1_ref, a_ref, b_ref):
    a_ref[...] = jax.lax.dot_general(
        pos_ref[...], wa_ref[...], (((1,), (0,)), ((), ())),
        preferred_element_type=jnp.float32) + b1_ref[...]
    b_ref[...] = jax.lax.dot_general(
        pos_ref[...], wb_ref[...], (((1,), (0,)), ((), ())),
        preferred_element_type=jnp.float32)


def _ab_kernel(pos_pad, wa8, wb8, b1):
    return pl.pallas_call(
        _ab_body,
        grid=(N_PAD // 2048,),
        in_specs=[pl.BlockSpec((2048, 8), lambda i: (i, 0)),
                  pl.BlockSpec((8, 64), lambda i: (0, 0)),
                  pl.BlockSpec((8, 64), lambda i: (0, 0)),
                  pl.BlockSpec((1, 64), lambda i: (0, 0))],
        out_specs=[pl.BlockSpec((2048, 64), lambda i: (i, 0)),
                   pl.BlockSpec((2048, 64), lambda i: (i, 0))],
        out_shape=[jax.ShapeDtypeStruct((N_PAD, 64), jnp.float32),
                   jax.ShapeDtypeStruct((N_PAD, 64), jnp.float32)],
    )(pos_pad, wa8, wb8, b1.reshape(1, 64))


def _edge_gather_body(a_hbm, b_hbm, src_hbm, dst_hbm, e1_hbm,
                      sidx, didx, rows, sem):
    wid = lax.axis_index("s") * 2 + lax.axis_index("c")
    base = wid * PER_W_E

    def chunk(ci, _):
        off = base + ci * GC
        pltpu.sync_copy(dst_hbm.at[pl.ds(off, GC)], didx)
        pltpu.sync_copy(src_hbm.at[pl.ds(off, GC)], sidx)
        pltpu.async_copy(a_hbm.at[didx], rows, sem).wait()
        pltpu.async_copy(b_hbm.at[sidx], rows, sem, add=True).wait()
        pltpu.sync_copy(rows, e1_hbm.at[pl.ds(off, GC)])
        return 0

    lax.fori_loop(0, PER_W_E // GC, chunk, 0)


def _edge_gather(A, B, src_pad, dst_pad):
    fn = pl.kernel(
        _edge_gather_body,
        out_type=jax.ShapeDtypeStruct((E_PAD, 64), jnp.float32),
        mesh=plsc.VectorSubcoreMesh(**_SC_MESH),
        scratch_types=[pltpu.VMEM((GC,), jnp.int32),
                       pltpu.VMEM((GC,), jnp.int32),
                       pltpu.VMEM((GC, 64), jnp.float32),
                       pltpu.SemaphoreType.DMA],
        compiler_params=pltpu.CompilerParams(use_tc_tiling_on_sc=False),
    )
    return fn(A, B, src_pad, dst_pad)


def _edge_mlp_body(e1_ref, w2_ref, b2_ref, w3_ref, b3_ref, sc_ref, m_ref):
    i = pl.program_id(0)
    s1 = sc_ref[0:1, :]
    be1 = sc_ref[1:2, :]
    s2 = sc_ref[2:3, :]
    be2 = sc_ref[3:4, :]
    s3 = sc_ref[4:5, :]
    be3 = sc_ref[5:6, :]
    h = jnp.maximum(e1_ref[...], 0.0) * s1 + be1
    z = jax.lax.dot_general(h, w2_ref[...], (((1,), (1,)), ((), ())),
                            preferred_element_type=jnp.float32) + b2_ref[...]
    h = jnp.maximum(z, 0.0) * s2 + be2
    z = jax.lax.dot_general(h, w3_ref[...], (((1,), (1,)), ((), ())),
                            preferred_element_type=jnp.float32) + b3_ref[...]
    h = jnp.maximum(z, 0.0) * s3 + be3
    gid = i * 512 + jax.lax.broadcasted_iota(jnp.int32, (512, 1), 0)
    m_ref[...] = jnp.where(gid < E_REAL, h, -jnp.inf)


def _edge_mlp(E1, p, s):
    sc = jnp.stack([s['s1'], p['be1'], s['s2'], p['be2'], s['s3'], p['be3']])
    return pl.pallas_call(
        _edge_mlp_body,
        grid=(E_PAD // 512,),
        in_specs=[pl.BlockSpec((512, 64), lambda i: (i, 0)),
                  pl.BlockSpec((64, 64), lambda i: (0, 0)),
                  pl.BlockSpec((1, 64), lambda i: (0, 0)),
                  pl.BlockSpec((64, 64), lambda i: (0, 0)),
                  pl.BlockSpec((1, 64), lambda i: (0, 0)),
                  pl.BlockSpec((6, 64), lambda i: (0, 0))],
        out_specs=pl.BlockSpec((512, 64), lambda i: (i, 0)),
        out_shape=jax.ShapeDtypeStruct((E_PAD, 64), jnp.float32),
    )(E1, p['W2'], p['b2'].reshape(1, 64), p['W3'], p['b3'].reshape(1, 64), sc)


KNN_RT = 128
KNN_CT = 512
KNN_NI = N_PAD // KNN_RT
KNN_NJ = N_PAD // KNN_CT
IMAX = np.int32(0x7FFFFFFF)


def _knn_body(rlo, rhi, clo, chi, xall_ref, batchr_ref, batchc_ref,
              w4d_ref, w4b_ref, b4_ref, out_ref, p_ref, q_ref, td, ti):
    i = pl.program_id(0)
    j = pl.program_id(1)

    @pl.when(j == 0)
    def _init():
        td[...] = jnp.full_like(td, jnp.inf)
        ti[...] = jnp.full_like(ti, IMAX)
        xr0 = xall_ref[pl.ds(i * KNN_RT, KNN_RT), :]
        p_ref[...] = jax.lax.dot_general(
            xr0, w4d_ref[...], (((1,), (1,)), ((), ())),
            preferred_element_type=jnp.float32) + b4_ref[...]
        q_ref[...] = jax.lax.dot_general(
            xr0, w4b_ref[...], (((1,), (1,)), ((), ())),
            preferred_element_type=jnp.float32)

    active = jnp.logical_and(rhi[i] >= clo[j], rlo[i] <= chi[j])

    @pl.when(active)
    def _merge():
        xr = xall_ref[pl.ds(i * KNN_RT, KNN_RT), :]
        xc = xall_ref[pl.ds(j * KNN_CT, KNN_CT), :]
        r = jax.lax.dot_general(xr, xc, (((1,), (1,)), ((), ())),
                                preferred_element_type=jnp.float32)
        sqc = jax.lax.dot_general(jnp.ones((1, 64), jnp.float32), xc * xc,
                                  (((1,), (1,)), ((), ())),
                                  preferred_element_type=jnp.float32)
        r = sqc - 2.0 * r
        bm = batchr_ref[...] != batchc_ref[...]
        r = jnp.where(bm, jnp.inf, r)
        colid = jax.lax.broadcasted_iota(jnp.int32, (KNN_RT, KNN_CT), 1) \
            + j * KNN_CT
        cd = jnp.concatenate([td[...], r], axis=1)
        ci = jnp.concatenate([ti[...], colid], axis=1)
        for k in range(K):
            m = jnp.min(cd, axis=1, keepdims=True)
            sel = jnp.min(jnp.where(cd == m, ci, IMAX), axis=1, keepdims=True)
            td[:, k:k + 1] = m
            ti[:, k:k + 1] = sel
            cd = jnp.where(ci == sel, jnp.inf, cd)

    @pl.when(j == KNN_NJ - 1)
    def _emit():
        out_ref[...] = ti[:, :8]


def _knn_topk(x1_pad, batch_pad, W4, b4):
    bt_r = batch_pad.reshape(KNN_NI, KNN_RT)
    bt_c = batch_pad.reshape(KNN_NJ, KNN_CT)
    rlo = bt_r[:, 0].astype(jnp.int32)
    rhi = bt_r[:, -1].astype(jnp.int32)
    clo = bt_c[:, 0].astype(jnp.int32)
    chi = bt_c[:, -1].astype(jnp.int32)
    w4d = W4[:, :64] - W4[:, 64:]
    w4b = W4[:, 64:]
    grid_spec = pltpu.PrefetchScalarGridSpec(
        num_scalar_prefetch=4,
        grid=(KNN_NI, KNN_NJ),
        in_specs=[
            pl.BlockSpec((N_PAD, 64), lambda i, j, *_: (0, 0)),
            pl.BlockSpec((KNN_RT, 1), lambda i, j, *_: (i, 0)),
            pl.BlockSpec((1, KNN_CT), lambda i, j, *_: (0, j)),
            pl.BlockSpec((128, 64), lambda i, j, *_: (0, 0)),
            pl.BlockSpec((128, 64), lambda i, j, *_: (0, 0)),
            pl.BlockSpec((1, 128), lambda i, j, *_: (0, 0)),
        ],
        out_specs=[pl.BlockSpec((KNN_RT, 8), lambda i, j, *_: (i, 0)),
                   pl.BlockSpec((KNN_RT, 128), lambda i, j, *_: (i, 0)),
                   pl.BlockSpec((KNN_RT, 128), lambda i, j, *_: (i, 0))],
        scratch_shapes=[pltpu.VMEM((KNN_RT, 128), jnp.float32),
                        pltpu.VMEM((KNN_RT, 128), jnp.int32)],
    )
    idx8, P, Q = pl.pallas_call(
        _knn_body,
        grid_spec=grid_spec,
        out_shape=[jax.ShapeDtypeStruct((N_PAD, 8), jnp.int32),
                   jax.ShapeDtypeStruct((N_PAD, 128), jnp.float32),
                   jax.ShapeDtypeStruct((N_PAD, 128), jnp.float32)],
        compiler_params=pltpu.CompilerParams(
            dimension_semantics=("arbitrary", "arbitrary")),
    )(rlo, rhi, clo, chi, x1_pad,
      batch_pad.reshape(N_PAD, 1), batch_pad.reshape(1, N_PAD),
      w4d, w4b, b4.reshape(1, 128))
    return idx8[:, :K], P, Q


C2_CH = 64
C2_NCH = NPW // C2_CH


def _conv2_body(p_hbm, q_hbm, idx_hbm, z4_hbm, pvm, qvm, ivm, zvm, sem):
    wid = lax.axis_index("s") * 2 + lax.axis_index("c")
    lo = wid * NPW

    def chunk(c, _):
        nb = lo + c * C2_CH
        pltpu.sync_copy(p_hbm.at[pl.ds(nb * 128, C2_CH * 128)], pvm)
        pltpu.sync_copy(idx_hbm.at[pl.ds(nb * K, C2_CH * K)], ivm)
        pltpu.async_copy(q_hbm.at[ivm], qvm, sem).wait()

        def node(nn, _):
            rowp = jnp.full((16,), 0, jnp.int32) + nn
            for q in range(8):
                col = lax.iota(jnp.int32, 16) + q * 16
                qacc = plsc.load_gather(qvm, [rowp * K, col])
                for k in range(1, K):
                    rowq = rowp * K + k
                    qacc = jnp.maximum(qacc, plsc.load_gather(qvm,
                                                              [rowq, col]))
                acc = plsc.load_gather(pvm, [rowp * 128 + col]) + qacc
                plsc.store_scatter(zvm, [rowp * 128 + col], acc)
            return 0

        lax.fori_loop(0, C2_CH, node, 0)
        pltpu.sync_copy(zvm, z4_hbm.at[pl.ds(nb * 128, C2_CH * 128)])
        return 0

    lax.fori_loop(0, C2_NCH, chunk, 0)


def _conv2_sc(P, Q, idx_flat):
    fn = pl.kernel(
        _conv2_body,
        out_type=jax.ShapeDtypeStruct((N_PAD * 128,), jnp.float32),
        mesh=plsc.VectorSubcoreMesh(**_SC_MESH),
        scratch_types=[pltpu.VMEM((C2_CH * 128,), jnp.float32),
                       pltpu.VMEM((C2_CH * K, 128), jnp.float32),
                       pltpu.VMEM((C2_CH * K,), jnp.int32),
                       pltpu.VMEM((C2_CH * 128,), jnp.float32),
                       pltpu.SemaphoreType.DMA],
        compiler_params=pltpu.CompilerParams(use_tc_tiling_on_sc=False,
                                             needs_layout_passes=False),
    )
    return fn(P.reshape(-1), Q, idx_flat).reshape(N_PAD, 128)


def kernel(pos, batch, edge_index, params):
    p = params
    n = pos.shape[0]
    scales = {k: p['g' + k[1]] / jnp.sqrt(1.0 + EPS)
              for k in ('s1', 's2', 's3', 's4', 's5', 's6', 's7')}

    loops = jnp.arange(n, dtype=edge_index.dtype)
    src = jnp.concatenate([edge_index[0], loops]).astype(jnp.int32)
    dst = jnp.concatenate([edge_index[1], loops]).astype(jnp.int32)
    src_pad = jnp.pad(src, (0, E_PAD - E_REAL))
    dst_pad = jnp.pad(dst, (0, E_PAD - E_REAL), constant_values=N_PAD - 1)
    pos_pad = jnp.pad(pos, ((0, N_PAD - n), (0, 5)))
    W1 = p['W1']
    wa8 = jnp.pad((W1[:, :3] - W1[:, 3:]).T, ((0, 5), (0, 0)))
    wb8 = jnp.pad(W1[:, 3:].T, ((0, 5), (0, 0)))
    A, B = _ab_kernel(pos_pad, wa8, wb8, p['b1'])
    E1 = _edge_gather(A, B, src_pad, dst_pad)
    M = _edge_mlp(E1, p, scales)
    x1 = jax.ops.segment_max(M[:E_REAL], dst, num_segments=n)
    x1_pad_sc = jnp.pad(x1, ((0, N_PAD - n), (0, 0)))

    x1_pad = x1_pad_sc
    batch_pad_1d = jnp.pad(batch.astype(jnp.int32), (0, N_PAD - n),
                           constant_values=N_GRAPHS)
    idx, P, Q = _knn_topk(x1_pad, batch_pad_1d, p['W4'], p['b4'])
    z4 = _conv2_sc(P, Q, idx.reshape(-1))

    batch_pad = batch_pad_1d.reshape(N_PAD, 1)
    bt = batch_pad.reshape(N_ROW_TILES, ROW_TILE)
    lo = jnp.min(bt, axis=1).astype(jnp.int32)
    hi = jnp.max(bt, axis=1).astype(jnp.int32)
    z5max = _stage3_pool(x1_pad, z4, batch_pad, lo, hi, p['W5'], p['b5'],
                         scales['s4'], p['be4'])
    return _head(z5max, p, scales)

# --- scband reference (transcript-rebuilt; emitter-appended) ---
"""Pipeline reference for scband-decseq-self-41180146434801 (READ-ONLY COPY).

The authoritative reference and input builder live on the scoring server;
editing this copy changes nothing except your own understanding.
"""

import jax, jax.numpy as jnp
import numpy as np

N_NODES = 10000
N_EDGES = 160000
N_GRAPHS = 8
K = 5
EPS = 1e-5

def _lin(key, o, i):
    kw, kb = jax.random.split(key)
    s = 1.0 / np.sqrt(i)
    W = jax.random.uniform(kw, (o, i), jnp.float32, -s, s)
    b = jax.random.uniform(kb, (o,), jnp.float32, -s, s)
    return W, b

def setup_inputs(seed: int = 0):
    key = jax.random.key(seed)
    ks = jax.random.split(key, 16)
    pos = jax.random.normal(ks[0], (N_NODES, 3), jnp.float32)
    batch = jnp.sort(jax.random.randint(ks[1], (N_NODES,), 0, N_GRAPHS))
    edge_index = jax.random.randint(ks[2], (2, N_EDGES), 0, N_NODES)
    p = {}
    p['W1'], p['b1'] = _lin(ks[3], 64, 6)
    p['W2'], p['b2'] = _lin(ks[4], 64, 64)
    p['W3'], p['b3'] = _lin(ks[5], 64, 64)
    p['W4'], p['b4'] = _lin(ks[6], 128, 128)
    p['W5'], p['b5'] = _lin(ks[7], 1024, 192)
    p['W6'], p['b6'] = _lin(ks[8], 512, 1024)
    p['W7'], p['b7'] = _lin(ks[9], 256, 512)
    p['W8'], p['b8'] = _lin(ks[10], 40, 256)
    for i, d in [(1, 64), (2, 64), (3, 64), (4, 128), (5, 1024), (6, 512), (7, 256)]:
        p['g%d' % i] = jnp.ones((d,), jnp.float32)
        p['be%d' % i] = jnp.zeros((d,), jnp.float32)
    return {'pos': pos, 'batch': batch, 'edge_index': edge_index, 'params': p}

def _block(x, W, b, g, be):
    # Linear -> ReLU -> BatchNorm (eval mode: running_mean=0, running_var=1)
    h = jnp.maximum(x @ W.T + b, 0.0)
    return h * (g / jnp.sqrt(1.0 + EPS)) + be

def _forward(pos, params, batch, edge_index):
    p = params
    n = pos.shape[0]
    # add_self_loops
    loops = jnp.arange(n, dtype=edge_index.dtype)
    src = jnp.concatenate([edge_index[0], loops])
    dst = jnp.concatenate([edge_index[1], loops])
    # conv1: EdgeConv, message = nn(cat([x_i, x_j - x_i])), max aggregation at dst
    x_i = pos[dst]
    x_j = pos[src]
    m = jnp.concatenate([x_i, x_j - x_i], axis=1)
    m = _block(m, p['W1'], p['b1'], p['g1'], p['be1'])
    m = _block(m, p['W2'], p['b2'], p['g2'], p['be2'])
    m = _block(m, p['W3'], p['b3'], p['g3'], p['be3'])
    x1 = jax.ops.segment_max(m, dst, num_segments=n)
    # conv2: DynamicEdgeConv, batched kNN graph built on x1 (knn is non-differentiable)
    xs = jax.lax.stop_gradient(x1)
    sq = jnp.sum(xs * xs, axis=1)
    d = sq[:, None] + sq[None, :] - 2.0 * (xs @ xs.T)
    d = jnp.where(batch[:, None] != batch[None, :], jnp.inf, d)
    _, idx = jax.lax.top_k(-d, K)  # includes self (distance 0), like knn(x, x, k)
    xj = x1[idx]                    # [N, K, 64]
    xi = x1[:, None, :]
    m2 = jnp.concatenate([jnp.broadcast_to(xi, xj.shape), xj - xi], axis=2)
    m2 = _block(m2, p['W4'], p['b4'], p['g4'], p['be4'])
    x2 = jnp.max(m2, axis=1)
    # lin1 + global_max_pool + classifier mlp (Dropout = identity in eval)
    out = _block(jnp.concatenate([x1, x2], axis=1), p['W5'], p['b5'], p['g5'], p['be5'])
    out = jax.ops.segment_max(out, batch, num_segments=N_GRAPHS)
    out = _block(out, p['W6'], p['b6'], p['g6'], p['be6'])
    out = _block(out, p['W7'], p['b7'], p['g7'], p['be7'])
    out = out @ p['W8'].T + p['b8']
    return out

def reference(pos, batch, edge_index, params):
    return _forward(pos, params, batch, edge_index)

if __name__ == "__main__":
    import jax
    _d = setup_inputs()
    print(jax.jit(kernel)(*tuple(_d.values())))

</pallas_src>

<mosaic_0001>
#map = affine_map<(d0, d1) -> (0, 0)>
#map1 = affine_map<(d0, d1) -> (0)>
module attributes {stable_mosaic.version = 14 : i64} {
  func.func @_edge_gather_body(%arg0: i32, %arg1: i32, %arg2: memref<10240x64xf32, #tpu.memory_space<hbm>>, %arg3: memref<10240x64xf32, #tpu.memory_space<hbm>>, %arg4: memref<172032xi32, #tpu.memory_space<hbm>>, %arg5: memref<172032xi32, #tpu.memory_space<hbm>>, %arg6: memref<172032x64xf32, #tpu.memory_space<hbm>>, %arg7: memref<1344xi32, #tpu.memory_space<vmem>>, %arg8: memref<1344xi32, #tpu.memory_space<vmem>>, %arg9: memref<1344x64xf32, #tpu.memory_space<vmem>>, %arg10: memref<!tpu.dma_semaphore, #tpu.memory_space<semaphore_mem>>) attributes {dimension_semantics = [#tpu.dimension_semantics<core_parallel>, #tpu.dimension_semantics<subcore_parallel>], iteration_bounds = array<i64: 2, 16>, scalar_prefetch = 0 : i64, scratch_operands = 4 : i64, tpu.core_type = #tpu.core_type<sc_vector_subcore>, window_params = [{transform_indices = #map}, {transform_indices = #map}, {transform_indices = #map1}, {transform_indices = #map1}, {transform_indices = #map}]} {
    %mul3A = arith.constant 2 : i32
    %mul3A_0 = arith.muli %arg1, %mul3A : i32
    %add3A = arith.addi %mul3A_0, %arg0 : i32
    %mul3A_1 = arith.constant 5376 : i32
    %mul3A_2 = arith.muli %add3A, %mul3A_1 : i32
    %scan3A = arith.constant 0 : i32
    %scan3A_3 = arith.constant 0 : i32
    %scan3A_4 = arith.constant 4 : i32
    %scan3A_5 = arith.addi %scan3A_3, %scan3A_4 : i32
    %scan3A_6 = arith.constant 1 : i32
    %scan3A_7 = scf.for %scan3A_9 = %scan3A_3 to %scan3A_5 step %scan3A_6 iter_args(%scan3A_10 = %scan3A) -> (i32)  : i32 {
      %mul3A_11 = arith.constant 1344 : i32
      %mul3A_12 = arith.muli %scan3A_9, %mul3A_11 : i32
      %add3A_13 = arith.addi %mul3A_2, %mul3A_12 : i32
      "tpu.region"() ({
        %run_scoped3A = tpu.sem_alloc : memref<!tpu.dma_semaphore, #tpu.memory_space<semaphore_mem>>
        %dma_start3A_25 = tpu.memref_slice %arg5[%add3A_13] : memref<172032xi32, #tpu.memory_space<hbm>> -> memref<1344xi32, #tpu.memory_space<hbm>>
        %dma_start3A_26 = tpu.memref_slice %arg5[%add3A_13] : memref<172032xi32, #tpu.memory_space<hbm>> -> memref<1344xi32, #tpu.memory_space<hbm>>
        tpu.enqueue_dma source(%dma_start3A_26 : memref<1344xi32, #tpu.memory_space<hbm>>) target(%arg8 : memref<1344xi32, #tpu.memory_space<vmem>>) target_semaphore(%run_scoped3A : memref<!tpu.dma_semaphore, #tpu.memory_space<semaphore_mem>>)
        %dma_wait3A_27 = tpu.memref_slice %arg5[%add3A_13] : memref<172032xi32, #tpu.memory_space<hbm>> -> memref<1344xi32, #tpu.memory_space<hbm>>
        %dma_wait3A_28 = tpu.memref_slice %arg5[%add3A_13] : memref<172032xi32, #tpu.memory_space<hbm>> -> memref<1344xi32, #tpu.memory_space<hbm>>
        tpu.wait_dma2 semaphore(%run_scoped3A : memref<!tpu.dma_semaphore, #tpu.memory_space<semaphore_mem>>) src(%dma_wait3A_28 : memref<1344xi32, #tpu.memory_space<hbm>>) dst(%arg8 : memref<1344xi32, #tpu.memory_space<vmem>>)
        tpu.yield
      }) : () -> ()
      "tpu.region"() ({
        %run_scoped3A = tpu.sem_alloc : memref<!tpu.dma_semaphore, #tpu.memory_space<semaphore_mem>>
        %dma_start3A_25 = tpu.memref_slice %arg4[%add3A_13] : memref<172032xi32, #tpu.memory_space<hbm>> -> memref<1344xi32, #tpu.memory_space<hbm>>
        %dma_start3A_26 = tpu.memref_slice %arg4[%add3A_13] : memref<172032xi32, #tpu.memory_space<hbm>> -> memref<1344xi32, #tpu.memory_space<hbm>>
        tpu.enqueue_dma source(%dma_start3A_26 : memref<1344xi32, #tpu.memory_space<hbm>>) target(%arg7 : memref<1344xi32, #tpu.memory_space<vmem>>) target_semaphore(%run_scoped3A : memref<!tpu.dma_semaphore, #tpu.memory_space<semaphore_mem>>)
        %dma_wait3A_27 = tpu.memref_slice %arg4[%add3A_13] : memref<172032xi32, #tpu.memory_space<hbm>> -> memref<1344xi32, #tpu.memory_space<hbm>>
        %dma_wait3A_28 = tpu.memref_slice %arg4[%add3A_13] : memref<172032xi32, #tpu.memory_space<hbm>> -> memref<1344xi32, #tpu.memory_space<hbm>>
        tpu.wait_dma2 semaphore(%run_scoped3A : memref<!tpu.dma_semaphore, #tpu.memory_space<semaphore_mem>>) src(%dma_wait3A_28 : memref<1344xi32, #tpu.memory_space<hbm>>) dst(%arg7 : memref<1344xi32, #tpu.memory_space<vmem>>)
        tpu.yield
      }) : () -> ()
      %dma_start3A = arith.constant 0 : i32
      %dma_start3A_14 = arith.constant 0 : i32
      %dma_start3A_15 = tpu.memref_slice %arg2[%dma_start3A, %dma_start3A_14] : memref<10240x64xf32, #tpu.memory_space<hbm>> -> memref<10240x64xf32, #tpu.memory_space<hbm>>
      tpu.enqueue_indirect_dma source(%dma_start3A_15 : memref<10240x64xf32, #tpu.memory_space<hbm>>) target(%arg9 : memref<1344x64xf32, #tpu.memory_space<vmem>>) offsets(%arg8 : memref<1344xi32, #tpu.memory_space<vmem>>) semaphore(%arg10 : memref<!tpu.dma_semaphore, #tpu.memory_space<semaphore_mem>>)
      %dma_wait3A = arith.constant 0 : i32
      %dma_wait3A_16 = arith.constant 0 : i32
      %dma_wait3A_17 = tpu.memref_slice %arg2[%dma_wait3A, %dma_wait3A_16] : memref<10240x64xf32, #tpu.memory_space<hbm>> -> memref<10240x64xf32, #tpu.memory_space<hbm>>
      tpu.wait_indirect_dma semaphore(%arg10 : memref<!tpu.dma_semaphore, #tpu.memory_space<semaphore_mem>>) src(%dma_wait3A_17 : memref<10240x64xf32, #tpu.memory_space<hbm>>) dst(%arg9 : memref<1344x64xf32, #tpu.memory_space<vmem>>)
      %dma_start3A_18 = arith.constant 0 : i32
      %dma_start3A_19 = arith.constant 0 : i32
      %dma_start3A_20 = tpu.memref_slice %arg3[%dma_start3A_18, %dma_start3A_19] : memref<10240x64xf32, #tpu.memory_space<hbm>> -> memref<10240x64xf32, #tpu.memory_space<hbm>>
      tpu.enqueue_indirect_dma source(%dma_start3A_20 : memref<10240x64xf32, #tpu.memory_space<hbm>>) target(%arg9 : memref<1344x64xf32, #tpu.memory_space<vmem>>) offsets(%arg7 : memref<1344xi32, #tpu.memory_space<vmem>>) semaphore(%arg10 : memref<!tpu.dma_semaphore, #tpu.memory_space<semaphore_mem>>) {add = true}
      %dma_wait3A_21 = arith.constant 0 : i32
      %dma_wait3A_22 = arith.constant 0 : i32
      %dma_wait3A_23 = tpu.memref_slice %arg3[%dma_wait3A_21, %dma_wait3A_22] : memref<10240x64xf32, #tpu.memory_space<hbm>> -> memref<10240x64xf32, #tpu.memory_space<hbm>>
      tpu.wait_indirect_dma semaphore(%arg10 : memref<!tpu.dma_semaphore, #tpu.memory_space<semaphore_mem>>) src(%dma_wait3A_23 : memref<10240x64xf32, #tpu.memory_space<hbm>>) dst(%arg9 : memref<1344x64xf32, #tpu.memory_space<vmem>>)
      "tpu.region"() ({
        %run_scoped3A = tpu.sem_alloc : memref<!tpu.dma_semaphore, #tpu.memory_space<semaphore_mem>>
        %dma_start3A_25 = arith.constant 0 : i32
        %dma_start3A_26 = tpu.memref_slice %arg6[%add3A_13, %dma_start3A_25] : memref<172032x64xf32, #tpu.memory_space<hbm>> -> memref<1344x64xf32, #tpu.memory_space<hbm>>
        %dma_start3A_27 = arith.constant 0 : i32
        %dma_start3A_28 = tpu.memref_slice %arg6[%add3A_13, %dma_start3A_27] : memref<172032x64xf32, #tpu.memory_space<hbm>> -> memref<1344x64xf32, #tpu.memory_space<hbm>>
        tpu.enqueue_dma source(%arg9 : memref<1344x64xf32, #tpu.memory_space<vmem>>) target(%dma_start3A_28 : memref<1344x64xf32, #tpu.memory_space<hbm>>) target_semaphore(%run_scoped3A : memref<!tpu.dma_semaphore, #tpu.memory_space<semaphore_mem>>)
        %dma_wait3A_29 = arith.constant 0 : i32
        %dma_wait3A_30 = tpu.memref_slice %arg6[%add3A_13, %dma_wait3A_29] : memref<172032x64xf32, #tpu.memory_space<hbm>> -> memref<1344x64xf32, #tpu.memory_space<hbm>>
        %dma_wait3A_31 = arith.constant 0 : i32
        %dma_wait3A_32 = tpu.memref_slice %arg6[%add3A_13, %dma_wait3A_31] : memref<172032x64xf32, #tpu.memory_space<hbm>> -> memref<1344x64xf32, #tpu.memory_space<hbm>>
        tpu.wait_dma2 semaphore(%run_scoped3A : memref<!tpu.dma_semaphore, #tpu.memory_space<semaphore_mem>>) src(%arg9 : memref<1344x64xf32, #tpu.memory_space<vmem>>) dst(%dma_wait3A_32 : memref<1344x64xf32, #tpu.memory_space<hbm>>)
        tpu.yield
      }) : () -> ()
      %scan3A_24 = arith.constant 0 : i32
      scf.yield %scan3A_24 : i32
    }
    %scan3A_8 = arith.constant 4 : i32
    return
  }
}

#map = affine_map<(d0, d1) -> (0)>
#map1 = affine_map<(d0, d1) -> (0, 0)>
module attributes {stable_mosaic.version = 14 : i64} {
  func.func @_conv2_body(%arg0: i32, %arg1: i32, %arg2: memref<1310720xf32, #tpu.memory_space<hbm>>, %arg3: memref<10240x128xf32, #tpu.memory_space<hbm>>, %arg4: memref<51200xi32, #tpu.memory_space<hbm>>, %arg5: memref<1310720xf32, #tpu.memory_space<hbm>>, %arg6: memref<8192xf32, #tpu.memory_space<vmem>>, %arg7: memref<320x128xf32, #tpu.memory_space<vmem>>, %arg8: memref<320xi32, #tpu.memory_space<vmem>>, %arg9: memref<8192xf32, #tpu.memory_space<vmem>>, %arg10: memref<!tpu.dma_semaphore, #tpu.memory_space<semaphore_mem>>) attributes {dimension_semantics = [#tpu.dimension_semantics<core_parallel>, #tpu.dimension_semantics<subcore_parallel>], iteration_bounds = array<i64: 2, 16>, scalar_prefetch = 0 : i64, scratch_operands = 5 : i64, tpu.core_type = #tpu.core_type<sc_vector_subcore>, window_params = [{transform_indices = #map}, {transform_indices = #map1}, {transform_indices = #map}, {transform_indices = #map}]} {
    %mul3A = arith.constant 2 : i32
    %mul3A_0 = arith.muli %arg1, %mul3A : i32
    %add3A = arith.addi %mul3A_0, %arg0 : i32
    %mul3A_1 = arith.constant 320 : i32
    %mul3A_2 = arith.muli %add3A, %mul3A_1 : i32
    %scan3A = arith.constant 0 : i32
    %scan3A_3 = arith.constant 0 : i32
    %scan3A_4 = arith.constant 5 : i32
    %scan3A_5 = arith.addi %scan3A_3, %scan3A_4 : i32
    %scan3A_6 = arith.constant 1 : i32
    %scan3A_7 = scf.for %scan3A_9 = %scan3A_3 to %scan3A_5 step %scan3A_6 iter_args(%scan3A_10 = %scan3A) -> (i32)  : i32 {
      %mul3A_11 = arith.constant 64 : i32
      %mul3A_12 = arith.muli %scan3A_9, %mul3A_11 : i32
      %add3A_13 = arith.addi %mul3A_2, %mul3A_12 : i32
      %mul3A_14 = arith.constant 128 : i32
      %mul3A_15 = arith.muli %add3A_13, %mul3A_14 : i32
      "tpu.region"() ({
        %run_scoped3A = tpu.sem_alloc : memref<!tpu.dma_semaphore, #tpu.memory_space<semaphore_mem>>
        %dma_start3A_32 = tpu.memref_slice %arg2[%mul3A_15] : memref<1310720xf32, #tpu.memory_space<hbm>> -> memref<8192xf32, #tpu.memory_space<hbm>>
        %dma_start3A_33 = tpu.memref_slice %arg2[%mul3A_15] : memref<1310720xf32, #tpu.memory_space<hbm>> -> memref<8192xf32, #tpu.memory_space<hbm>>
        tpu.enqueue_dma source(%dma_start3A_33 : memref<8192xf32, #tpu.memory_space<hbm>>) target(%arg6 : memref<8192xf32, #tpu.memory_space<vmem>>) target_semaphore(%run_scoped3A : memref<!tpu.dma_semaphore, #tpu.memory_space<semaphore_mem>>)
        %dma_wait3A_34 = tpu.memref_slice %arg2[%mul3A_15] : memref<1310720xf32, #tpu.memory_space<hbm>> -> memref<8192xf32, #tpu.memory_space<hbm>>
        %dma_wait3A_35 = tpu.memref_slice %arg2[%mul3A_15] : memref<1310720xf32, #tpu.memory_space<hbm>> -> memref<8192xf32, #tpu.memory_space<hbm>>
        tpu.wait_dma2 semaphore(%run_scoped3A : memref<!tpu.dma_semaphore, #tpu.memory_space<semaphore_mem>>) src(%dma_wait3A_35 : memref<8192xf32, #tpu.memory_space<hbm>>) dst(%arg6 : memref<8192xf32, #tpu.memory_space<vmem>>)
        tpu.yield
      }) : () -> ()
      %mul3A_16 = arith.constant 5 : i32
      %mul3A_17 = arith.muli %add3A_13, %mul3A_16 : i32
      "tpu.region"() ({
        %run_scoped3A = tpu.sem_alloc : memref<!tpu.dma_semaphore, #tpu.memory_space<semaphore_mem>>
        %dma_start3A_32 = tpu.memref_slice %arg4[%mul3A_17] : memref<51200xi32, #tpu.memory_space<hbm>> -> memref<320xi32, #tpu.memory_space<hbm>>
        %dma_start3A_33 = tpu.memref_slice %arg4[%mul3A_17] : memref<51200xi32, #tpu.memory_space<hbm>> -> memref<320xi32, #tpu.memory_space<hbm>>
        tpu.enqueue_dma source(%dma_start3A_33 : memref<320xi32, #tpu.memory_space<hbm>>) target(%arg8 : memref<320xi32, #tpu.memory_space<vmem>>) target_semaphore(%run_scoped3A : memref<!tpu.dma_semaphore, #tpu.memory_space<semaphore_mem>>)
        %dma_wait3A_34 = tpu.memref_slice %arg4[%mul3A_17] : memref<51200xi32, #tpu.memory_space<hbm>> -> memref<320xi32, #tpu.memory_space<hbm>>
        %dma_wait3A_35 = tpu.memref_slice %arg4[%mul3A_17] : memref<51200xi32, #tpu.memory_space<hbm>> -> memref<320xi32, #tpu.memory_space<hbm>>
        tpu.wait_dma2 semaphore(%run_scoped3A : memref<!tpu.dma_semaphore, #tpu.memory_space<semaphore_mem>>) src(%dma_wait3A_35 : memref<320xi32, #tpu.memory_space<hbm>>) dst(%arg8 : memref<320xi32, #tpu.memory_space<vmem>>)
        tpu.yield
      }) : () -> ()
      %dma_start3A = arith.constant 0 : i32
      %dma_start3A_18 = arith.constant 0 : i32
      %dma_start3A_19 = tpu.memref_slice %arg3[%dma_start3A, %dma_start3A_18] : memref<10240x128xf32, #tpu.memory_space<hbm>> -> memref<10240x128xf32, #tpu.memory_space<hbm>>
      tpu.enqueue_indirect_dma source(%dma_start3A_19 : memref<10240x128xf32, #tpu.memory_space<hbm>>) target(%arg7 : memref<320x128xf32, #tpu.memory_space<vmem>>) offsets(%arg8 : memref<320xi32, #tpu.memory_space<vmem>>) semaphore(%arg10 : memref<!tpu.dma_semaphore, #tpu.memory_space<semaphore_mem>>)
      %dma_wait3A = arith.constant 0 : i32
      %dma_wait3A_20 = arith.constant 0 : i32
      %dma_wait3A_21 = tpu.memref_slice %arg3[%dma_wait3A, %dma_wait3A_20] : memref<10240x128xf32, #tpu.memory_space<hbm>> -> memref<10240x128xf32, #tpu.memory_space<hbm>>
      tpu.wait_indirect_dma semaphore(%arg10 : memref<!tpu.dma_semaphore, #tpu.memory_space<semaphore_mem>>) src(%dma_wait3A_21 : memref<10240x128xf32, #tpu.memory_space<hbm>>) dst(%arg7 : memref<320x128xf32, #tpu.memory_space<vmem>>)
      %scan3A_22 = arith.constant 0 : i32
      %scan3A_23 = arith.constant 0 : i32
      %scan3A_24 = arith.constant 64 : i32
      %scan3A_25 = arith.addi %scan3A_23, %scan3A_24 : i32
      %scan3A_26 = arith.constant 1 : i32
      %scan3A_27 = scf.for %scan3A_32 = %scan3A_23 to %scan3A_25 step %scan3A_26 iter_args(%scan3A_33 = %scan3A_22) -> (i32)  : i32 {
        %broadcast_in_dim3A = arith.constant 0 : i32
        %broadcast_in_dim3A_34 = vector.broadcast %broadcast_in_dim3A : i32 to vector<16xi32>
        %add3A_35 = vector.broadcast %scan3A_32 : i32 to vector<16xi32>
        %add3A_36 = arith.addi %broadcast_in_dim3A_34, %add3A_35 : vector<16xi32>
        %iota3A = tpu.iota {dimensions = array<i32: 0>} : vector<16xi32>
        %add3A_37 = arith.constant 0 : i32
        %add3A_38 = vector.broadcast %add3A_37 : i32 to vector<16xi32>
        %add3A_39 = arith.addi %iota3A, %add3A_38 : vector<16xi32>
        %mul3A_40 = arith.constant 5 : i32
        %mul3A_41 = vector.broadcast %mul3A_40 : i32 to vector<16xi32>
        %mul3A_42 = arith.muli %add3A_36, %mul3A_41 : vector<16xi32>
        %gather3A = tpu.vector_load_idx %arg7[%mul3A_42, %add3A_39] : memref<320x128xf32, #tpu.memory_space<vmem>>[vector<16xi32>, vector<16xi32>], vector<16xf32>,
        %mul3A_43 = arith.constant 5 : i32
        %mul3A_44 = vector.broadcast %mul3A_43 : i32 to vector<16xi32>
        %mul3A_45 = arith.muli %add3A_36, %mul3A_44 : vector<16xi32>
        %add3A_46 = arith.constant 1 : i32
        %add3A_47 = vector.broadcast %add3A_46 : i32 to vector<16xi32>
        %add3A_48 = arith.addi %mul3A_45, %add3A_47 : vector<16xi32>
        %gather3A_49 = tpu.vector_load_idx %arg7[%add3A_48, %add3A_39] : memref<320x128xf32, #tpu.memory_space<vmem>>[vector<16xi32>, vector<16xi32>], vector<16xf32>,
        %max3A = arith.maximumf %gather3A, %gather3A_49 : vector<16xf32>
        %mul3A_50 = arith.constant 5 : i32
        %mul3A_51 = vector.broadcast %mul3A_50 : i32 to vector<16xi32>
        %mul3A_52 = arith.muli %add3A_36, %mul3A_51 : vector<16xi32>
        %add3A_53 = arith.constant 2 : i32
        %add3A_54 = vector.broadcast %add3A_53 : i32 to vector<16xi32>
        %add3A_55 = arith.addi %mul3A_52, %add3A_54 : vector<16xi32>
        %gather3A_56 = tpu.vector_load_idx %arg7[%add3A_55, %add3A_39] : memref<320x128xf32, #tpu.memory_space<vmem>>[vector<16xi32>, vector<16xi32>], vector<16xf32>,
        %max3A_57 = arith.maximumf %max3A, %gather3A_56 : vector<16xf32>
        %mul3A_58 = arith.constant 5 : i32
        %mul3A_59 = vector.broadcast %mul3A_58 : i32 to vector<16xi32>
        %mul3A_60 = arith.muli %add3A_36, %mul3A_59 : vector<16xi32>
        %add3A_61 = arith.constant 3 : i32
        %add3A_62 = vector.broadcast %add3A_61 : i32 to vector<16xi32>
        %add3A_63 = arith.addi %mul3A_60, %add3A_62 : vector<16xi32>
        %gather3A_64 = tpu.vector_load_idx %arg7[%add3A_63, %add3A_39] : memref<320x128xf32, #tpu.memory_space<vmem>>[vector<16xi32>, vector<16xi32>], vector<16xf32>,
        %max3A_65 = arith.maximumf %max3A_57, %gather3A_64 : vector<16xf32>
        %mul3A_66 = arith.constant 5 : i32
        %mul3A_67 = vector.broadcast %mul3A_66 : i32 to vector<16xi32>
        %mul3A_68 = arith.muli %add3A_36, %mul3A_67 : vector<16xi32>
        %add3A_69 = arith.constant 4 : i32
        %add3A_70 = vector.broadcast %add3A_69 : i32 to vector<16xi32>
        %add3A_71 = arith.addi %mul3A_68, %add3A_70 : vector<16xi32>
        %gather3A_72 = tpu.vector_load_idx %arg7[%add3A_71, %add3A_39] : memref<320x128xf32, #tpu.memory_space<vmem>>[vector<16xi32>, vector<16xi32>], vector<16xf32>,
        %max3A_73 = arith.maximumf %max3A_65, %gather3A_72 : vector<16xf32>
        %mul3A_74 = arith.constant 128 : i32
        %mul3A_75 = vector.broadcast %mul3A_74 : i32 to vector<16xi32>
        %mul3A_76 = arith.muli %add3A_36, %mul3A_75 : vector<16xi32>
        %add3A_77 = arith.addi %mul3A_76, %add3A_39 : vector<16xi32>
        %gather3A_78 = tpu.vector_load_idx %arg6[%add3A_77] : memref<8192xf32, #tpu.memory_space<vmem>>[vector<16xi32>], vector<16xf32>,
        %add3A_79 = arith.addf %gather3A_78, %max3A_73 : vector<16xf32>
        %mul3A_80 = arith.constant 128 : i32
        %mul3A_81 = vector.broadcast %mul3A_80 : i32 to vector<16xi32>
        %mul3A_82 = arith.muli %add3A_36, %mul3A_81 : vector<16xi32>
        %add3A_83 = arith.addi %mul3A_82, %add3A_39 : vector<16xi32>
        tpu.vector_store_idx %arg9[%add3A_83], %add3A_79 : memref<8192xf32, #tpu.memory_space<vmem>>[vector<16xi32>], vector<16xf32>,
        %iota3A_84 = tpu.iota {dimensions = array<i32: 0>} : vector<16xi32>
        %add3A_85 = arith.constant 16 : i32
        %add3A_86 = vector.broadcast %add3A_85 : i32 to vector<16xi32>
        %add3A_87 = arith.addi %iota3A_84, %add3A_86 : vector<16xi32>
        %mul3A_88 = arith.constant 5 : i32
        %mul3A_89 = vector.broadcast %mul3A_88 : i32 to vector<16xi32>
        %mul3A_90 = arith.muli %add3A_36, %mul3A_89 : vector<16xi32>
        %gather3A_91 = tpu.vector_load_idx %arg7[%mul3A_90, %add3A_87] : memref<320x128xf32, #tpu.memory_space<vmem>>[vector<16xi32>, vector<16xi32>], vector<16xf32>,
        %mul3A_92 = arith.constant 5 : i32
        %mul3A_93 = vector.broadcast %mul3A_92 : i32 to vector<16xi32>
        %mul3A_94 = arith.muli %add3A_36, %mul3A_93 : vector<16xi32>
        %add3A_95 = arith.constant 1 : i32
        %add3A_96 = vector.broadcast %add3A_95 : i32 to vector<16xi32>
        %add3A_97 = arith.addi %mul3A_94, %add3A_96 : vector<16xi32>
        %gather3A_98 = tpu.vector_load_idx %arg7[%add3A_97, %add3A_87] : memref<320x128xf32, #tpu.memory_space<vmem>>[vector<16xi32>, vector<16xi32>], vector<16xf32>,
        %max3A_99 = arith.maximumf %gather3A_91, %gather3A_98 : vector<16xf32>
        %mul3A_100 = arith.constant 5 : i32
        %mul3A_101 = vector.broadcast %mul3A_100 : i32 to vector<16xi32>
        %mul3A_102 = arith.muli %add3A_36, %mul3A_101 : vector<16xi32>
        %add3A_103 = arith.constant 2 : i32
        %add3A_104 = vector.broadcast %add3A_103 : i32 to vector<16xi32>
        %add3A_105 = arith.addi %mul3A_102, %add3A_104 : vector<16xi32>
        %gather3A_106 = tpu.vector_load_idx %arg7[%add3A_105, %add3A_87] : memref<320x128xf32, #tpu.memory_space<vmem>>[vector<16xi32>, vector<16xi32>], vector<16xf32>,
        %max3A_107 = arith.maximumf %max3A_99, %gather3A_106 : vector<16xf32>
        %mul3A_108 = arith.constant 5 : i32
        %mul3A_109 = vector.broadcast %mul3A_108 : i32 to vector<16xi32>
        %mul3A_110 = arith.muli %add3A_36, %mul3A_109 : vector<16xi32>
        %add3A_111 = arith.constant 3 : i32
        %add3A_112 = vector.broadcast %add3A_111 : i32 to vector<16xi32>
        %add3A_113 = arith.addi %mul3A_110, %add3A_112 : vector<16xi32>
        %gather3A_114 = tpu.vector_load_idx %arg7[%add3A_113, %add3A_87] : memref<320x128xf32, #tpu.memory_space<vmem>>[vector<16xi32>, vector<16xi32>], vector<16xf32>,
        %max3A_115 = arith.maximumf %max3A_107, %gather3A_114 : vector<16xf32>
        %mul3A_116 = arith.constant 5 : i32
        %mul3A_117 = vector.broadcast %mul3A_116 : i32 to vector<16xi32>
        %mul3A_118 = arith.muli %add3A_36, %mul3A_117 : vector<16xi32>
        %add3A_119 = arith.constant 4 : i32
        %add3A_120 = vector.broadcast %add3A_119 : i32 to vector<16xi32>
        %add3A_121 = arith.addi %mul3A_118, %add3A_120 : vector<16xi32>
        %gather3A_122 = tpu.vector_load_idx %arg7[%add3A_121, %add3A_87] : memref<320x128xf32, #tpu.memory_space<vmem>>[vector<16xi32>, vector<16xi32>], vector<16xf32>,
        %max3A_123 = arith.maximumf %max3A_115, %gather3A_122 : vector<16xf32>
        %mul3A_124 = arith.constant 128 : i32
        %mul3A_125 = vector.broadcast %mul3A_124 : i32 to vector<16xi32>
        %mul3A_126 = arith.muli %add3A_36, %mul3A_125 : vector<16xi32>
        %add3A_127 = arith.addi %mul3A_126, %add3A_87 : vector<16xi32>
        %gather3A_128 = tpu.vector_load_idx %arg6[%add3A_127] : memref<8192xf32, #tpu.memory_space<vmem>>[vector<16xi32>], vector<16xf32>,
        %add3A_129 = arith.addf %gather3A_128, %max3A_123 : vector<16xf32>
        %mul3A_130 = arith.constant 128 : i32
        %mul3A_131 = vector.broadcast %mul3A_130 : i32 to vector<16xi32>
        %mul3A_132 = arith.muli %add3A_36, %mul3A_131 : vector<16xi32>
        %add3A_133 = arith.addi %mul3A_132, %add3A_87 : vector<16xi32>
        tpu.vector_store_idx %arg9[%add3A_133], %add3A_129 : memref<8192xf32, #tpu.memory_space<vmem>>[vector<16xi32>], vector<16xf32>,
        %iota3A_134 = tpu.iota {dimensions = array<i32: 0>} : vector<16xi32>
        %add3A_135 = arith.constant 32 : i32
        %add3A_136 = vector.broadcast %add3A_135 : i32 to vector<16xi32>
        %add3A_137 = arith.addi %iota3A_134, %add3A_136 : vector<16xi32>
        %mul3A_138 = arith.constant 5 : i32
        %mul3A_139 = vector.broadcast %mul3A_138 : i32 to vector<16xi32>
        %mul3A_140 = arith.muli %add3A_36, %mul3A_139 : vector<16xi32>
        %gather3A_141 = tpu.vector_load_idx %arg7[%mul3A_140, %add3A_137] : memref<320x128xf32, #tpu.memory_space<vmem>>[vector<16xi32>, vector<16xi32>], vector<16xf32>,
        %mul3A_142 = arith.constant 5 : i32
        %mul3A_143 = vector.broadcast %mul3A_142 : i32 to vector<16xi32>
        %mul3A_144 = arith.muli %add3A_36, %mul3A_143 : vector<16xi32>
        %add3A_145 = arith.constant 1 : i32
        %add3A_146 = vector.broadcast %add3A_145 : i32 to vector<16xi32>
        %add3A_147 = arith.addi %mul3A_144, %add3A_146 : vector<16xi32>
        %gather3A_148 = tpu.vector_load_idx %arg7[%add3A_147, %add3A_137] : memref<320x128xf32, #tpu.memory_space<vmem>>[vector<16xi32>, vector<16xi32>], vector<16xf32>,
        %max3A_149 = arith.maximumf %gather3A_141, %gather3A_148 : vector<16xf32>
        %mul3A_150 = arith.constant 5 : i32
        %mul3A_151 = vector.broadcast %mul3A_150 : i32 to vector<16xi32>
        %mul3A_152 = arith.muli %add3A_36, %mul3A_151 : vector<16xi32>
        %add3A_153 = arith.constant 2 : i32
        %add3A_154 = vector.broadcast %add3A_153 : i32 to vector<16xi32>
        %add3A_155 = arith.addi %mul3A_152, %add3A_154 : vector<16xi32>
        %gather3A_156 = tpu.vector_load_idx %arg7[%add3A_155, %add3A_137] : memref<320x128xf32, #tpu.memory_space<vmem>>[vector<16xi32>, vector<16xi32>], vector<16xf32>,
        %max3A_157 = arith.maximumf %max3A_149, %gather3A_156 : vector<16xf32>
        %mul3A_158 = arith.constant 5 : i32
        %mul3A_159 = vector.broadcast %mul3A_158 : i32 to vector<16xi32>
        %mul3A_160 = arith.muli %add3A_36, %mul3A_159 : vector<16xi32>
        %add3A_161 = arith.constant 3 : i32
        %add3A_162 = vector.broadcast %add3A_161 : i32 to vector<16xi32>
        %add3A_163 = arith.addi %mul3A_160, %add3A_162 : vector<16xi32>
        %gather3A_164 = tpu.vector_load_idx %arg7[%add3A_163, %add3A_137] : memref<320x128xf32, #tpu.memory_space<vmem>>[vector<16xi32>, vector<16xi32>], vector<16xf32>,
        %max3A_165 = arith.maximumf %max3A_157, %gather3A_164 : vector<16xf32>
        %mul3A_166 = arith.constant 5 : i32
        %mul3A_167 = vector.broadcast %mul3A_166 : i32 to vector<16xi32>
        %mul3A_168 = arith.muli %add3A_36, %mul3A_167 : vector<16xi32>
        %add3A_169 = arith.constant 4 : i32
        %add3A_170 = vector.broadcast %add3A_169 : i32 to vector<16xi32>
        %add3A_171 = arith.addi %mul3A_168, %add3A_170 : vector<16xi32>
        %gather3A_172 = tpu.vector_load_idx %arg7[%add3A_171, %add3A_137] : memref<320x128xf32, #tpu.memory_space<vmem>>[vector<16xi32>, vector<16xi32>], vector<16xf32>,
        %max3A_173 = arith.maximumf %max3A_165, %gather3A_172 : vector<16xf32>
        %mul3A_174 = arith.constant 128 : i32
        %mul3A_175 = vector.broadcast %mul3A_174 : i32 to vector<16xi32>
        %mul3A_176 = arith.muli %add3A_36, %mul3A_175 : vector<16xi32>
        %add3A_177 = arith.addi %mul3A_176, %add3A_137 : vector<16xi32>
        %gather3A_178 = tpu.vector_load_idx %arg6[%add3A_177] : memref<8192xf32, #tpu.memory_space<vmem>>[vector<16xi32>], vector<16xf32>,
        %add3A_179 = arith.addf %gather3A_178, %max3A_173 : vector<16xf32>
        %mul3A_180 = arith.constant 128 : i32
        %mul3A_181 = vector.broadcast %mul3A_180 : i32 to vector<16xi32>
        %mul3A_182 = arith.muli %add3A_36, %mul3A_181 : vector<16xi32>
        %add3A_183 = arith.addi %mul3A_182, %add3A_137 : vector<16xi32>
        tpu.vector_store_idx %arg9[%add3A_183], %add3A_179 : memref<8192xf32, #tpu.memory_space<vmem>>[vector<16xi32>], vector<16xf32>,
        %iota3A_184 = tpu.iota {dimensions = array<i32: 0>} : vector<16xi32>
        %add3A_185 = arith.constant 48 : i32
        %add3A_186 = vector.broadcast %add3A_185 : i32 to vector<16xi32>
        %add3A_187 = arith.addi %iota3A_184, %add3A_186 : vector<16xi32>
        %mul3A_188 = arith.constant 5 : i32
        %mul3A_189 = vector.broadcast %mul3A_188 : i32 to vector<16xi32>
        %mul3A_190 = arith.muli %add3A_36, %mul3A_189 : vector<16xi32>
        %gather3A_191 = tpu.vector_load_idx %arg7[%mul3A_190, %add3A_187] : memref<320x128xf32, #tpu.memory_space<vmem>>[vector<16xi32>, vector<16xi32>], vector<16xf32>,
        %mul3A_192 = arith.constant 5 : i32
        %mul3A_193 = vector.broadcast %mul3A_192 : i32 to vector<16xi32>
        %mul3A_194 = arith.muli %add3A_36, %mul3A_193 : vector<16xi32>
        %add3A_195 = arith.constant 1 : i32
        %add3A_196 = vector.broadcast %add3A_195 : i32 to vector<16xi32>
        %add3A_197 = arith.addi %mul3A_194, %add3A_196 : vector<16xi32>
        %gather3A_198 = tpu.vector_load_idx %arg7[%add3A_197, %add3A_187] : memref<320x128xf32, #tpu.memory_space<vmem>>[vector<16xi32>, vector<16xi32>], vector<16xf32>,
        %max3A_199 = arith.maximumf %gather3A_191, %gather3A_198 : vector<16xf32>
        %mul3A_200 = arith.constant 5 : i32
        %mul3A_201 = vector.broadcast %mul3A_200 : i32 to vector<16xi32>
        %mul3A_202 = arith.muli %add3A_36, %mul3A_201 : vector<16xi32>
        %add3A_203 = arith.constant 2 : i32
        %add3A_204 = vector.broadcast %add3A_203 : i32 to vector<16xi32>
        %add3A_205 = arith.addi %mul3A_202, %add3A_204 : vector<16xi32>
        %gather3A_206 = tpu.vector_load_idx %arg7[%add3A_205, %add3A_187] : memref<320x128xf32, #tpu.memory_space<vmem>>[vector<16xi32>, vector<16xi32>], vector<16xf32>,
        %max3A_207 = arith.maximumf %max3A_199, %gather3A_206 : vector<16xf32>
        %mul3A_208 = arith.constant 5 : i32
        %mul3A_209 = vector.broadcast %mul3A_208 : i32 to vector<16xi32>
        %mul3A_210 = arith.muli %add3A_36, %mul3A_209 : vector<16xi32>
        %add3A_211 = arith.constant 3 : i32
        %add3A_212 = vector.broadcast %add3A_211 : i32 to vector<16xi32>
        %add3A_213 = arith.addi %mul3A_210, %add3A_212 : vector<16xi32>
        %gather3A_214 = tpu.vector_load_idx %arg7[%add3A_213, %add3A_187] : memref<320x128xf32, #tpu.memory_space<vmem>>[vector<16xi32>, vector<16xi32>], vector<16xf32>,
        %max3A_215 = arith.maximumf %max3A_207, %gather3A_214 : vector<16xf32>
        %mul3A_216 = arith.constant 5 : i32
        %mul3A_217 = vector.broadcast %mul3A_216 : i32 to vector<16xi32>
        %mul3A_218 = arith.muli %add3A_36, %mul3A_217 : vector<16xi32>
        %add3A_219 = arith.constant 4 : i32
        %add3A_220 = vector.broadcast %add3A_219 : i32 to vector<16xi32>
        %add3A_221 = arith.addi %mul3A_218, %add3A_220 : vector<16xi32>
        %gather3A_222 = tpu.vector_load_idx %arg7[%add3A_221, %add3A_187] : memref<320x128xf32, #tpu.memory_space<vmem>>[vector<16xi32>, vector<16xi32>], vector<16xf32>,
        %max3A_223 = arith.maximumf %max3A_215, %gather3A_222 : vector<16xf32>
        %mul3A_224 = arith.constant 128 : i32
        %mul3A_225 = vector.broadcast %mul3A_224 : i32 to vector<16xi32>
        %mul3A_226 = arith.muli %add3A_36, %mul3A_225 : vector<16xi32>
        %add3A_227 = arith.addi %mul3A_226, %add3A_187 : vector<16xi32>
        %gather3A_228 = tpu.vector_load_idx %arg6[%add3A_227] : memref<8192xf32, #tpu.memory_space<vmem>>[vector<16xi32>], vector<16xf32>,
        %add3A_229 = arith.addf %gather3A_228, %max3A_223 : vector<16xf32>
        %mul3A_230 = arith.constant 128 : i32
        %mul3A_231 = vector.broadcast %mul3A_230 : i32 to vector<16xi32>
        %mul3A_232 = arith.muli %add3A_36, %mul3A_231 : vector<16xi32>
        %add3A_233 = arith.addi %mul3A_232, %add3A_187 : vector<16xi32>
        tpu.vector_store_idx %arg9[%add3A_233], %add3A_229 : memref<8192xf32, #tpu.memory_space<vmem>>[vector<16xi32>], vector<16xf32>,
        %iota3A_234 = tpu.iota {dimensions = array<i32: 0>} : vector<16xi32>
        %add3A_235 = arith.constant 64 : i32
        %add3A_236 = vector.broadcast %add3A_235 : i32 to vector<16xi32>
        %add3A_237 = arith.addi %iota3A_234, %add3A_236 : vector<16xi32>
        %mul3A_238 = arith.constant 5 : i32
        %mul3A_239 = vector.broadcast %mul3A_238 : i32 to vector<16xi32>
        %mul3A_240 = arith.muli %add3A_36, %mul3A_239 : vector<16xi32>
        %gather3A_241 = tpu.vector_load_idx %arg7[%mul3A_240, %add3A_237] : memref<320x128xf32, #tpu.memory_space<vmem>>[vector<16xi32>, vector<16xi32>], vector<16xf32>,
        %mul3A_242 = arith.constant 5 : i32
        %mul3A_243 = vector.broadcast %mul3A_242 : i32 to vector<16xi32>
        %mul3A_244 = arith.muli %add3A_36, %mul3A_243 : vector<16xi32>
        %add3A_245 = arith.constant 1 : i32
        %add3A_246 = vector.broadcast %add3A_245 : i32 to vector<16xi32>
        %add3A_247 = arith.addi %mul3A_244, %add3A_246 : vector<16xi32>
        %gather3A_248 = tpu.vector_load_idx %arg7[%add3A_247, %add3A_237] : memref<320x128xf32, #tpu.memory_space<vmem>>[vector<16xi32>, vector<16xi32>], vector<16xf32>,
        %max3A_249 = arith.maximumf %gather3A_241, %gather3A_248 : vector<16xf32>
        %mul3A_250 = arith.constant 5 : i32
        %mul3A_251 = vector.broadcast %mul3A_250 : i32 to vector<16xi32>
        %mul3A_252 = arith.muli %add3A_36, %mul3A_251 : vector<16xi32>
        %add3A_253 = arith.constant 2 : i32
        %add3A_254 = vector.broadcast %add3A_253 : i32 to vector<16xi32>
        %add3A_255 = arith.addi %mul3A_252, %add3A_254 : vector<16xi32>
        %gather3A_256 = tpu.vector_load_idx %arg7[%add3A_255, %add3A_237] : memref<320x128xf32, #tpu.memory_space<vmem>>[vector<16xi32>, vector<16xi32>], vector<16xf32>,
        %max3A_257 = arith.maximumf %max3A_249, %gather3A_256 : vector<16xf32>
        %mul3A_258 = arith.constant 5 : i32
        %mul3A_259 = vector.broadcast %mul3A_258 : i32 to vector<16xi32>
        %mul3A_260 = arith.muli %add3A_36, %mul3A_259 : vector<16xi32>
        %add3A_261 = arith.constant 3 : i32
        %add3A_262 = vector.broadcast %add3A_261 : i32 to vector<16xi32>
        %add3A_263 = arith.addi %mul3A_260, %add3A_262 : vector<16xi32>
        %gather3A_264 = tpu.vector_load_idx %arg7[%add3A_263, %add3A_237] : memref<320x128xf32, #tpu.memory_space<vmem>>[vector<16xi32>, vector<16xi32>], vector<16xf32>,
        %max3A_265 = arith.maximumf %max3A_257, %gather3A_264 : vector<16xf32>
        %mul3A_266 = arith.constant 5 : i32
        %mul3A_267 = vector.broadcast %mul3A_266 : i32 to vector<16xi32>
        %mul3A_268 = arith.muli %add3A_36, %mul3A_267 : vector<16xi32>
        %add3A_269 = arith.constant 4 : i32
        %add3A_270 = vector.broadcast %add3A_269 : i32 to vector<16xi32>
        %add3A_271 = arith.addi %mul3A_268, %add3A_270 : vector<16xi32>
        %gather3A_272 = tpu.vector_load_idx %arg7[%add3A_271, %add3A_237] : memref<320x128xf32, #tpu.memory_space<vmem>>[vector<16xi32>, vector<16xi32>], vector<16xf32>,
        %max3A_273 = arith.maximumf %max3A_265, %gather3A_272 : vector<16xf32>
        %mul3A_274 = arith.constant 128 : i32
        %mul3A_275 = vector.broadcast %mul3A_274 : i32 to vector<16xi32>
        %mul3A_276 = arith.muli %add3A_36, %mul3A_275 : vector<16xi32>
        %add3A_277 = arith.addi %mul3A_276, %add3A_237 : vector<16xi32>
        %gather3A_278 = tpu.vector_load_idx %arg6[%add3A_277] : memref<8192xf32, #tpu.memory_space<vmem>>[vector<16xi32>], vector<16xf32>,
        %add3A_279 = arith.addf %gather3A_278, %max3A_273 : vector<16xf32>
        %mul3A_280 = arith.constant 128 : i32
        %mul3A_281 = vector.broadcast %mul3A_280 : i32 to vector<16xi32>
        %mul3A_282 = arith.muli %add3A_36, %mul3A_281 : vector<16xi32>
        %add3A_283 = arith.addi %mul3A_282, %add3A_237 : vector<16xi32>
        tpu.vector_store_idx %arg9[%add3A_283], %add3A_279 : memref<8192xf32, #tpu.memory_space<vmem>>[vector<16xi32>], vector<16xf32>,
        %iota3A_284 = tpu.iota {dimensions = array<i32: 0>} : vector<16xi32>
        %add3A_285 = arith.constant 80 : i32
        %add3A_286 = vector.broadcast %add3A_285 : i32 to vector<16xi32>
        %add3A_287 = arith.addi %iota3A_284, %add3A_286 : vector<16xi32>
        %mul3A_288 = arith.constant 5 : i32
        %mul3A_289 = vector.broadcast %mul3A_288 : i32 to vector<16xi32>
        %mul3A_290 = arith.muli %add3A_36, %mul3A_289 : vector<16xi32>
        %gather3A_291 = tpu.vector_load_idx %arg7[%mul3A_290, %add3A_287] : memref<320x128xf32, #tpu.memory_space<vmem>>[vector<16xi32>, vector<16xi32>], vector<16xf32>,
        %mul3A_292 = arith.constant 5 : i32
        %mul3A_293 = vector.broadcast %mul3A_292 : i32 to vector<16xi32>
        %mul3A_294 = arith.muli %add3A_36, %mul3A_293 : vector<16xi32>
        %add3A_295 = arith.constant 1 : i32
        %add3A_296 = vector.broadcast %add3A_295 : i32 to vector<16xi32>
        %add3A_297 = arith.addi %mul3A_294, %add3A_296 : vector<16xi32>
        %gather3A_298 = tpu.vector_load_idx %arg7[%add3A_297, %add3A_287] : memref<320x128xf32, #tpu.memory_space<vmem>>[vector<16xi32>, vector<16xi32>], vector<16xf32>,
        %max3A_299 = arith.maximumf %gather3A_291, %gather3A_298 : vector<16xf32>
        %mul3A_300 = arith.constant 5 : i32
        %mul3A_301 = vector.broadcast %mul3A_300 : i32 to vector<16xi32>
        %mul3A_302 = arith.muli %add3A_36, %mul3A_301 : vector<16xi32>
        %add3A_303 = arith.constant 2 : i32
        %add3A_304 = vector.broadcast %add3A_303 : i32 to vector<16xi32>
        %add3A_305 = arith.addi %mul3A_302, %add3A_304 : vector<16xi32>
        %gather3A_306 = tpu.vector_load_idx %arg7[%add3A_305, %add3A_287] : memref<320x128xf32, #tpu.memory_space<vmem>>[vector<16xi32>, vector<16xi32>], vector<16xf32>,
        %max3A_307 = arith.maximumf %max3A_299, %gather3A_306 : vector<16xf32>
        %mul3A_308 = arith.constant 5 : i32
        %mul3A_309 = vector.broadcast %mul3A_308 : i32 to vector<16xi32>
        %mul3A_310 = arith.muli %add3A_36, %mul3A_309 : vector<16xi32>
        %add3A_311 = arith.constant 3 : i32
        %add3A_312 = vector.broadcast %add3A_311 : i32 to vector<16xi32>
        %add3A_313 = arith.addi %mul3A_310, %add3A_312 : vector<16xi32>
        %gather3A_314 = tpu.vector_load_idx %arg7[%add3A_313, %add3A_287] : memref<320x128xf32, #tpu.memory_space<vmem>>[vector<16xi32>, vector<16xi32>], vector<16xf32>,
        %max3A_315 = arith.maximumf %max3A_307, %gather3A_314 : vector<16xf32>
        %mul3A_316 = arith.constant 5 : i32
        %mul3A_317 = vector.broadcast %mul3A_316 : i32 to vector<16xi32>
        %mul3A_318 = arith.muli %add3A_36, %mul3A_317 : vector<16xi32>
        %add3A_319 = arith.constant 4 : i32
        %add3A_320 = vector.broadcast %add3A_319 : i32 to vector<16xi32>
        %add3A_321 = arith.addi %mul3A_318, %add3A_320 : vector<16xi32>
        %gather3A_322 = tpu.vector_load_idx %arg7[%add3A_321, %add3A_287] : memref<320x128xf32, #tpu.memory_space<vmem>>[vector<16xi32>, vector<16xi32>], vector<16xf32>,
        %max3A_323 = arith.maximumf %max3A_315, %gather3A_322 : vector<16xf32>
        %mul3A_324 = arith.constant 128 : i32
        %mul3A_325 = vector.broadcast %mul3A_324 : i32 to vector<16xi32>
        %mul3A_326 = arith.muli %add3A_36, %mul3A_325 : vector<16xi32>
        %add3A_327 = arith.addi %mul3A_326, %add3A_287 : vector<16xi32>
        %gather3A_328 = tpu.vector_load_idx %arg6[%add3A_327] : memref<8192xf32, #tpu.memory_space<vmem>>[vector<16xi32>], vector<16xf32>,
        %add3A_329 = arith.addf %gather3A_328, %max3A_323 : vector<16xf32>
        %mul3A_330 = arith.constant 128 : i32
        %mul3A_331 = vector.broadcast %mul3A_330 : i32 to vector<16xi32>
        %mul3A_332 = arith.muli %add3A_36, %mul3A_331 : vector<16xi32>
        %add3A_333 = arith.addi %mul3A_332, %add3A_287 : vector<16xi32>
        tpu.vector_store_idx %arg9[%add3A_333], %add3A_329 : memref<8192xf32, #tpu.memory_space<vmem>>[vector<16xi32>], vector<16xf32>,
        %iota3A_334 = tpu.iota {dimensions = array<i32: 0>} : vector<16xi32>
        %add3A_335 = arith.constant 96 : i32
        %add3A_336 = vector.broadcast %add3A_335 : i32 to vector<16xi32>
        %add3A_337 = arith.addi %iota3A_334, %add3A_336 : vector<16xi32>
        %mul3A_338 = arith.constant 5 : i32
        %mul3A_339 = vector.broadcast %mul3A_338 : i32 to vector<16xi32>
        %mul3A_340 = arith.muli %add3A_36, %mul3A_339 : vector<16xi32>
        %gather3A_341 = tpu.vector_load_idx %arg7[%mul3A_340, %add3A_337] : memref<320x128xf32, #tpu.memory_space<vmem>>[vector<16xi32>, vector<16xi32>], vector<16xf32>,
        %mul3A_342 = arith.constant 5 : i32
        %mul3A_343 = vector.broadcast %mul3A_342 : i32 to vector<16xi32>
        %mul3A_344 = arith.muli %add3A_36, %mul3A_343 : vector<16xi32>
        %add3A_345 = arith.constant 1 : i32
        %add3A_346 = vector.broadcast %add3A_345 : i32 to vector<16xi32>
        %add3A_347 = arith.addi %mul3A_344, %add3A_346 : vector<16xi32>
        %gather3A_348 = tpu.vector_load_idx %arg7[%add3A_347, %add3A_337] : memref<320x128xf32, #tpu.memory_space<vmem>>[vector<16xi32>, vector<16xi32>], vector<16xf32>,
        %max3A_349 = arith.maximumf %gather3A_341, %gather3A_348 : vector<16xf32>
        %mul3A_350 = arith.constant 5 : i32
        %mul3A_351 = vector.broadcast %mul3A_350 : i32 to vector<16xi32>
        %mul3A_352 = arith.muli %add3A_36, %mul3A_351 : vector<16xi32>
        %add3A_353 = arith.constant 2 : i32
        %add3A_354 = vector.broadcast %add3A_353 : i32 to vector<16xi32>
        %add3A_355 = arith.addi %mul3A_352, %add3A_354 : vector<16xi32>
        %gather3A_356 = tpu.vector_load_idx %arg7[%add3A_355, %add3A_337] : memref<320x128xf32, #tpu.memory_space<vmem>>[vector<16xi32>, vector<16xi32>], vector<16xf32>,
        %max3A_357 = arith.maximumf %max3A_349, %gather3A_356 : vector<16xf32>
        %mul3A_358 = arith.constant 5 : i32
        %mul3A_359 = vector.broadcast %mul3A_358 : i32 to vector<16xi32>
        %mul3A_360 = arith.muli %add3A_36, %mul3A_359 : vector<16xi32>
        %add3A_361 = arith.constant 3 : i32
        %add3A_362 = vector.broadcast %add3A_361 : i32 to vector<16xi32>
        %add3A_363 = arith.addi %mul3A_360, %add3A_362 : vector<16xi32>
        %gather3A_364 = tpu.vector_load_idx %arg7[%add3A_363, %add3A_337] : memref<320x128xf32, #tpu.memory_space<vmem>>[vector<16xi32>, vector<16xi32>], vector<16xf32>,
        %max3A_365 = arith.maximumf %max3A_357, %gather3A_364 : vector<16xf32>
        %mul3A_366 = arith.constant 5 : i32
        %mul3A_367 = vector.broadcast %mul3A_366 : i32 to vector<16xi32>
        %mul3A_368 = arith.muli %add3A_36, %mul3A_367 : vector<16xi32>
        %add3A_369 = arith.constant 4 : i32
        %add3A_370 = vector.broadcast %add3A_369 : i32 to vector<16xi32>
        %add3A_371 = arith.addi %mul3A_368, %add3A_370 : vector<16xi32>
        %gather3A_372 = tpu.vector_load_idx %arg7[%add3A_371, %add3A_337] : memref<320x128xf32, #tpu.memory_space<vmem>>[vector<16xi32>, vector<16xi32>], vector<16xf32>,
        %max3A_373 = arith.maximumf %max3A_365, %gather3A_372 : vector<16xf32>
        %mul3A_374 = arith.constant 128 : i32
        %mul3A_375 = vector.broadcast %mul3A_374 : i32 to vector<16xi32>
        %mul3A_376 = arith.muli %add3A_36, %mul3A_375 : vector<16xi32>
        %add3A_377 = arith.addi %mul3A_376, %add3A_337 : vector<16xi32>
        %gather3A_378 = tpu.vector_load_idx %arg6[%add3A_377] : memref<8192xf32, #tpu.memory_space<vmem>>[vector<16xi32>], vector<16xf32>,
        %add3A_379 = arith.addf %gather3A_378, %max3A_373 : vector<16xf32>
        %mul3A_380 = arith.constant 128 : i32
        %mul3A_381 = vector.broadcast %mul3A_380 : i32 to vector<16xi32>
        %mul3A_382 = arith.muli %add3A_36, %mul3A_381 : vector<16xi32>
        %add3A_383 = arith.addi %mul3A_382, %add3A_337 : vector<16xi32>
        tpu.vector_store_idx %arg9[%add3A_383], %add3A_379 : memref<8192xf32, #tpu.memory_space<vmem>>[vector<16xi32>], vector<16xf32>,
        %iota3A_384 = tpu.iota {dimensions = array<i32: 0>} : vector<16xi32>
        %add3A_385 = arith.constant 112 : i32
        %add3A_386 = vector.broadcast %add3A_385 : i32 to vector<16xi32>
        %add3A_387 = arith.addi %iota3A_384, %add3A_386 : vector<16xi32>
        %mul3A_388 = arith.constant 5 : i32
        %mul3A_389 = vector.broadcast %mul3A_388 : i32 to vector<16xi32>
        %mul3A_390 = arith.muli %add3A_36, %mul3A_389 : vector<16xi32>
        %gather3A_391 = tpu.vector_load_idx %arg7[%mul3A_390, %add3A_387] : memref<320x128xf32, #tpu.memory_space<vmem>>[vector<16xi32>, vector<16xi32>], vector<16xf32>,
        %mul3A_392 = arith.constant 5 : i32
        %mul3A_393 = vector.broadcast %mul3A_392 : i32 to vector<16xi32>
        %mul3A_394 = arith.muli %add3A_36, %mul3A_393 : vector<16xi32>
        %add3A_395 = arith.constant 1 : i32
        %add3A_396 = vector.broadcast %add3A_395 : i32 to vector<16xi32>
        %add3A_397 = arith.addi %mul3A_394, %add3A_396 : vector<16xi32>
        %gather3A_398 = tpu.vector_load_idx %arg7[%add3A_397, %add3A_387] : memref<320x128xf32, #tpu.memory_space<vmem>>[vector<16xi32>, vector<16xi32>], vector<16xf32>,
        %max3A_399 = arith.maximumf %gather3A_391, %gather3A_398 : vector<16xf32>
        %mul3A_400 = arith.constant 5 : i32
        %mul3A_401 = vector.broadcast %mul3A_400 : i32 to vector<16xi32>
        %mul3A_402 = arith.muli %add3A_36, %mul3A_401 : vector<16xi32>
        %add3A_403 = arith.constant 2 : i32
        %add3A_404 = vector.broadcast %add3A_403 : i32 to vector<16xi32>
        %add3A_405 = arith.addi %mul3A_402, %add3A_404 : vector<16xi32>
        %gather3A_406 = tpu.vector_load_idx %arg7[%add3A_405, %add3A_387] : memref<320x128xf32, #tpu.memory_space<vmem>>[vector<16xi32>, vector<16xi32>], vector<16xf32>,
        %max3A_407 = arith.maximumf %max3A_399, %gather3A_406 : vector<16xf32>
        %mul3A_408 = arith.constant 5 : i32
        %mul3A_409 = vector.broadcast %mul3A_408 : i32 to vector<16xi32>
        %mul3A_410 = arith.muli %add3A_36, %mul3A_409 : vector<16xi32>
        %add3A_411 = arith.constant 3 : i32
        %add3A_412 = vector.broadcast %add3A_411 : i32 to vector<16xi32>
        %add3A_413 = arith.addi %mul3A_410, %add3A_412 : vector<16xi32>
        %gather3A_414 = tpu.vector_load_idx %arg7[%add3A_413, %add3A_387] : memref<320x128xf32, #tpu.memory_space<vmem>>[vector<16xi32>, vector<16xi32>], vector<16xf32>,
        %max3A_415 = arith.maximumf %max3A_407, %gather3A_414 : vector<16xf32>
        %mul3A_416 = arith.constant 5 : i32
        %mul3A_417 = vector.broadcast %mul3A_416 : i32 to vector<16xi32>
        %mul3A_418 = arith.muli %add3A_36, %mul3A_417 : vector<16xi32>
        %add3A_419 = arith.constant 4 : i32
        %add3A_420 = vector.broadcast %add3A_419 : i32 to vector<16xi32>
        %add3A_421 = arith.addi %mul3A_418, %add3A_420 : vector<16xi32>
        %gather3A_422 = tpu.vector_load_idx %arg7[%add3A_421, %add3A_387] : memref<320x128xf32, #tpu.memory_space<vmem>>[vector<16xi32>, vector<16xi32>], vector<16xf32>,
        %max3A_423 = arith.maximumf %max3A_415, %gather3A_422 : vector<16xf32>
        %mul3A_424 = arith.constant 128 : i32
        %mul3A_425 = vector.broadcast %mul3A_424 : i32 to vector<16xi32>
        %mul3A_426 = arith.muli %add3A_36, %mul3A_425 : vector<16xi32>
        %add3A_427 = arith.addi %mul3A_426, %add3A_387 : vector<16xi32>
        %gather3A_428 = tpu.vector_load_idx %arg6[%add3A_427] : memref<8192xf32, #tpu.memory_space<vmem>>[vector<16xi32>], vector<16xf32>,
        %add3A_429 = arith.addf %gather3A_428, %max3A_423 : vector<16xf32>
        %mul3A_430 = arith.constant 128 : i32
        %mul3A_431 = vector.broadcast %mul3A_430 : i32 to vector<16xi32>
        %mul3A_432 = arith.muli %add3A_36, %mul3A_431 : vector<16xi32>
        %add3A_433 = arith.addi %mul3A_432, %add3A_387 : vector<16xi32>
        tpu.vector_store_idx %arg9[%add3A_433], %add3A_429 : memref<8192xf32, #tpu.memory_space<vmem>>[vector<16xi32>], vector<16xf32>,
        %scan3A_434 = arith.constant 0 : i32
        scf.yield %scan3A_434 : i32
      }
      %scan3A_28 = arith.constant 64 : i32
      %mul3A_29 = arith.constant 128 : i32
      %mul3A_30 = arith.muli %add3A_13, %mul3A_29 : i32
      "tpu.region"() ({
        %run_scoped3A = tpu.sem_alloc : memref<!tpu.dma_semaphore, #tpu.memory_space<semaphore_mem>>
        %dma_start3A_32 = tpu.memref_slice %arg5[%mul3A_30] : memref<1310720xf32, #tpu.memory_space<hbm>> -> memref<8192xf32, #tpu.memory_space<hbm>>
        %dma_start3A_33 = tpu.memref_slice %arg5[%mul3A_30] : memref<1310720xf32, #tpu.memory_space<hbm>> -> memref<8192xf32, #tpu.memory_space<hbm>>
        tpu.enqueue_dma source(%arg9 : memref<8192xf32, #tpu.memory_space<vmem>>) target(%dma_start3A_33 : memref<8192xf32, #tpu.memory_space<hbm>>) target_semaphore(%run_scoped3A : memref<!tpu.dma_semaphore, #tpu.memory_space<semaphore_mem>>)
        %dma_wait3A_34 = tpu.memref_slice %arg5[%mul3A_30] : memref<1310720xf32, #tpu.memory_space<hbm>> -> memref<8192xf32, #tpu.memory_space<hbm>>
        %dma_wait3A_35 = tpu.memref_slice %arg5[%mul3A_30] : memref<1310720xf32, #tpu.memory_space<hbm>> -> memref<8192xf32, #tpu.memory_space<hbm>>
        tpu.wait_dma2 semaphore(%run_scoped3A : memref<!tpu.dma_semaphore, #tpu.memory_space<semaphore_mem>>) src(%arg9 : memref<8192xf32, #tpu.memory_space<vmem>>) dst(%dma_wait3A_35 : memref<8192xf32, #tpu.memory_space<hbm>>)
        tpu.yield
      }) : () -> ()
      %scan3A_31 = arith.constant 0 : i32
      scf.yield %scan3A_31 : i32
    }
    %scan3A_8 = arith.constant 5 : i32
    return
  }
}

module attributes {stable_mosaic.version = 14 : i64} {
  func.func @_ab_body(%arg0: i32, %arg1: memref<2048x8xf32, #tpu.memory_space<vmem>>, %arg2: memref<8x64xf32, #tpu.memory_space<vmem>>, %arg3: memref<8x64xf32, #tpu.memory_space<vmem>>, %arg4: memref<1x64xf32, #tpu.memory_space<vmem>>, %arg5: memref<2048x64xf32, #tpu.memory_space<vmem>>, %arg6: memref<2048x64xf32, #tpu.memory_space<vmem>>) attributes {dimension_semantics = [#tpu.dimension_semantics<arbitrary>], iteration_bounds = array<i64: 5>, scalar_prefetch = 0 : i64, scratch_operands = 0 : i64, tpu.core_type = #tpu.core_type<tc>, window_params = [{transform_indices = @transform_0, window_bounds = array<i64: 2048, 8>}, {pipeline_mode = #tpu.pipeline_mode<synchronous>, transform_indices = @transform_1, window_bounds = array<i64: 8, 64>}, {pipeline_mode = #tpu.pipeline_mode<synchronous>, transform_indices = @transform_2, window_bounds = array<i64: 8, 64>}, {pipeline_mode = #tpu.pipeline_mode<synchronous>, transform_indices = @transform_3, window_bounds = array<i64: 1, 64>}, {transform_indices = @transform_4, window_bounds = array<i64: 2048, 64>}, {transform_indices = @transform_5, window_bounds = array<i64: 2048, 64>}]} {
    %get3A = arith.constant 0 : index
    %get3A_0 = arith.constant 0 : index
    %get3A_1 = vector.load %arg1[%get3A, %get3A_0] : memref<2048x8xf32, #tpu.memory_space<vmem>>, vector<2048x8xf32>
    %get3A_2 = arith.constant 0 : index
    %get3A_3 = arith.constant 0 : index
    %get3A_4 = vector.load %arg2[%get3A_2, %get3A_3] : memref<8x64xf32, #tpu.memory_space<vmem>>, vector<8x64xf32>
    %dot_general3A = arith.constant dense<0.000000e+00> : vector<2048x64xf32>
    %dot_general3A_5 = tpu.matmul %get3A_1, %get3A_4, %dot_general3A {dimension_numbers = #tpu.dot_dimension_numbers<[1], [0], [0], [1], [0, 0, 1, 1], [], []>, transpose_lhs_hint = false} : vector<2048x8xf32>, vector<8x64xf32>, vector<2048x64xf32> -> vector<2048x64xf32>
    %get3A_6 = arith.constant 0 : index
    %get3A_7 = arith.constant 0 : index
    %get3A_8 = vector.load %arg4[%get3A_6, %get3A_7] : memref<1x64xf32, #tpu.memory_space<vmem>>, vector<1x64xf32>
    %add3A = vector.broadcast %get3A_8 : vector<1x64xf32> to vector<2048x64xf32>
    %add3A_9 = arith.addf %dot_general3A_5, %add3A : vector<2048x64xf32>
    %swap3A = arith.constant 0 : index
    %swap3A_10 = arith.constant 0 : index
    %swap3A_11 = vector.load %arg5[%swap3A, %swap3A_10] : memref<2048x64xf32, #tpu.memory_space<vmem>>, vector<2048x64xf32>
    tpu.vector_store %arg5[%swap3A, %swap3A_10], %add3A_9 {strides = array<i32>} : memref<2048x64xf32, #tpu.memory_space<vmem>>, vector<2048x64xf32>,
    %get3A_12 = arith.constant 0 : index
    %get3A_13 = arith.constant 0 : index
    %get3A_14 = vector.load %arg1[%get3A_12, %get3A_13] : memref<2048x8xf32, #tpu.memory_space<vmem>>, vector<2048x8xf32>
    %get3A_15 = arith.constant 0 : index
    %get3A_16 = arith.constant 0 : index
    %get3A_17 = vector.load %arg3[%get3A_15, %get3A_16] : memref<8x64xf32, #tpu.memory_space<vmem>>, vector<8x64xf32>
    %dot_general3A_18 = arith.constant dense<0.000000e+00> : vector<2048x64xf32>
    %dot_general3A_19 = tpu.matmul %get3A_14, %get3A_17, %dot_general3A_18 {dimension_numbers = #tpu.dot_dimension_numbers<[1], [0], [0], [1], [0, 0, 1, 1], [], []>, transpose_lhs_hint = false} : vector<2048x8xf32>, vector<8x64xf32>, vector<2048x64xf32> -> vector<2048x64xf32>
    %swap3A_20 = arith.constant 0 : index
    %swap3A_21 = arith.constant 0 : index
    %swap3A_22 = vector.load %arg6[%swap3A_20, %swap3A_21] : memref<2048x64xf32, #tpu.memory_space<vmem>>, vector<2048x64xf32>
    tpu.vector_store %arg6[%swap3A_20, %swap3A_21], %dot_general3A_19 {strides = array<i32>} : memref<2048x64xf32, #tpu.memory_space<vmem>>, vector<2048x64xf32>,
    return
  }
  func.func @transform_0(%arg0: i32) -> (i32, i32) {
    %c0_i32 = arith.constant 0 : i32
    %c0_i32_0 = arith.constant 0 : i32
    return %arg0, %c0_i32 : i32, i32
  }
  func.func @transform_1(%arg0: i32) -> (i32, i32) {
    %c0_i32 = arith.constant 0 : i32
    %c0_i32_0 = arith.constant 0 : i32
    %c0_i32_1 = arith.constant 0 : i32
    return %c0_i32, %c0_i32_0 : i32, i32
  }
  func.func @transform_2(%arg0: i32) -> (i32, i32) {
    %c0_i32 = arith.constant 0 : i32
    %c0_i32_0 = arith.constant 0 : i32
    %c0_i32_1 = arith.constant 0 : i32
    return %c0_i32, %c0_i32_0 : i32, i32
  }
  func.func @transform_3(%arg0: i32) -> (i32, i32) {
    %c0_i32 = arith.constant 0 : i32
    %c0_i32_0 = arith.constant 0 : i32
    %c0_i32_1 = arith.constant 0 : i32
    return %c0_i32, %c0_i32_0 : i32, i32
  }
  func.func @transform_4(%arg0: i32) -> (i32, i32) {
    %c0_i32 = arith.constant 0 : i32
    %c0_i32_0 = arith.constant 0 : i32
    return %arg0, %c0_i32 : i32, i32
  }
  func.func @transform_5(%arg0: i32) -> (i32, i32) {
    %c0_i32 = arith.constant 0 : i32
    %c0_i32_0 = arith.constant 0 : i32
    return %arg0, %c0_i32 : i32, i32
  }
}

module attributes {stable_mosaic.version = 14 : i64} {
  func.func @_edge_mlp_body(%arg0: i32, %arg1: memref<512x64xf32, #tpu.memory_space<vmem>>, %arg2: memref<64x64xf32, #tpu.memory_space<vmem>>, %arg3: memref<1x64xf32, #tpu.memory_space<vmem>>, %arg4: memref<64x64xf32, #tpu.memory_space<vmem>>, %arg5: memref<1x64xf32, #tpu.memory_space<vmem>>, %arg6: memref<6x64xf32, #tpu.memory_space<vmem>>, %arg7: memref<512x64xf32, #tpu.memory_space<vmem>>) attributes {dimension_semantics = [#tpu.dimension_semantics<arbitrary>], iteration_bounds = array<i64: 336>, scalar_prefetch = 0 : i64, scratch_operands = 0 : i64, tpu.core_type = #tpu.core_type<tc>, window_params = [{transform_indices = @transform_0, window_bounds = array<i64: 512, 64>}, {pipeline_mode = #tpu.pipeline_mode<synchronous>, transform_indices = @transform_1, window_bounds = array<i64: 64, 64>}, {pipeline_mode = #tpu.pipeline_mode<synchronous>, transform_indices = @transform_2, window_bounds = array<i64: 1, 64>}, {pipeline_mode = #tpu.pipeline_mode<synchronous>, transform_indices = @transform_3, window_bounds = array<i64: 64, 64>}, {pipeline_mode = #tpu.pipeline_mode<synchronous>, transform_indices = @transform_4, window_bounds = array<i64: 1, 64>}, {pipeline_mode = #tpu.pipeline_mode<synchronous>, transform_indices = @transform_5, window_bounds = array<i64: 6, 64>}, {transform_indices = @transform_6, window_bounds = array<i64: 512, 64>}]} {
    %get3A = arith.constant 0 : index
    %get3A_0 = arith.constant 0 : index
    %get3A_1 = vector.load %arg6[%get3A, %get3A_0] : memref<6x64xf32, #tpu.memory_space<vmem>>, vector<1x64xf32>
    %get3A_2 = arith.constant 1 : index
    %get3A_3 = arith.constant 0 : index
    %get3A_4 = vector.load %arg6[%get3A_2, %get3A_3] : memref<6x64xf32, #tpu.memory_space<vmem>>, vector<1x64xf32>
    %get3A_5 = arith.constant 2 : index
    %get3A_6 = arith.constant 0 : index
    %get3A_7 = vector.load %arg6[%get3A_5, %get3A_6] : memref<6x64xf32, #tpu.memory_space<vmem>>, vector<1x64xf32>
    %get3A_8 = arith.constant 3 : index
    %get3A_9 = arith.constant 0 : index
    %get3A_10 = vector.load %arg6[%get3A_8, %get3A_9] : memref<6x64xf32, #tpu.memory_space<vmem>>, vector<1x64xf32>
    %get3A_11 = arith.constant 4 : index
    %get3A_12 = arith.constant 0 : index
    %get3A_13 = vector.load %arg6[%get3A_11, %get3A_12] : memref<6x64xf32, #tpu.memory_space<vmem>>, vector<1x64xf32>
    %get3A_14 = arith.constant 5 : index
    %get3A_15 = arith.constant 0 : index
    %get3A_16 = vector.load %arg6[%get3A_14, %get3A_15] : memref<6x64xf32, #tpu.memory_space<vmem>>, vector<1x64xf32>
    %get3A_17 = arith.constant 0 : index
    %get3A_18 = arith.constant 0 : index
    %get3A_19 = vector.load %arg1[%get3A_17, %get3A_18] : memref<512x64xf32, #tpu.memory_space<vmem>>, vector<512x64xf32>
    %max3A = arith.constant 0.000000e+00 : f32
    %max3A_20 = vector.broadcast %max3A : f32 to vector<512x64xf32>
    %max3A_21 = arith.maximumf %get3A_19, %max3A_20 : vector<512x64xf32>
    %mul3A = vector.broadcast %get3A_1 : vector<1x64xf32> to vector<512x64xf32>
    %mul3A_22 = arith.mulf %max3A_21, %mul3A : vector<512x64xf32>
    %add3A = vector.broadcast %get3A_4 : vector<1x64xf32> to vector<512x64xf32>
    %add3A_23 = arith.addf %mul3A_22, %add3A : vector<512x64xf32>
    %get3A_24 = arith.constant 0 : index
    %get3A_25 = arith.constant 0 : index
    %get3A_26 = vector.load %arg2[%get3A_24, %get3A_25] : memref<64x64xf32, #tpu.memory_space<vmem>>, vector<64x64xf32>
    %dot_general3A = arith.constant dense<0.000000e+00> : vector<512x64xf32>
    %dot_general3A_27 = tpu.matmul %add3A_23, %get3A_26, %dot_general3A {dimension_numbers = #tpu.dot_dimension_numbers<[1], [1], [0], [0], [0, 0, 1, 0], [], []>, transpose_lhs_hint = false} : vector<512x64xf32>, vector<64x64xf32>, vector<512x64xf32> -> vector<512x64xf32>
    %get3A_28 = arith.constant 0 : index
    %get3A_29 = arith.constant 0 : index
    %get3A_30 = vector.load %arg3[%get3A_28, %get3A_29] : memref<1x64xf32, #tpu.memory_space<vmem>>, vector<1x64xf32>
    %add3A_31 = vector.broadcast %get3A_30 : vector<1x64xf32> to vector<512x64xf32>
    %add3A_32 = arith.addf %dot_general3A_27, %add3A_31 : vector<512x64xf32>
    %max3A_33 = arith.constant 0.000000e+00 : f32
    %max3A_34 = vector.broadcast %max3A_33 : f32 to vector<512x64xf32>
    %max3A_35 = arith.maximumf %add3A_32, %max3A_34 : vector<512x64xf32>
    %mul3A_36 = vector.broadcast %get3A_7 : vector<1x64xf32> to vector<512x64xf32>
    %mul3A_37 = arith.mulf %max3A_35, %mul3A_36 : vector<512x64xf32>
    %add3A_38 = vector.broadcast %get3A_10 : vector<1x64xf32> to vector<512x64xf32>
    %add3A_39 = arith.addf %mul3A_37, %add3A_38 : vector<512x64xf32>
    %get3A_40 = arith.constant 0 : index
    %get3A_41 = arith.constant 0 : index
    %get3A_42 = vector.load %arg4[%get3A_40, %get3A_41] : memref<64x64xf32, #tpu.memory_space<vmem>>, vector<64x64xf32>
    %dot_general3A_43 = arith.constant dense<0.000000e+00> : vector<512x64xf32>
    %dot_general3A_44 = tpu.matmul %add3A_39, %get3A_42, %dot_general3A_43 {dimension_numbers = #tpu.dot_dimension_numbers<[1], [1], [0], [0], [0, 0, 1, 0], [], []>, transpose_lhs_hint = false} : vector<512x64xf32>, vector<64x64xf32>, vector<512x64xf32> -> vector<512x64xf32>
    %get3A_45 = arith.constant 0 : index
    %get3A_46 = arith.constant 0 : index
    %get3A_47 = vector.load %arg5[%get3A_45, %get3A_46] : memref<1x64xf32, #tpu.memory_space<vmem>>, vector<1x64xf32>
    %add3A_48 = vector.broadcast %get3A_47 : vector<1x64xf32> to vector<512x64xf32>
    %add3A_49 = arith.addf %dot_general3A_44, %add3A_48 : vector<512x64xf32>
    %max3A_50 = arith.constant 0.000000e+00 : f32
    %max3A_51 = vector.broadcast %max3A_50 : f32 to vector<512x64xf32>
    %max3A_52 = arith.maximumf %add3A_49, %max3A_51 : vector<512x64xf32>
    %mul3A_53 = vector.broadcast %get3A_13 : vector<1x64xf32> to vector<512x64xf32>
    %mul3A_54 = arith.mulf %max3A_52, %mul3A_53 : vector<512x64xf32>
    %add3A_55 = vector.broadcast %get3A_16 : vector<1x64xf32> to vector<512x64xf32>
    %add3A_56 = arith.addf %mul3A_54, %add3A_55 : vector<512x64xf32>
    %mul3A_57 = arith.constant 512 : i32
    %mul3A_58 = arith.muli %arg0, %mul3A_57 : i32
    %iota3A = tpu.iota {dimensions = array<i32: 0>} : vector<512x1xi32>
    %add3A_59 = vector.broadcast %mul3A_58 : i32 to vector<512x1xi32>
    %add3A_60 = arith.addi %add3A_59, %iota3A : vector<512x1xi32>
    %lt3A = arith.constant 170000 : i32
    %lt3A_61 = vector.broadcast %lt3A : i32 to vector<512x1xi32>
    %lt3A_62 = arith.cmpi slt, %add3A_60, %lt3A_61 : vector<512x1xi32>
    %jit3A = arith.constant 0xFF800000 : f32
    %broadcast_in_dim3A = vector.shape_cast %lt3A_62 : vector<512x1xi1> to vector<512x1xi1>
    %broadcast_in_dim3A_63 = vector.broadcast %broadcast_in_dim3A : vector<512x1xi1> to vector<512x64xi1>
    %broadcast_in_dim3A_64 = vector.broadcast %jit3A : f32 to vector<512x64xf32>
    %select_n3A = arith.select %broadcast_in_dim3A_63, %add3A_56, %broadcast_in_dim3A_64 : vector<512x64xi1>, vector<512x64xf32>
    %swap3A = arith.constant 0 : index
    %swap3A_65 = arith.constant 0 : index
    %swap3A_66 = vector.load %arg7[%swap3A, %swap3A_65] : memref<512x64xf32, #tpu.memory_space<vmem>>, vector<512x64xf32>
    tpu.vector_store %arg7[%swap3A, %swap3A_65], %select_n3A {strides = array<i32>} : memref<512x64xf32, #tpu.memory_space<vmem>>, vector<512x64xf32>,
    return
  }
  func.func @transform_0(%arg0: i32) -> (i32, i32) {
    %c0_i32 = arith.constant 0 : i32
    %c0_i32_0 = arith.constant 0 : i32
    return %arg0, %c0_i32 : i32, i32
  }
  func.func @transform_1(%arg0: i32) -> (i32, i32) {
    %c0_i32 = arith.constant 0 : i32
    %c0_i32_0 = arith.constant 0 : i32
    %c0_i32_1 = arith.constant 0 : i32
    return %c0_i32, %c0_i32_0 : i32, i32
  }
  func.func @transform_2(%arg0: i32) -> (i32, i32) {
    %c0_i32 = arith.constant 0 : i32
    %c0_i32_0 = arith.constant 0 : i32
    %c0_i32_1 = arith.constant 0 : i32
    return %c0_i32, %c0_i32_0 : i32, i32
  }
  func.func @transform_3(%arg0: i32) -> (i32, i32) {
    %c0_i32 = arith.constant 0 : i32
    %c0_i32_0 = arith.constant 0 : i32
    %c0_i32_1 = arith.constant 0 : i32
    return %c0_i32, %c0_i32_0 : i32, i32
  }
  func.func @transform_4(%arg0: i32) -> (i32, i32) {
    %c0_i32 = arith.constant 0 : i32
    %c0_i32_0 = arith.constant 0 : i32
    %c0_i32_1 = arith.constant 0 : i32
    return %c0_i32, %c0_i32_0 : i32, i32
  }
  func.func @transform_5(%arg0: i32) -> (i32, i32) {
    %c0_i32 = arith.constant 0 : i32
    %c0_i32_0 = arith.constant 0 : i32
    %c0_i32_1 = arith.constant 0 : i32
    return %c0_i32, %c0_i32_0 : i32, i32
  }
  func.func @transform_6(%arg0: i32) -> (i32, i32) {
    %c0_i32 = arith.constant 0 : i32
    %c0_i32_0 = arith.constant 0 : i32
    return %arg0, %c0_i32 : i32, i32
  }
}

module attributes {stable_mosaic.version = 14 : i64} {
  func.func @_knn_body(%arg0: i32, %arg1: i32, %arg2: memref<80xi32, #tpu.memory_space<smem>>, %arg3: memref<80xi32, #tpu.memory_space<smem>>, %arg4: memref<20xi32, #tpu.memory_space<smem>>, %arg5: memref<20xi32, #tpu.memory_space<smem>>, %arg6: memref<10240x64xf32, #tpu.memory_space<vmem>>, %arg7: memref<128x1xi32, #tpu.memory_space<vmem>>, %arg8: memref<1x512xi32, #tpu.memory_space<vmem>>, %arg9: memref<128x64xf32, #tpu.memory_space<vmem>>, %arg10: memref<128x64xf32, #tpu.memory_space<vmem>>, %arg11: memref<1x128xf32, #tpu.memory_space<vmem>>, %arg12: memref<128x8xi32, #tpu.memory_space<vmem>>, %arg13: memref<128x128xf32, #tpu.memory_space<vmem>>, %arg14: memref<128x128xf32, #tpu.memory_space<vmem>>, %arg15: memref<128x128xf32, #tpu.memory_space<vmem>>, %arg16: memref<128x128xi32, #tpu.memory_space<vmem>>) attributes {dimension_semantics = [#tpu.dimension_semantics<arbitrary>, #tpu.dimension_semantics<arbitrary>], iteration_bounds = array<i64: 80, 20>, scalar_prefetch = 4 : i64, scratch_operands = 2 : i64, tpu.core_type = #tpu.core_type<tc>, window_params = [{pipeline_mode = #tpu.pipeline_mode<synchronous>, transform_indices = @transform_0, window_bounds = array<i64: 10240, 64>}, {transform_indices = @transform_1, window_bounds = array<i64: 128, 1>}, {transform_indices = @transform_2, window_bounds = array<i64: 1, 512>}, {pipeline_mode = #tpu.pipeline_mode<synchronous>, transform_indices = @transform_3, window_bounds = array<i64: 128, 64>}, {pipeline_mode = #tpu.pipeline_mode<synchronous>, transform_indices = @transform_4, window_bounds = array<i64: 128, 64>}, {pipeline_mode = #tpu.pipeline_mode<synchronous>, transform_indices = @transform_5, window_bounds = array<i64: 1, 128>}, {transform_indices = @transform_6, window_bounds = array<i64: 128, 8>}, {transform_indices = @transform_7, window_bounds = array<i64: 128, 128>}, {transform_indices = @transform_8, window_bounds = array<i64: 128, 128>}]} {
    %eq3A = arith.constant 0 : i32
    %eq3A_0 = arith.cmpi eq, %arg1, %eq3A : i32
    %convert_element_type3A = arith.extui %eq3A_0 : i1 to i32
    %cond3A = arith.constant 0 : i32
    %cond3A_1 = arith.cmpi ne, %convert_element_type3A, %cond3A : i32
    scf.if %cond3A_1 {
      %broadcast_in_dim3A = arith.constant 0x7F800000 : f32
      %broadcast_in_dim3A_17 = vector.broadcast %broadcast_in_dim3A : f32 to vector<128x128xf32>
      %swap3A = arith.constant 0 : index
      %swap3A_18 = arith.constant 0 : index
      %swap3A_19 = vector.load %arg15[%swap3A, %swap3A_18] : memref<128x128xf32, #tpu.memory_space<vmem>>, vector<128x128xf32>
      tpu.vector_store %arg15[%swap3A, %swap3A_18], %broadcast_in_dim3A_17 {strides = array<i32>} : memref<128x128xf32, #tpu.memory_space<vmem>>, vector<128x128xf32>,
      %broadcast_in_dim3A_20 = arith.constant 2147483647 : i32
      %broadcast_in_dim3A_21 = vector.broadcast %broadcast_in_dim3A_20 : i32 to vector<128x128xi32>
      %swap3A_22 = arith.constant 0 : index
      %swap3A_23 = arith.constant 0 : index
      %swap3A_24 = vector.load %arg16[%swap3A_22, %swap3A_23] : memref<128x128xi32, #tpu.memory_space<vmem>>, vector<128x128xi32>
      tpu.vector_store %arg16[%swap3A_22, %swap3A_23], %broadcast_in_dim3A_21 {strides = array<i32>} : memref<128x128xi32, #tpu.memory_space<vmem>>, vector<128x128xi32>,
      %mul3A = arith.constant 128 : i32
      %mul3A_25 = arith.muli %arg0, %mul3A : i32
      %get3A_26 = arith.index_cast %mul3A_25 : i32 to index
      %get3A_27 = arith.constant 0 : index
      %get3A_28 = vector.load %arg6[%get3A_26, %get3A_27] : memref<10240x64xf32, #tpu.memory_space<vmem>>, vector<128x64xf32>
      %get3A_29 = arith.constant 0 : index
      %get3A_30 = arith.constant 0 : index
      %get3A_31 = vector.load %arg9[%get3A_29, %get3A_30] : memref<128x64xf32, #tpu.memory_space<vmem>>, vector<128x64xf32>
      %dot_general3A = arith.constant dense<0.000000e+00> : vector<128x128xf32>
      %dot_general3A_32 = tpu.matmul %get3A_28, %get3A_31, %dot_general3A {dimension_numbers = #tpu.dot_dimension_numbers<[1], [1], [0], [0], [0, 0, 1, 0], [], []>, transpose_lhs_hint = false} : vector<128x64xf32>, vector<128x64xf32>, vector<128x128xf32> -> vector<128x128xf32>
      %get3A_33 = arith.constant 0 : index
      %get3A_34 = arith.constant 0 : index
      %get3A_35 = vector.load %arg11[%get3A_33, %get3A_34] : memref<1x128xf32, #tpu.memory_space<vmem>>, vector<1x128xf32>
      %add3A = vector.broadcast %get3A_35 : vector<1x128xf32> to vector<128x128xf32>
      %add3A_36 = arith.addf %dot_general3A_32, %add3A : vector<128x128xf32>
      %swap3A_37 = arith.constant 0 : index
      %swap3A_38 = arith.constant 0 : index
      %swap3A_39 = vector.load %arg13[%swap3A_37, %swap3A_38] : memref<128x128xf32, #tpu.memory_space<vmem>>, vector<128x128xf32>
      tpu.vector_store %arg13[%swap3A_37, %swap3A_38], %add3A_36 {strides = array<i32>} : memref<128x128xf32, #tpu.memory_space<vmem>>, vector<128x128xf32>,
      %get3A_40 = arith.constant 0 : index
      %get3A_41 = arith.constant 0 : index
      %get3A_42 = vector.load %arg10[%get3A_40, %get3A_41] : memref<128x64xf32, #tpu.memory_space<vmem>>, vector<128x64xf32>
      %dot_general3A_43 = arith.constant dense<0.000000e+00> : vector<128x128xf32>
      %dot_general3A_44 = tpu.matmul %get3A_28, %get3A_42, %dot_general3A_43 {dimension_numbers = #tpu.dot_dimension_numbers<[1], [1], [0], [0], [0, 0, 1, 0], [], []>, transpose_lhs_hint = false} : vector<128x64xf32>, vector<128x64xf32>, vector<128x128xf32> -> vector<128x128xf32>
      %swap3A_45 = arith.constant 0 : index
      %swap3A_46 = arith.constant 0 : index
      %swap3A_47 = vector.load %arg14[%swap3A_45, %swap3A_46] : memref<128x128xf32, #tpu.memory_space<vmem>>, vector<128x128xf32>
      tpu.vector_store %arg14[%swap3A_45, %swap3A_46], %dot_general3A_44 {strides = array<i32>} : memref<128x128xf32, #tpu.memory_space<vmem>>, vector<128x128xf32>,
    } else {
    }
    %get3A = arith.index_cast %arg0 : i32 to index
    %get3A_2 = memref.load %arg3[%get3A] : memref<80xi32, #tpu.memory_space<smem>>
    %get3A_3 = arith.index_cast %arg1 : i32 to index
    %get3A_4 = memref.load %arg4[%get3A_3] : memref<20xi32, #tpu.memory_space<smem>>
    %ge3A = arith.cmpi sge, %get3A_2, %get3A_4 : i32
    %get3A_5 = arith.index_cast %arg0 : i32 to index
    %get3A_6 = memref.load %arg2[%get3A_5] : memref<80xi32, #tpu.memory_space<smem>>
    %get3A_7 = arith.index_cast %arg1 : i32 to index
    %get3A_8 = memref.load %arg5[%get3A_7] : memref<20xi32, #tpu.memory_space<smem>>
    %le3A = arith.cmpi sle, %get3A_6, %get3A_8 : i32
    %and3A = arith.andi %ge3A, %le3A : i1
    %convert_element_type3A_9 = arith.extui %and3A : i1 to i32
    %cond3A_10 = arith.constant 0 : i32
    %cond3A_11 = arith.cmpi ne, %convert_element_type3A_9, %cond3A_10 : i32
    scf.if %cond3A_11 {
      %mul3A = arith.constant 128 : i32
      %mul3A_17 = arith.muli %arg0, %mul3A : i32
      %get3A_18 = arith.index_cast %mul3A_17 : i32 to index
      %get3A_19 = arith.constant 0 : index
      %get3A_20 = vector.load %arg6[%get3A_18, %get3A_19] : memref<10240x64xf32, #tpu.memory_space<vmem>>, vector<128x64xf32>
      %mul3A_21 = arith.constant 512 : i32
      %mul3A_22 = arith.muli %arg1, %mul3A_21 : i32
      %get3A_23 = arith.index_cast %mul3A_22 : i32 to index
      %get3A_24 = arith.constant 0 : index
      %get3A_25 = vector.load %arg6[%get3A_23, %get3A_24] : memref<10240x64xf32, #tpu.memory_space<vmem>>, vector<512x64xf32>
      %dot_general3A = arith.constant dense<0.000000e+00> : vector<128x512xf32>
      %dot_general3A_26 = tpu.matmul %get3A_20, %get3A_25, %dot_general3A {dimension_numbers = #tpu.dot_dimension_numbers<[1], [1], [0], [0], [0, 0, 1, 0], [], []>, transpose_lhs_hint = false} : vector<128x64xf32>, vector<512x64xf32>, vector<128x512xf32> -> vector<128x512xf32>
      %broadcast_in_dim3A = arith.constant 1.000000e+00 : f32
      %broadcast_in_dim3A_27 = vector.broadcast %broadcast_in_dim3A : f32 to vector<1x64xf32>
      %mul3A_28 = arith.mulf %get3A_25, %get3A_25 : vector<512x64xf32>
      %dot_general3A_29 = arith.constant dense<0.000000e+00> : vector<1x512xf32>
      %dot_general3A_30 = tpu.matmul %broadcast_in_dim3A_27, %mul3A_28, %dot_general3A_29 {dimension_numbers = #tpu.dot_dimension_numbers<[1], [1], [0], [0], [0, 0, 1, 0], [], []>, transpose_lhs_hint = false} : vector<1x64xf32>, vector<512x64xf32>, vector<1x512xf32> -> vector<1x512xf32>
      %mul3A_31 = arith.constant 2.000000e+00 : f32
      %mul3A_32 = vector.broadcast %mul3A_31 : f32 to vector<128x512xf32>
      %mul3A_33 = arith.mulf %mul3A_32, %dot_general3A_26 : vector<128x512xf32>
      %sub3A = vector.broadcast %dot_general3A_30 : vector<1x512xf32> to vector<128x512xf32>
      %sub3A_34 = arith.subf %sub3A, %mul3A_33 : vector<128x512xf32>
      %get3A_35 = arith.constant 0 : index
      %get3A_36 = arith.constant 0 : index
      %get3A_37 = vector.load %arg7[%get3A_35, %get3A_36] : memref<128x1xi32, #tpu.memory_space<vmem>>, vector<128x1xi32>
      %get3A_38 = arith.constant 0 : index
      %get3A_39 = arith.constant 0 : index
      %get3A_40 = vector.load %arg8[%get3A_38, %get3A_39] : memref<1x512xi32, #tpu.memory_space<vmem>>, vector<1x512xi32>
      %ne3A = vector.broadcast %get3A_37 : vector<128x1xi32> to vector<128x512xi32>
      %ne3A_41 = vector.broadcast %get3A_40 : vector<1x512xi32> to vector<128x512xi32>
      %ne3A_42 = arith.cmpi ne, %ne3A, %ne3A_41 : vector<128x512xi32>
      %jit3A = arith.constant 0x7F800000 : f32
      %broadcast_in_dim3A_43 = vector.broadcast %jit3A : f32 to vector<128x512xf32>
      %select_n3A = arith.select %ne3A_42, %broadcast_in_dim3A_43, %sub3A_34 : vector<128x512xi1>, vector<128x512xf32>
      %iota3A = tpu.iota {dimensions = array<i32: 1>} : vector<128x512xi32>
      %mul3A_44 = arith.constant 512 : i32
      %mul3A_45 = arith.muli %arg1, %mul3A_44 : i32
      %add3A = vector.broadcast %mul3A_45 : i32 to vector<128x512xi32>
      %add3A_46 = arith.addi %iota3A, %add3A : vector<128x512xi32>
      %get3A_47 = arith.constant 0 : index
      %get3A_48 = arith.constant 0 : index
      %get3A_49 = vector.load %arg15[%get3A_47, %get3A_48] : memref<128x128xf32, #tpu.memory_space<vmem>>, vector<128x128xf32>
      %concatenate3A = tpu.concatenate %get3A_49, %select_n3A in 1 : vector<128x128xf32>, vector<128x512xf32> -> vector<128x640xf32>
      %get3A_50 = arith.constant 0 : index
      %get3A_51 = arith.constant 0 : index
      %get3A_52 = vector.load %arg16[%get3A_50, %get3A_51] : memref<128x128xi32, #tpu.memory_space<vmem>>, vector<128x128xi32>
      %concatenate3A_53 = tpu.concatenate %get3A_52, %add3A_46 in 1 : vector<128x128xi32>, vector<128x512xi32> -> vector<128x640xi32>
      %reduce_min3A = arith.constant dense<0x7F800000> : vector<128xf32>
      %reduce_min3A_54 = vector.multi_reduction <minimumf>, %concatenate3A, %reduce_min3A [1] : vector<128x640xf32> to vector<128xf32>
      %broadcast_in_dim3A_55 = vector.shape_cast %reduce_min3A_54 : vector<128xf32> to vector<128x1xf32>
      %eq3A_56 = vector.broadcast %broadcast_in_dim3A_55 : vector<128x1xf32> to vector<128x640xf32>
      %eq3A_57 = arith.cmpf oeq, %concatenate3A, %eq3A_56 : vector<128x640xf32>
      %jit3A_58 = arith.constant 2147483647 : i32
      %broadcast_in_dim3A_59 = vector.broadcast %jit3A_58 : i32 to vector<128x640xi32>
      %select_n3A_60 = arith.select %eq3A_57, %concatenate3A_53, %broadcast_in_dim3A_59 : vector<128x640xi1>, vector<128x640xi32>
      %reduce_min3A_61 = arith.constant dense<2147483647> : vector<128xi32>
      %reduce_min3A_62 = vector.multi_reduction <minsi>, %select_n3A_60, %reduce_min3A_61 [1] : vector<128x640xi32> to vector<128xi32>
      %broadcast_in_dim3A_63 = vector.shape_cast %reduce_min3A_62 : vector<128xi32> to vector<128x1xi32>
      %swap3A = arith.constant 0 : index
      %swap3A_64 = arith.constant 0 : index
      %swap3A_65 = vector.load %arg15[%swap3A, %swap3A_64] : memref<128x128xf32, #tpu.memory_space<vmem>>, vector<128x1xf32>
      tpu.vector_store %arg15[%swap3A, %swap3A_64], %broadcast_in_dim3A_55 {strides = array<i32>} : memref<128x128xf32, #tpu.memory_space<vmem>>, vector<128x1xf32>,
      %swap3A_66 = arith.constant 0 : index
      %swap3A_67 = arith.constant 0 : index
      %swap3A_68 = vector.load %arg16[%swap3A_66, %swap3A_67] : memref<128x128xi32, #tpu.memory_space<vmem>>, vector<128x1xi32>
      tpu.vector_store %arg16[%swap3A_66, %swap3A_67], %broadcast_in_dim3A_63 {strides = array<i32>} : memref<128x128xi32, #tpu.memory_space<vmem>>, vector<128x1xi32>,
      %eq3A_69 = vector.broadcast %broadcast_in_dim3A_63 : vector<128x1xi32> to vector<128x640xi32>
      %eq3A_70 = arith.cmpi eq, %concatenate3A_53, %eq3A_69 : vector<128x640xi32>
      %jit3A_71 = arith.constant 0x7F800000 : f32
      %broadcast_in_dim3A_72 = vector.broadcast %jit3A_71 : f32 to vector<128x640xf32>
      %select_n3A_73 = arith.select %eq3A_70, %broadcast_in_dim3A_72, %concatenate3A : vector<128x640xi1>, vector<128x640xf32>
      %reduce_min3A_74 = arith.constant dense<0x7F800000> : vector<128xf32>
      %reduce_min3A_75 = vector.multi_reduction <minimumf>, %select_n3A_73, %reduce_min3A_74 [1] : vector<128x640xf32> to vector<128xf32>
      %broadcast_in_dim3A_76 = vector.shape_cast %reduce_min3A_75 : vector<128xf32> to vector<128x1xf32>
      %eq3A_77 = vector.broadcast %broadcast_in_dim3A_76 : vector<128x1xf32> to vector<128x640xf32>
      %eq3A_78 = arith.cmpf oeq, %select_n3A_73, %eq3A_77 : vector<128x640xf32>
      %jit3A_79 = arith.constant 2147483647 : i32
      %broadcast_in_dim3A_80 = vector.broadcast %jit3A_79 : i32 to vector<128x640xi32>
      %select_n3A_81 = arith.select %eq3A_78, %concatenate3A_53, %broadcast_in_dim3A_80 : vector<128x640xi1>, vector<128x640xi32>
      %reduce_min3A_82 = arith.constant dense<2147483647> : vector<128xi32>
      %reduce_min3A_83 = vector.multi_reduction <minsi>, %select_n3A_81, %reduce_min3A_82 [1] : vector<128x640xi32> to vector<128xi32>
      %broadcast_in_dim3A_84 = vector.shape_cast %reduce_min3A_83 : vector<128xi32> to vector<128x1xi32>
      %swap3A_85 = arith.constant 0 : index
      %swap3A_86 = arith.constant 1 : index
      %swap3A_87 = vector.load %arg15[%swap3A_85, %swap3A_86] : memref<128x128xf32, #tpu.memory_space<vmem>>, vector<128x1xf32>
      tpu.vector_store %arg15[%swap3A_85, %swap3A_86], %broadcast_in_dim3A_76 {strides = array<i32>} : memref<128x128xf32, #tpu.memory_space<vmem>>, vector<128x1xf32>,
      %swap3A_88 = arith.constant 0 : index
      %swap3A_89 = arith.constant 1 : index
      %swap3A_90 = vector.load %arg16[%swap3A_88, %swap3A_89] : memref<128x128xi32, #tpu.memory_space<vmem>>, vector<128x1xi32>
      tpu.vector_store %arg16[%swap3A_88, %swap3A_89], %broadcast_in_dim3A_84 {strides = array<i32>} : memref<128x128xi32, #tpu.memory_space<vmem>>, vector<128x1xi32>,
      %eq3A_91 = vector.broadcast %broadcast_in_dim3A_84 : vector<128x1xi32> to vector<128x640xi32>
      %eq3A_92 = arith.cmpi eq, %concatenate3A_53, %eq3A_91 : vector<128x640xi32>
      %jit3A_93 = arith.constant 0x7F800000 : f32
      %broadcast_in_dim3A_94 = vector.broadcast %jit3A_93 : f32 to vector<128x640xf32>
      %select_n3A_95 = arith.select %eq3A_92, %broadcast_in_dim3A_94, %select_n3A_73 : vector<128x640xi1>, vector<128x640xf32>
      %reduce_min3A_96 = arith.constant dense<0x7F800000> : vector<128xf32>
      %reduce_min3A_97 = vector.multi_reduction <minimumf>, %select_n3A_95, %reduce_min3A_96 [1] : vector<128x640xf32> to vector<128xf32>
      %broadcast_in_dim3A_98 = vector.shape_cast %reduce_min3A_97 : vector<128xf32> to vector<128x1xf32>
      %eq3A_99 = vector.broadcast %broadcast_in_dim3A_98 : vector<128x1xf32> to vector<128x640xf32>
      %eq3A_100 = arith.cmpf oeq, %select_n3A_95, %eq3A_99 : vector<128x640xf32>
      %jit3A_101 = arith.constant 2147483647 : i32
      %broadcast_in_dim3A_102 = vector.broadcast %jit3A_101 : i32 to vector<128x640xi32>
      %select_n3A_103 = arith.select %eq3A_100, %concatenate3A_53, %broadcast_in_dim3A_102 : vector<128x640xi1>, vector<128x640xi32>
      %reduce_min3A_104 = arith.constant dense<2147483647> : vector<128xi32>
      %reduce_min3A_105 = vector.multi_reduction <minsi>, %select_n3A_103, %reduce_min3A_104 [1] : vector<128x640xi32> to vector<128xi32>
      %broadcast_in_dim3A_106 = vector.shape_cast %reduce_min3A_105 : vector<128xi32> to vector<128x1xi32>
      %swap3A_107 = arith.constant 0 : index
      %swap3A_108 = arith.constant 2 : index
      %swap3A_109 = vector.load %arg15[%swap3A_107, %swap3A_108] : memref<128x128xf32, #tpu.memory_space<vmem>>, vector<128x1xf32>
      tpu.vector_store %arg15[%swap3A_107, %swap3A_108], %broadcast_in_dim3A_98 {strides = array<i32>} : memref<128x128xf32, #tpu.memory_space<vmem>>, vector<128x1xf32>,
      %swap3A_110 = arith.constant 0 : index
      %swap3A_111 = arith.constant 2 : index
      %swap3A_112 = vector.load %arg16[%swap3A_110, %swap3A_111] : memref<128x128xi32, #tpu.memory_space<vmem>>, vector<128x1xi32>
      tpu.vector_store %arg16[%swap3A_110, %swap3A_111], %broadcast_in_dim3A_106 {strides = array<i32>} : memref<128x128xi32, #tpu.memory_space<vmem>>, vector<128x1xi32>,
      %eq3A_113 = vector.broadcast %broadcast_in_dim3A_106 : vector<128x1xi32> to vector<128x640xi32>
      %eq3A_114 = arith.cmpi eq, %concatenate3A_53, %eq3A_113 : vector<128x640xi32>
      %jit3A_115 = arith.constant 0x7F800000 : f32
      %broadcast_in_dim3A_116 = vector.broadcast %jit3A_115 : f32 to vector<128x640xf32>
      %select_n3A_117 = arith.select %eq3A_114, %broadcast_in_dim3A_116, %select_n3A_95 : vector<128x640xi1>, vector<128x640xf32>
      %reduce_min3A_118 = arith.constant dense<0x7F800000> : vector<128xf32>
      %reduce_min3A_119 = vector.multi_reduction <minimumf>, %select_n3A_117, %reduce_min3A_118 [1] : vector<128x640xf32> to vector<128xf32>
      %broadcast_in_dim3A_120 = vector.shape_cast %reduce_min3A_119 : vector<128xf32> to vector<128x1xf32>
      %eq3A_121 = vector.broadcast %broadcast_in_dim3A_120 : vector<128x1xf32> to vector<128x640xf32>
      %eq3A_122 = arith.cmpf oeq, %select_n3A_117, %eq3A_121 : vector<128x640xf32>
      %jit3A_123 = arith.constant 2147483647 : i32
      %broadcast_in_dim3A_124 = vector.broadcast %jit3A_123 : i32 to vector<128x640xi32>
      %select_n3A_125 = arith.select %eq3A_122, %concatenate3A_53, %broadcast_in_dim3A_124 : vector<128x640xi1>, vector<128x640xi32>
      %reduce_min3A_126 = arith.constant dense<2147483647> : vector<128xi32>
      %reduce_min3A_127 = vector.multi_reduction <minsi>, %select_n3A_125, %reduce_min3A_126 [1] : vector<128x640xi32> to vector<128xi32>
      %broadcast_in_dim3A_128 = vector.shape_cast %reduce_min3A_127 : vector<128xi32> to vector<128x1xi32>
      %swap3A_129 = arith.constant 0 : index
      %swap3A_130 = arith.constant 3 : index
      %swap3A_131 = vector.load %arg15[%swap3A_129, %swap3A_130] : memref<128x128xf32, #tpu.memory_space<vmem>>, vector<128x1xf32>
      tpu.vector_store %arg15[%swap3A_129, %swap3A_130], %broadcast_in_dim3A_120 {strides = array<i32>} : memref<128x128xf32, #tpu.memory_space<vmem>>, vector<128x1xf32>,
      %swap3A_132 = arith.constant 0 : index
      %swap3A_133 = arith.constant 3 : index
      %swap3A_134 = vector.load %arg16[%swap3A_132, %swap3A_133] : memref<128x128xi32, #tpu.memory_space<vmem>>, vector<128x1xi32>
      tpu.vector_store %arg16[%swap3A_132, %swap3A_133], %broadcast_in_dim3A_128 {strides = array<i32>} : memref<128x128xi32, #tpu.memory_space<vmem>>, vector<128x1xi32>,
      %eq3A_135 = vector.broadcast %broadcast_in_dim3A_128 : vector<128x1xi32> to vector<128x640xi32>
      %eq3A_136 = arith.cmpi eq, %concatenate3A_53, %eq3A_135 : vector<128x640xi32>
      %jit3A_137 = arith.constant 0x7F800000 : f32
      %broadcast_in_dim3A_138 = vector.broadcast %jit3A_137 : f32 to vector<128x640xf32>
      %select_n3A_139 = arith.select %eq3A_136, %broadcast_in_dim3A_138, %select_n3A_117 : vector<128x640xi1>, vector<128x640xf32>
      %reduce_min3A_140 = arith.constant dense<0x7F800000> : vector<128xf32>
      %reduce_min3A_141 = vector.multi_reduction <minimumf>, %select_n3A_139, %reduce_min3A_140 [1] : vector<128x640xf32> to vector<128xf32>
      %broadcast_in_dim3A_142 = vector.shape_cast %reduce_min3A_141 : vector<128xf32> to vector<128x1xf32>
      %eq3A_143 = vector.broadcast %broadcast_in_dim3A_142 : vector<128x1xf32> to vector<128x640xf32>
      %eq3A_144 = arith.cmpf oeq, %select_n3A_139, %eq3A_143 : vector<128x640xf32>
      %jit3A_145 = arith.constant 2147483647 : i32
      %broadcast_in_dim3A_146 = vector.broadcast %jit3A_145 : i32 to vector<128x640xi32>
      %select_n3A_147 = arith.select %eq3A_144, %concatenate3A_53, %broadcast_in_dim3A_146 : vector<128x640xi1>, vector<128x640xi32>
      %reduce_min3A_148 = arith.constant dense<2147483647> : vector<128xi32>
      %reduce_min3A_149 = vector.multi_reduction <minsi>, %select_n3A_147, %reduce_min3A_148 [1] : vector<128x640xi32> to vector<128xi32>
      %broadcast_in_dim3A_150 = vector.shape_cast %reduce_min3A_149 : vector<128xi32> to vector<128x1xi32>
      %swap3A_151 = arith.constant 0 : index
      %swap3A_152 = arith.constant 4 : index
      %swap3A_153 = vector.load %arg15[%swap3A_151, %swap3A_152] : memref<128x128xf32, #tpu.memory_space<vmem>>, vector<128x1xf32>
      tpu.vector_store %arg15[%swap3A_151, %swap3A_152], %broadcast_in_dim3A_142 {strides = array<i32>} : memref<128x128xf32, #tpu.memory_space<vmem>>, vector<128x1xf32>,
      %swap3A_154 = arith.constant 0 : index
      %swap3A_155 = arith.constant 4 : index
      %swap3A_156 = vector.load %arg16[%swap3A_154, %swap3A_155] : memref<128x128xi32, #tpu.memory_space<vmem>>, vector<128x1xi32>
      tpu.vector_store %arg16[%swap3A_154, %swap3A_155], %broadcast_in_dim3A_150 {strides = array<i32>} : memref<128x128xi32, #tpu.memory_space<vmem>>, vector<128x1xi32>,
    } else {
    }
    %eq3A_12 = arith.constant 19 : i32
    %eq3A_13 = arith.cmpi eq, %arg1, %eq3A_12 : i32
    %convert_element_type3A_14 = arith.extui %eq3A_13 : i1 to i32
    %cond3A_15 = arith.constant 0 : i32
    %cond3A_16 = arith.cmpi ne, %convert_element_type3A_14, %cond3A_15 : i32
    scf.if %cond3A_16 {
      %get3A_17 = arith.constant 0 : index
      %get3A_18 = arith.constant 0 : index
      %get3A_19 = vector.load %arg16[%get3A_17, %get3A_18] : memref<128x128xi32, #tpu.memory_space<vmem>>, vector<128x8xi32>
      %swap3A = arith.constant 0 : index
      %swap3A_20 = arith.constant 0 : index
      %swap3A_21 = vector.load %arg12[%swap3A, %swap3A_20] : memref<128x8xi32, #tpu.memory_space<vmem>>, vector<128x8xi32>
      tpu.vector_store %arg12[%swap3A, %swap3A_20], %get3A_19 {strides = array<i32>} : memref<128x8xi32, #tpu.memory_space<vmem>>, vector<128x8xi32>,
    } else {
    }
    return
  }
  func.func @transform_0(%arg0: i32, %arg1: i32, %arg2: memref<80xi32, #tpu.memory_space<smem>>, %arg3: memref<80xi32, #tpu.memory_space<smem>>, %arg4: memref<20xi32, #tpu.memory_space<smem>>, %arg5: memref<20xi32, #tpu.memory_space<smem>>) -> (i32, i32) {
    %c0_i32 = arith.constant 0 : i32
    %c0_i32_0 = arith.constant 0 : i32
    %c0_i32_1 = arith.constant 0 : i32
    return %c0_i32, %c0_i32_0 : i32, i32
  }
  func.func @transform_1(%arg0: i32, %arg1: i32, %arg2: memref<80xi32, #tpu.memory_space<smem>>, %arg3: memref<80xi32, #tpu.memory_space<smem>>, %arg4: memref<20xi32, #tpu.memory_space<smem>>, %arg5: memref<20xi32, #tpu.memory_space<smem>>) -> (i32, i32) {
    %c0_i32 = arith.constant 0 : i32
    %c0_i32_0 = arith.constant 0 : i32
    return %arg0, %c0_i32 : i32, i32
  }
  func.func @transform_2(%arg0: i32, %arg1: i32, %arg2: memref<80xi32, #tpu.memory_space<smem>>, %arg3: memref<80xi32, #tpu.memory_space<smem>>, %arg4: memref<20xi32, #tpu.memory_space<smem>>, %arg5: memref<20xi32, #tpu.memory_space<smem>>) -> (i32, i32) {
    %c0_i32 = arith.constant 0 : i32
    %c0_i32_0 = arith.constant 0 : i32
    return %c0_i32, %arg1 : i32, i32
  }
  func.func @transform_3(%arg0: i32, %arg1: i32, %arg2: memref<80xi32, #tpu.memory_space<smem>>, %arg3: memref<80xi32, #tpu.memory_space<smem>>, %arg4: memref<20xi32, #tpu.memory_space<smem>>, %arg5: memref<20xi32, #tpu.memory_space<smem>>) -> (i32, i32) {
    %c0_i32 = arith.constant 0 : i32
    %c0_i32_0 = arith.constant 0 : i32
    %c0_i32_1 = arith.constant 0 : i32
    return %c0_i32, %c0_i32_0 : i32, i32
  }
  func.func @transform_4(%arg0: i32, %arg1: i32, %arg2: memref<80xi32, #tpu.memory_space<smem>>, %arg3: memref<80xi32, #tpu.memory_space<smem>>, %arg4: memref<20xi32, #tpu.memory_space<smem>>, %arg5: memref<20xi32, #tpu.memory_space<smem>>) -> (i32, i32) {
    %c0_i32 = arith.constant 0 : i32
    %c0_i32_0 = arith.constant 0 : i32
    %c0_i32_1 = arith.constant 0 : i32
    return %c0_i32, %c0_i32_0 : i32, i32
  }
  func.func @transform_5(%arg0: i32, %arg1: i32, %arg2: memref<80xi32, #tpu.memory_space<smem>>, %arg3: memref<80xi32, #tpu.memory_space<smem>>, %arg4: memref<20xi32, #tpu.memory_space<smem>>, %arg5: memref<20xi32, #tpu.memory_space<smem>>) -> (i32, i32) {
    %c0_i32 = arith.constant 0 : i32
    %c0_i32_0 = arith.constant 0 : i32
    %c0_i32_1 = arith.constant 0 : i32
    return %c0_i32, %c0_i32_0 : i32, i32
  }
  func.func @transform_6(%arg0: i32, %arg1: i32, %arg2: memref<80xi32, #tpu.memory_space<smem>>, %arg3: memref<80xi32, #tpu.memory_space<smem>>, %arg4: memref<20xi32, #tpu.memory_space<smem>>, %arg5: memref<20xi32, #tpu.memory_space<smem>>) -> (i32, i32) {
    %c0_i32 = arith.constant 0 : i32
    %c0_i32_0 = arith.constant 0 : i32
    return %arg0, %c0_i32 : i32, i32
  }
  func.func @transform_7(%arg0: i32, %arg1: i32, %arg2: memref<80xi32, #tpu.memory_space<smem>>, %arg3: memref<80xi32, #tpu.memory_space<smem>>, %arg4: memref<20xi32, #tpu.memory_space<smem>>, %arg5: memref<20xi32, #tpu.memory_space<smem>>) -> (i32, i32) {
    %c0_i32 = arith.constant 0 : i32
    %c0_i32_0 = arith.constant 0 : i32
    return %arg0, %c0_i32 : i32, i32
  }
  func.func @transform_8(%arg0: i32, %arg1: i32, %arg2: memref<80xi32, #tpu.memory_space<smem>>, %arg3: memref<80xi32, #tpu.memory_space<smem>>, %arg4: memref<20xi32, #tpu.memory_space<smem>>, %arg5: memref<20xi32, #tpu.memory_space<smem>>) -> (i32, i32) {
    %c0_i32 = arith.constant 0 : i32
    %c0_i32_0 = arith.constant 0 : i32
    return %arg0, %c0_i32 : i32, i32
  }
}

module attributes {stable_mosaic.version = 14 : i64} {
  func.func @_stage3_body(%arg0: i32, %arg1: memref<40xi32, #tpu.memory_space<smem>>, %arg2: memref<40xi32, #tpu.memory_space<smem>>, %arg3: memref<256x64xf32, #tpu.memory_space<vmem>>, %arg4: memref<256x128xf32, #tpu.memory_space<vmem>>, %arg5: memref<256x1xi32, #tpu.memory_space<vmem>>, %arg6: memref<1024x64xf32, #tpu.memory_space<vmem>>, %arg7: memref<1024x128xf32, #tpu.memory_space<vmem>>, %arg8: memref<1x1024xf32, #tpu.memory_space<vmem>>, %arg9: memref<1x128xf32, #tpu.memory_space<vmem>>, %arg10: memref<1x128xf32, #tpu.memory_space<vmem>>, %arg11: memref<16x1024xf32, #tpu.memory_space<vmem>>) attributes {dimension_semantics = [#tpu.dimension_semantics<arbitrary>], iteration_bounds = array<i64: 40>, scalar_prefetch = 2 : i64, scratch_operands = 0 : i64, tpu.core_type = #tpu.core_type<tc>, window_params = [{transform_indices = @transform_0, window_bounds = array<i64: 256, 64>}, {transform_indices = @transform_1, window_bounds = array<i64: 256, 128>}, {transform_indices = @transform_2, window_bounds = array<i64: 256, 1>}, {pipeline_mode = #tpu.pipeline_mode<synchronous>, transform_indices = @transform_3, window_bounds = array<i64: 1024, 64>}, {pipeline_mode = #tpu.pipeline_mode<synchronous>, transform_indices = @transform_4, window_bounds = array<i64: 1024, 128>}, {pipeline_mode = #tpu.pipeline_mode<synchronous>, transform_indices = @transform_5, window_bounds = array<i64: 1, 1024>}, {pipeline_mode = #tpu.pipeline_mode<synchronous>, transform_indices = @transform_6, window_bounds = array<i64: 1, 128>}, {pipeline_mode = #tpu.pipeline_mode<synchronous>, transform_indices = @transform_7, window_bounds = array<i64: 1, 128>}, {pipeline_mode = #tpu.pipeline_mode<synchronous>, transform_indices = @transform_8, window_bounds = array<i64: 16, 1024>}]} {
    %eq3A = arith.constant 0 : i32
    %eq3A_0 = arith.cmpi eq, %arg0, %eq3A : i32
    %convert_element_type3A = arith.extui %eq3A_0 : i1 to i32
    %cond3A = arith.constant 0 : i32
    %cond3A_1 = arith.cmpi ne, %convert_element_type3A, %cond3A : i32
    scf.if %cond3A_1 {
      %broadcast_in_dim3A = arith.constant 0xFF800000 : f32
      %broadcast_in_dim3A_51 = vector.broadcast %broadcast_in_dim3A : f32 to vector<16x1024xf32>
      %swap3A = arith.constant 0 : index
      %swap3A_52 = arith.constant 0 : index
      %swap3A_53 = vector.load %arg11[%swap3A, %swap3A_52] : memref<16x1024xf32, #tpu.memory_space<vmem>>, vector<16x1024xf32>
      tpu.vector_store %arg11[%swap3A, %swap3A_52], %broadcast_in_dim3A_51 {strides = array<i32>} : memref<16x1024xf32, #tpu.memory_space<vmem>>, vector<16x1024xf32>,
    } else {
    }
    %get3A = arith.constant 0 : index
    %get3A_2 = arith.constant 0 : index
    %get3A_3 = vector.load %arg4[%get3A, %get3A_2] : memref<256x128xf32, #tpu.memory_space<vmem>>, vector<256x128xf32>
    %max3A = arith.constant 0.000000e+00 : f32
    %max3A_4 = vector.broadcast %max3A : f32 to vector<256x128xf32>
    %max3A_5 = arith.maximumf %get3A_3, %max3A_4 : vector<256x128xf32>
    %get3A_6 = arith.constant 0 : index
    %get3A_7 = arith.constant 0 : index
    %get3A_8 = vector.load %arg9[%get3A_6, %get3A_7] : memref<1x128xf32, #tpu.memory_space<vmem>>, vector<1x128xf32>
    %mul3A = vector.broadcast %get3A_8 : vector<1x128xf32> to vector<256x128xf32>
    %mul3A_9 = arith.mulf %max3A_5, %mul3A : vector<256x128xf32>
    %get3A_10 = arith.constant 0 : index
    %get3A_11 = arith.constant 0 : index
    %get3A_12 = vector.load %arg10[%get3A_10, %get3A_11] : memref<1x128xf32, #tpu.memory_space<vmem>>, vector<1x128xf32>
    %add3A = vector.broadcast %get3A_12 : vector<1x128xf32> to vector<256x128xf32>
    %add3A_13 = arith.addf %mul3A_9, %add3A : vector<256x128xf32>
    %get3A_14 = arith.constant 0 : index
    %get3A_15 = arith.constant 0 : index
    %get3A_16 = vector.load %arg3[%get3A_14, %get3A_15] : memref<256x64xf32, #tpu.memory_space<vmem>>, vector<256x64xf32>
    %get3A_17 = arith.constant 0 : index
    %get3A_18 = arith.constant 0 : index
    %get3A_19 = vector.load %arg6[%get3A_17, %get3A_18] : memref<1024x64xf32, #tpu.memory_space<vmem>>, vector<1024x64xf32>
    %dot_general3A = arith.constant dense<0.000000e+00> : vector<256x1024xf32>
    %dot_general3A_20 = tpu.matmul %get3A_16, %get3A_19, %dot_general3A {dimension_numbers = #tpu.dot_dimension_numbers<[1], [1], [0], [0], [0, 0, 1, 0], [], []>, transpose_lhs_hint = false} : vector<256x64xf32>, vector<1024x64xf32>, vector<256x1024xf32> -> vector<256x1024xf32>
    %get3A_21 = arith.constant 0 : index
    %get3A_22 = arith.constant 0 : index
    %get3A_23 = vector.load %arg7[%get3A_21, %get3A_22] : memref<1024x128xf32, #tpu.memory_space<vmem>>, vector<1024x128xf32>
    %dot_general3A_24 = arith.constant dense<0.000000e+00> : vector<256x1024xf32>
    %dot_general3A_25 = tpu.matmul %add3A_13, %get3A_23, %dot_general3A_24 {dimension_numbers = #tpu.dot_dimension_numbers<[1], [1], [0], [0], [0, 0, 1, 0], [], []>, transpose_lhs_hint = false} : vector<256x128xf32>, vector<1024x128xf32>, vector<256x1024xf32> -> vector<256x1024xf32>
    %add3A_26 = arith.addf %dot_general3A_20, %dot_general3A_25 : vector<256x1024xf32>
    %get3A_27 = arith.constant 0 : index
    %get3A_28 = arith.constant 0 : index
    %get3A_29 = vector.load %arg8[%get3A_27, %get3A_28] : memref<1x1024xf32, #tpu.memory_space<vmem>>, vector<1x1024xf32>
    %add3A_30 = vector.broadcast %get3A_29 : vector<1x1024xf32> to vector<256x1024xf32>
    %add3A_31 = arith.addf %add3A_26, %add3A_30 : vector<256x1024xf32>
    %get3A_32 = arith.index_cast %arg0 : i32 to index
    %get3A_33 = memref.load %arg1[%get3A_32] : memref<40xi32, #tpu.memory_space<smem>>
    %get3A_34 = arith.index_cast %arg0 : i32 to index
    %get3A_35 = memref.load %arg2[%get3A_34] : memref<40xi32, #tpu.memory_space<smem>>
    %get3A_36 = arith.constant 0 : index
    %get3A_37 = arith.constant 0 : index
    %get3A_38 = vector.load %arg5[%get3A_36, %get3A_37] : memref<256x1xi32, #tpu.memory_space<vmem>>, vector<256x1xi32>
    %add3A_39 = arith.constant 1 : i32
    %add3A_40 = arith.addi %get3A_35, %add3A_39 : i32
    %while3A = arith.constant 0 : i32
    %while3A_41 = arith.subi %add3A_40, %get3A_33 : i32
    %while3A_42 = arith.addi %get3A_33, %while3A_41 : i32
    %while3A_43 = arith.constant 1 : i32
    %while3A_44 = arith.divsi %while3A_41, %while3A_43 : i32
    %while3A_45 = arith.muli %while3A_44, %while3A_43 : i32
    %while3A_46 = arith.addi %get3A_33, %while3A_45 : i32
    %while3A_47 = arith.constant 1 : i32
    %while3A_48 = scf.for %while3A_51 = %get3A_33 to %while3A_46 step %while3A_47 iter_args(%while3A_52 = %while3A) -> (i32)  : i32 {
      %eq3A_53 = vector.broadcast %while3A_51 : i32 to vector<256x1xi32>
      %eq3A_54 = arith.cmpi eq, %get3A_38, %eq3A_53 : vector<256x1xi32>
      %jit3A = arith.constant 0xFF800000 : f32
      %broadcast_in_dim3A = vector.shape_cast %eq3A_54 : vector<256x1xi1> to vector<256x1xi1>
      %broadcast_in_dim3A_55 = vector.broadcast %broadcast_in_dim3A : vector<256x1xi1> to vector<256x1024xi1>
      %broadcast_in_dim3A_56 = vector.broadcast %jit3A : f32 to vector<256x1024xf32>
      %select_n3A = arith.select %broadcast_in_dim3A_55, %add3A_31, %broadcast_in_dim3A_56 : vector<256x1024xi1>, vector<256x1024xf32>
      %reduce_max3A = arith.constant dense<0xFF800000> : vector<1024xf32>
      %reduce_max3A_57 = vector.multi_reduction <maximumf>, %select_n3A, %reduce_max3A [0] : vector<256x1024xf32> to vector<1024xf32>
      %broadcast_in_dim3A_58 = vector.shape_cast %reduce_max3A_57 : vector<1024xf32> to vector<1x1024xf32>
      %get3A_59 = arith.index_cast %while3A_51 : i32 to index
      %get3A_60 = arith.constant 0 : index
      %get3A_61 = vector.load %arg11[%get3A_59, %get3A_60] : memref<16x1024xf32, #tpu.memory_space<vmem>>, vector<1x1024xf32>
      %max3A_62 = arith.maximumf %get3A_61, %broadcast_in_dim3A_58 : vector<1x1024xf32>
      %swap3A = arith.index_cast %while3A_51 : i32 to index
      %swap3A_63 = arith.constant 0 : index
      %swap3A_64 = vector.load %arg11[%swap3A, %swap3A_63] : memref<16x1024xf32, #tpu.memory_space<vmem>>, vector<1x1024xf32>
      tpu.vector_store %arg11[%swap3A, %swap3A_63], %max3A_62 {strides = array<i32>} : memref<16x1024xf32, #tpu.memory_space<vmem>>, vector<1x1024xf32>,
      %while3A_65 = arith.constant 0 : i32
      scf.yield %while3A_65 : i32
    }
    %while3A_49 = arith.constant 1 : i32
    %while3A_50 = scf.for %while3A_51 = %while3A_46 to %while3A_42 step %while3A_49 iter_args(%while3A_52 = %while3A_48) -> (i32)  : i32 {
      %eq3A_53 = vector.broadcast %while3A_51 : i32 to vector<256x1xi32>
      %eq3A_54 = arith.cmpi eq, %get3A_38, %eq3A_53 : vector<256x1xi32>
      %jit3A = arith.constant 0xFF800000 : f32
      %broadcast_in_dim3A = vector.shape_cast %eq3A_54 : vector<256x1xi1> to vector<256x1xi1>
      %broadcast_in_dim3A_55 = vector.broadcast %broadcast_in_dim3A : vector<256x1xi1> to vector<256x1024xi1>
      %broadcast_in_dim3A_56 = vector.broadcast %jit3A : f32 to vector<256x1024xf32>
      %select_n3A = arith.select %broadcast_in_dim3A_55, %add3A_31, %broadcast_in_dim3A_56 : vector<256x1024xi1>, vector<256x1024xf32>
      %reduce_max3A = arith.constant dense<0xFF800000> : vector<1024xf32>
      %reduce_max3A_57 = vector.multi_reduction <maximumf>, %select_n3A, %reduce_max3A [0] : vector<256x1024xf32> to vector<1024xf32>
      %broadcast_in_dim3A_58 = vector.shape_cast %reduce_max3A_57 : vector<1024xf32> to vector<1x1024xf32>
      %get3A_59 = arith.index_cast %while3A_51 : i32 to index
      %get3A_60 = arith.constant 0 : index
      %get3A_61 = vector.load %arg11[%get3A_59, %get3A_60] : memref<16x1024xf32, #tpu.memory_space<vmem>>, vector<1x1024xf32>
      %max3A_62 = arith.maximumf %get3A_61, %broadcast_in_dim3A_58 : vector<1x1024xf32>
      %swap3A = arith.index_cast %while3A_51 : i32 to index
      %swap3A_63 = arith.constant 0 : index
      %swap3A_64 = vector.load %arg11[%swap3A, %swap3A_63] : memref<16x1024xf32, #tpu.memory_space<vmem>>, vector<1x1024xf32>
      tpu.vector_store %arg11[%swap3A, %swap3A_63], %max3A_62 {strides = array<i32>} : memref<16x1024xf32, #tpu.memory_space<vmem>>, vector<1x1024xf32>,
      %while3A_65 = arith.constant 0 : i32
      scf.yield %while3A_65 : i32
    }
    return
  }
  func.func @transform_0(%arg0: i32, %arg1: memref<40xi32, #tpu.memory_space<smem>>, %arg2: memref<40xi32, #tpu.memory_space<smem>>) -> (i32, i32) {
    %c0_i32 = arith.constant 0 : i32
    %c0_i32_0 = arith.constant 0 : i32
    return %arg0, %c0_i32 : i32, i32
  }
  func.func @transform_1(%arg0: i32, %arg1: memref<40xi32, #tpu.memory_space<smem>>, %arg2: memref<40xi32, #tpu.memory_space<smem>>) -> (i32, i32) {
    %c0_i32 = arith.constant 0 : i32
    %c0_i32_0 = arith.constant 0 : i32
    return %arg0, %c0_i32 : i32, i32
  }
  func.func @transform_2(%arg0: i32, %arg1: memref<40xi32, #tpu.memory_space<smem>>, %arg2: memref<40xi32, #tpu.memory_space<smem>>) -> (i32, i32) {
    %c0_i32 = arith.constant 0 : i32
    %c0_i32_0 = arith.constant 0 : i32
    return %arg0, %c0_i32 : i32, i32
  }
  func.func @transform_3(%arg0: i32, %arg1: memref<40xi32, #tpu.memory_space<smem>>, %arg2: memref<40xi32, #tpu.memory_space<smem>>) -> (i32, i32) {
    %c0_i32 = arith.constant 0 : i32
    %c0_i32_0 = arith.constant 0 : i32
    %c0_i32_1 = arith.constant 0 : i32
    return %c0_i32, %c0_i32_0 : i32, i32
  }
  func.func @transform_4(%arg0: i32, %arg1: memref<40xi32, #tpu.memory_space<smem>>, %arg2: memref<40xi32, #tpu.memory_space<smem>>) -> (i32, i32) {
    %c0_i32 = arith.constant 0 : i32
    %c0_i32_0 = arith.constant 0 : i32
    %c0_i32_1 = arith.constant 0 : i32
    return %c0_i32, %c0_i32_0 : i32, i32
  }
  func.func @transform_5(%arg0: i32, %arg1: memref<40xi32, #tpu.memory_space<smem>>, %arg2: memref<40xi32, #tpu.memory_space<smem>>) -> (i32, i32) {
    %c0_i32 = arith.constant 0 : i32
    %c0_i32_0 = arith.constant 0 : i32
    %c0_i32_1 = arith.constant 0 : i32
    return %c0_i32, %c0_i32_0 : i32, i32
  }
  func.func @transform_6(%arg0: i32, %arg1: memref<40xi32, #tpu.memory_space<smem>>, %arg2: memref<40xi32, #tpu.memory_space<smem>>) -> (i32, i32) {
    %c0_i32 = arith.constant 0 : i32
    %c0_i32_0 = arith.constant 0 : i32
    %c0_i32_1 = arith.constant 0 : i32
    return %c0_i32, %c0_i32_0 : i32, i32
  }
  func.func @transform_7(%arg0: i32, %arg1: memref<40xi32, #tpu.memory_space<smem>>, %arg2: memref<40xi32, #tpu.memory_space<smem>>) -> (i32, i32) {
    %c0_i32 = arith.constant 0 : i32
    %c0_i32_0 = arith.constant 0 : i32
    %c0_i32_1 = arith.constant 0 : i32
    return %c0_i32, %c0_i32_0 : i32, i32
  }
  func.func @transform_8(%arg0: i32, %arg1: memref<40xi32, #tpu.memory_space<smem>>, %arg2: memref<40xi32, #tpu.memory_space<smem>>) -> (i32, i32) {
    %c0_i32 = arith.constant 0 : i32
    %c0_i32_0 = arith.constant 0 : i32
    %c0_i32_1 = arith.constant 0 : i32
    return %c0_i32, %c0_i32_0 : i32, i32
  }
}

module attributes {stable_mosaic.version = 14 : i64} {
  func.func @_head_body(%arg0: memref<8x1024xf32, #tpu.memory_space<vmem>>, %arg1: memref<1x1024xf32, #tpu.memory_space<vmem>>, %arg2: memref<1x1024xf32, #tpu.memory_space<vmem>>, %arg3: memref<512x1024xf32, #tpu.memory_space<vmem>>, %arg4: memref<1x512xf32, #tpu.memory_space<vmem>>, %arg5: memref<1x512xf32, #tpu.memory_space<vmem>>, %arg6: memref<1x512xf32, #tpu.memory_space<vmem>>, %arg7: memref<256x512xf32, #tpu.memory_space<vmem>>, %arg8: memref<1x256xf32, #tpu.memory_space<vmem>>, %arg9: memref<1x256xf32, #tpu.memory_space<vmem>>, %arg10: memref<1x256xf32, #tpu.memory_space<vmem>>, %arg11: memref<40x256xf32, #tpu.memory_space<vmem>>, %arg12: memref<1x40xf32, #tpu.memory_space<vmem>>, %arg13: memref<8x40xf32, #tpu.memory_space<vmem>>) attributes {dimension_semantics = [], scalar_prefetch = 0 : i64, scratch_operands = 0 : i64, tpu.core_type = #tpu.core_type<tc>} {
    %get3A = arith.constant 0 : index
    %get3A_0 = arith.constant 0 : index
    %get3A_1 = vector.load %arg0[%get3A, %get3A_0] : memref<8x1024xf32, #tpu.memory_space<vmem>>, vector<8x1024xf32>
    %max3A = arith.constant 0.000000e+00 : f32
    %max3A_2 = vector.broadcast %max3A : f32 to vector<8x1024xf32>
    %max3A_3 = arith.maximumf %get3A_1, %max3A_2 : vector<8x1024xf32>
    %get3A_4 = arith.constant 0 : index
    %get3A_5 = arith.constant 0 : index
    %get3A_6 = vector.load %arg1[%get3A_4, %get3A_5] : memref<1x1024xf32, #tpu.memory_space<vmem>>, vector<1x1024xf32>
    %mul3A = vector.broadcast %get3A_6 : vector<1x1024xf32> to vector<8x1024xf32>
    %mul3A_7 = arith.mulf %max3A_3, %mul3A : vector<8x1024xf32>
    %get3A_8 = arith.constant 0 : index
    %get3A_9 = arith.constant 0 : index
    %get3A_10 = vector.load %arg2[%get3A_8, %get3A_9] : memref<1x1024xf32, #tpu.memory_space<vmem>>, vector<1x1024xf32>
    %add3A = vector.broadcast %get3A_10 : vector<1x1024xf32> to vector<8x1024xf32>
    %add3A_11 = arith.addf %mul3A_7, %add3A : vector<8x1024xf32>
    %get3A_12 = arith.constant 0 : index
    %get3A_13 = arith.constant 0 : index
    %get3A_14 = vector.load %arg3[%get3A_12, %get3A_13] : memref<512x1024xf32, #tpu.memory_space<vmem>>, vector<512x1024xf32>
    %dot_general3A = arith.constant dense<0.000000e+00> : vector<8x512xf32>
    %dot_general3A_15 = tpu.matmul %add3A_11, %get3A_14, %dot_general3A {dimension_numbers = #tpu.dot_dimension_numbers<[1], [1], [0], [0], [0, 0, 1, 0], [], []>, transpose_lhs_hint = false} : vector<8x1024xf32>, vector<512x1024xf32>, vector<8x512xf32> -> vector<8x512xf32>
    %get3A_16 = arith.constant 0 : index
    %get3A_17 = arith.constant 0 : index
    %get3A_18 = vector.load %arg4[%get3A_16, %get3A_17] : memref<1x512xf32, #tpu.memory_space<vmem>>, vector<1x512xf32>
    %add3A_19 = vector.broadcast %get3A_18 : vector<1x512xf32> to vector<8x512xf32>
    %add3A_20 = arith.addf %dot_general3A_15, %add3A_19 : vector<8x512xf32>
    %max3A_21 = arith.constant 0.000000e+00 : f32
    %max3A_22 = vector.broadcast %max3A_21 : f32 to vector<8x512xf32>
    %max3A_23 = arith.maximumf %add3A_20, %max3A_22 : vector<8x512xf32>
    %get3A_24 = arith.constant 0 : index
    %get3A_25 = arith.constant 0 : index
    %get3A_26 = vector.load %arg5[%get3A_24, %get3A_25] : memref<1x512xf32, #tpu.memory_space<vmem>>, vector<1x512xf32>
    %mul3A_27 = vector.broadcast %get3A_26 : vector<1x512xf32> to vector<8x512xf32>
    %mul3A_28 = arith.mulf %max3A_23, %mul3A_27 : vector<8x512xf32>
    %get3A_29 = arith.constant 0 : index
    %get3A_30 = arith.constant 0 : index
    %get3A_31 = vector.load %arg6[%get3A_29, %get3A_30] : memref<1x512xf32, #tpu.memory_space<vmem>>, vector<1x512xf32>
    %add3A_32 = vector.broadcast %get3A_31 : vector<1x512xf32> to vector<8x512xf32>
    %add3A_33 = arith.addf %mul3A_28, %add3A_32 : vector<8x512xf32>
    %get3A_34 = arith.constant 0 : index
    %get3A_35 = arith.constant 0 : index
    %get3A_36 = vector.load %arg7[%get3A_34, %get3A_35] : memref<256x512xf32, #tpu.memory_space<vmem>>, vector<256x512xf32>
    %dot_general3A_37 = arith.constant dense<0.000000e+00> : vector<8x256xf32>
    %dot_general3A_38 = tpu.matmul %add3A_33, %get3A_36, %dot_general3A_37 {dimension_numbers = #tpu.dot_dimension_numbers<[1], [1], [0], [0], [0, 0, 1, 0], [], []>, transpose_lhs_hint = false} : vector<8x512xf32>, vector<256x512xf32>, vector<8x256xf32> -> vector<8x256xf32>
    %get3A_39 = arith.constant 0 : index
    %get3A_40 = arith.constant 0 : index
    %get3A_41 = vector.load %arg8[%get3A_39, %get3A_40] : memref<1x256xf32, #tpu.memory_space<vmem>>, vector<1x256xf32>
    %add3A_42 = vector.broadcast %get3A_41 : vector<1x256xf32> to vector<8x256xf32>
    %add3A_43 = arith.addf %dot_general3A_38, %add3A_42 : vector<8x256xf32>
    %max3A_44 = arith.constant 0.000000e+00 : f32
    %max3A_45 = vector.broadcast %max3A_44 : f32 to vector<8x256xf32>
    %max3A_46 = arith.maximumf %add3A_43, %max3A_45 : vector<8x256xf32>
    %get3A_47 = arith.constant 0 : index
    %get3A_48 = arith.constant 0 : index
    %get3A_49 = vector.load %arg9[%get3A_47, %get3A_48] : memref<1x256xf32, #tpu.memory_space<vmem>>, vector<1x256xf32>
    %mul3A_50 = vector.broadcast %get3A_49 : vector<1x256xf32> to vector<8x256xf32>
    %mul3A_51 = arith.mulf %max3A_46, %mul3A_50 : vector<8x256xf32>
    %get3A_52 = arith.constant 0 : index
    %get3A_53 = arith.constant 0 : index
    %get3A_54 = vector.load %arg10[%get3A_52, %get3A_53] : memref<1x256xf32, #tpu.memory_space<vmem>>, vector<1x256xf32>
    %add3A_55 = vector.broadcast %get3A_54 : vector<1x256xf32> to vector<8x256xf32>
    %add3A_56 = arith.addf %mul3A_51, %add3A_55 : vector<8x256xf32>
    %get3A_57 = arith.constant 0 : index
    %get3A_58 = arith.constant 0 : index
    %get3A_59 = vector.load %arg11[%get3A_57, %get3A_58] : memref<40x256xf32, #tpu.memory_space<vmem>>, vector<40x256xf32>
    %dot_general3A_60 = arith.constant dense<0.000000e+00> : vector<8x40xf32>
    %dot_general3A_61 = tpu.matmul %add3A_56, %get3A_59, %dot_general3A_60 {dimension_numbers = #tpu.dot_dimension_numbers<[1], [1], [0], [0], [0, 0, 1, 0], [], []>, transpose_lhs_hint = false} : vector<8x256xf32>, vector<40x256xf32>, vector<8x40xf32> -> vector<8x40xf32>
    %get3A_62 = arith.constant 0 : index
    %get3A_63 = arith.constant 0 : index
    %get3A_64 = vector.load %arg12[%get3A_62, %get3A_63] : memref<1x40xf32, #tpu.memory_space<vmem>>, vector<1x40xf32>
    %add3A_65 = vector.broadcast %get3A_64 : vector<1x40xf32> to vector<8x40xf32>
    %add3A_66 = arith.addf %dot_general3A_61, %add3A_65 : vector<8x40xf32>
    %swap3A = arith.constant 0 : index
    %swap3A_67 = arith.constant 0 : index
    %swap3A_68 = vector.load %arg13[%swap3A, %swap3A_67] : memref<8x40xf32, #tpu.memory_space<vmem>>, vector<8x40xf32>
    tpu.vector_store %arg13[%swap3A, %swap3A_67], %add3A_66 {strides = array<i32>} : memref<8x40xf32, #tpu.memory_space<vmem>>, vector<8x40xf32>,
    return
  }
}

</mosaic_0001>

<sc_bundles>
// kernel: kernel.12.cloned.1.call-start
scs
__scs_entry_jumppad:
0x0: {  	(pc) =	sbr.rel $0x88, $3  }
0x1: {  	(tag) =	ssettag $0x0;
	lr =	simm.s32 $0x1  }
0x2: {  	[smem:$0x3F80] =	sst lr;
	_ =	strace $0xD0000000  }
0x3: {  	_ = 	snop  }
0x4: {  	_ = 	snop  }
0x5: {  	_ = 	snop  }
0x6: {  	_ = 	snop  }
0x7: {  	_ = 	snop  }
__scs_overlays_trampoline_lowered:
0x8: {  	[smem:$0x3F8F] =	sst s0  }
0x9: {  	[smem:$0x3F90] =	sst s1  }
0xa: {  	[smem:$0x3F91] =	sst s2  }
0xb: {  	[smem:$0x3F92] =	sst s3  }
0xc: {  	[smem:$0x3F93] =	sst s4  }
0xd: {  	[smem:$0x3F94] =	sst s5  }
0xe: {  	[smem:$0x3F95] =	sst s6  }
0xf: {  	[smem:$0x3F96] =	sst s7  }
0x10: {  	[smem:$0x3F97] =	sst s8  }
0x11: {  	[smem:$0x3F98] =	sst s9;
	s0 =	simm.s32 @!p0 $0x0  }
0x12: {  	s1 =	sld [smem:$0x3F7E];
	s0 =	simm.s32 @p0 $0x1  }
0x13: {  	[smem:$0x3F99] =	sst s0;
	s0 =	simm.s32 @!p1 $0x0  }
0x14: {  	s2 =	sld [smem:$0x3F7D];
	s0 =	simm.s32 @p1 $0x1  }
0x15: {  	[smem:$0x3F9A] =	sst s0;
	s0 =	simm.s32 @!p2 $0x0  }
0x16: {  	s3 =	sld [smem:$0x3FDB];
	s0 =	simm.s32 @p2 $0x1  }
0x17: {  	s4 =	simm.s32 $0x1BF5;
	[smem:$0x3F9C] =	sst s0  }
0x18: {  	s0 =	sld [smem:$0x3F7F];
	_ =	swait.ge [sflag:s4], $0x0  }
0x19: {  	s7 =	sld [smem:$0x3F80]  }
0x1a: {  	s8 =	sadd.s32 $0xFFFFE003, lr  }
0x1b: {  	s9 =	sadd.s32 $0xFFFFFEF7, lr;
	s5 =	simm.s32 $0xFFFFFFFF;
	p2 =	slt.u32 s8, $0xFFFFF086  }
0x1c: {  	p1 =	slt.u32 s9, $0xF7A;
	s5 =	simm.s32 @!p2 $0x0  }
0x1d: {  	s5 =	simm.s32 @p1 $0x1;
	p0 =	seq.s32 s7, s2  }
0x1e: {  	s7 =	smul.u32 @!p0 $0xF7A, s2;
	p2 =	seq.s32 @!p0 s5, $0x0  }
0x1f: {  	s9 =	smul.u32 $0xF7A, s1;
	s8 =	simm.s32 @!p0 $0x1BF5;
	p2 =	por !p2, p0  }
0x20: {  	[sflag:s8] =	ssyncset.s32 @!p0 $0xFFFFF086;
	s6 =	sadd.s32 @!p0 s3, s7;
	s7 =	simm.s32 @!p0 $0x108  }
0x21: {  	s3 =	sadd.s32 s3, s9;
	s6 =	sadd.s32 @!p0 $0x88, s6;
	s7 =	simm.s32 @p2 $0x1082  }
0x22: {  	[simem:s7], [sflag:s8] =	dma.local @!p0 [hbm:s6], $0xF7A  }
0x23: {  	s9 =	sor.u32 $0xD0000000, s2;
	s6 =	simm.s32 $0x108;
	_ =	swait.ge @!p0 [sflag:s8], $0x0  }
0x24: {  	s3 =	sadd.s32 $0x88, s3;
	s6 =	simm.s32 @!p1 $0x1082;
	[sflag:s4] =	ssyncset.s32 $0xFFFFF086  }
0x25: {  	[simem:s6], [sflag:s4] =	dma.local [hbm:s3], $0xF7A  }
0x26: {  	[smem:$0x3F80] =	sst s1;
	(tag) =	ssettag s2;
	_ =	strace s9  }
0x27: {  	s1 =	sld [smem:$0x3F90]  }
0x28: {  	s2 =	sld [smem:$0x3F91]  }
0x29: {  	s4 =	sld [smem:$0x3F93]  }
0x2a: {  	p0 =	seq.s32 s5, $0x0;
	s5 =	sld [smem:$0x3F94]  }
0x2b: {  	s6 =	sld [smem:$0x3F95]  }
0x2c: {  	s7 =	sld [smem:$0x3F96]  }
0x2d: {  	s3 =	simm.s32 $0x108;
	s8 =	sld [smem:$0x3F97]  }
0x2e: {  	s3 =	simm.s32 @!p0 $0x1082;
	s9 =	sld [smem:$0x3F98]  }
0x2f: {  	lr =	sadd.s32 s0, s3;
	s0 =	sld [smem:$0x3F8F]  }
0x30: {  	s3 =	sld [smem:$0x3F92]  }
0x31: {  	[smem:$0x3F9B] =	sst s10  }
0x32: {  	s10 =	sld [smem:$0x3F99];
	_ =	sdelay $0x3  }
0x33: {  	p0 =	seq.s32 s10, $0x1;
	s10 =	sld [smem:$0x3F9B];
	_ =	sdelay $0x3  }
0x34: {  	[smem:$0x3F9B] =	sst s10  }
0x35: {  	s10 =	sld [smem:$0x3F9A];
	_ =	sdelay $0x3  }
0x36: {  	p1 =	seq.s32 s10, $0x1;
	s10 =	sld [smem:$0x3F9B];
	_ =	sdelay $0x3  }
0x37: {  	[smem:$0x3F9B] =	sst s10  }
0x38: {  	s10 =	sld [smem:$0x3F9C]  }
0x39: {  	_ = 	snop;
	(pc) =	sbr.ind lr, $3  }
0x3a: {  	_ = 	snop  }
0x3b: {  	_ = 	snop  }
0x3c: {  	p2 =	seq.s32 s10, $0x1;
	s10 =	sld [smem:$0x3F9B]  }
0x3d: {  	_ =	shalt  }
0x3e: {  	_ =	shalt  }
0x3f: {  	_ =	shalt  }
0x40: {  	_ =	shalt  }
0x41: {  	_ =	shalt  }
0x42: {  	_ =	shalt  }
0x43: {  	_ =	shalt  }
0x44: {  	_ =	shalt  }
0x45: {  	_ =	shalt  }
0x46: {  	_ =	shalt  }
0x47: {  	_ =	shalt  }
0x48: {  	_ =	shalt  }
0x49: {  	_ =	shalt  }
0x4a: {  	_ =	shalt  }
0x4b: {  	_ =	shalt  }
0x4c: {  	_ =	shalt  }
0x4d: {  	_ =	shalt  }
0x4e: {  	_ =	shalt  }
0x4f: {  	_ =	shalt  }
0x50: {  	_ =	shalt  }
0x51: {  	_ =	shalt  }
0x52: {  	_ =	shalt  }
0x53: {  	_ =	shalt  }
0x54: {  	_ =	shalt  }
0x55: {  	_ =	shalt  }
0x56: {  	_ =	shalt  }
0x57: {  	_ =	shalt  }
0x58: {  	_ =	shalt  }
0x59: {  	_ =	shalt  }
0x5a: {  	_ =	shalt  }
0x5b: {  	_ =	shalt  }
0x5c: {  	_ =	shalt  }
0x5d: {  	_ =	shalt  }
0x5e: {  	_ =	shalt  }
0x5f: {  	_ =	shalt  }
0x60: {  	_ =	shalt  }
0x61: {  	_ =	shalt  }
0x62: {  	_ =	shalt  }
0x63: {  	_ =	shalt  }
0x64: {  	_ =	shalt  }
0x65: {  	_ =	shalt  }
0x66: {  	_ =	shalt  }
0x67: {  	_ =	shalt  }
0x68: {  	_ =	shalt  }
0x69: {  	_ =	shalt  }
0x6a: {  	_ =	shalt  }
0x6b: {  	_ =	shalt  }
0x6c: {  	_ =	shalt  }
0x6d: {  	_ =	shalt  }
0x6e: {  	_ =	shalt  }
0x6f: {  	_ =	shalt  }
0x70: {  	_ =	shalt  }
0x71: {  	_ =	shalt  }
0x72: {  	_ =	shalt  }
0x73: {  	_ =	shalt  }
0x74: {  	_ =	shalt  }
0x75: {  	_ =	shalt  }
0x76: {  	_ =	shalt  }
0x77: {  	_ =	shalt  }
0x78: {  	_ =	shalt  }
0x79: {  	_ =	shalt  }
0x7a: {  	_ =	shalt  }
0x7b: {  	_ =	shalt  }
0x7c: {  	_ =	shalt  }
0x7d: {  	_ =	shalt  }
0x7e: {  	_ =	shalt  }
0x7f: {  	_ =	shalt  }
0x80: {  	_ =	shalt  }
0x81: {  	_ =	shalt  }
0x82: {  	_ =	shalt  }
0x83: {  	_ =	shalt  }
0x84: {  	_ =	shalt  }
0x85: {  	_ =	shalt  }
0x86: {  	_ =	shalt  }
0x87: {  	_ =	shalt  }
.Lfunc_end0:
.L_simem_size_0:
called_computation.2_lowered:
.L_overlay_start_0:
0x88: {  	s2 =	sld [smem:$0x3FD9]  }
0x89: {  	s3 =	sld [smem:$0x3FFE];
	_ =	sdelay $0x1  }
0x8a: {  	s1 =	srdreg.scid  }
0x8b: {  	s0 =	sand.u32 $0x1, s1  }
0x8c: {  	s16 =	sshll.u32 s0, $0xA;
	s2 =	sadd.s32 s3, s2  }
0x8d: {  	s2 =	sadd.s32 s2, s16  }
0x8e: {  	[smem:$0x3FA7] =	sst s2  }
0x8f: {  	_ = 	snop  }
0x90: {  	(tm) =	ssettm $0x1  }
0x91: {  	s17 =	sld [smem:$0x3FFB];
	_ =	sdelay $0x3  }
0x92: {  	_ =	strace s17  }
0x93: {  	s2 =	sld [smem:$0x3FFC];
	_ =	sdelay $0x3  }
0x94: {  	_ =	strace s2  }
0x95: {  	s2 =	sld [smem:$0x3FFD];
	_ =	sdelay $0x3  }
0x96: {  	_ =	strace s2  }
0x97: {  	_ =	strace $0x8FFFFFFF  }
0x98: {  	s18 =	sld [smem:$0x3FDB];
	_ =	sdelay $0x1  }
0x99: {  	s19 =	simm.s32 $_scs_section_size  }
0x9a: {  	s4 =	simm.s32 $_size__tile_overlayer_lowered;
	s5 =	simm.s32 $_tile_overlayer_lowered  }
0x9b: {  	s22 =	simm.s32 $0x1BFF;
	s21 =	sshll.u32 s5, $0x1;
	s2 =	sadd.s32 s19, s18  }
0x9c: {  	s6 =	simm.s32 $0x0;
	s20 =	sshll.u32 s4, $0x1;
	s4 =	sadd.s32 s21, s2  }
0x9d: {  	[timem:s6], [sflag:s22] =	dma.local [hbm:s4], s20  }
0x9e: {  	_ =	swait.ge [sflag:s22], s20  }
0x9f: {  	s3 =	ssub.s32 $0x0, s20;
	[sflag:s22] =	ssyncset.done $0x0  }
0xa0: {  	[sflag:s22] =	ssyncadd.s32 s3;
	_ =	sdelay $0x1  }
0xa1: {  	s23 =	simm.s32 $0x1B8B  }
0xa2: {  	_ =	swait.ge [sflag:s23], $0x1  }
0xa3: {  	[sflag:s23] =	ssyncset.done $0x0  }
0xa4: {  	s25 =	simm.s32 $0x1B8E;
	s24 =	sld [smem:$0x3FFE];
	[sflag:s23] =	ssyncadd.s32 $0xFFFFFFFF  }
0xa5: {  	s26 =	simm.s32 $execute0_lowered;
	[smem:$0x3FD2] =	sst s25  }
0xa6: {  	s4 =	sshll.u32 s26, $0x1;
	_ =	strace $0x8000004C;
	[dreg:$0x1] =	wrdreg $0xFFFFFFFF  }
0xa7: {  	s28 =	simm.s32 $_size_execute0_lowered;
	s2 =	sadd.s32 s2, s4;
	[dreg:$0x0] =	wrdreg $0x0  }
0xa8: {  	s4 =	sshll.u32 s28, $0x1;
	[dreg:$0x2] =	wrdreg s2  }
0xa9: {  	[dreg:$0x3] =	wrdreg s4  }
0xaa: {  	[dreg:$0x4] =	wrdreg $0xC0  }
0xab: {  	_ =	task [dreg:s6], $0x5FFFF  }
0xac: {  	[dreg:$0x1] =	wrdreg $0xFFFFFFFF  }
0xad: {  	[dreg:$0x0] =	wrdreg $0x60  }
0xae: {  	[dreg:$0x2] =	wrdreg s24  }
0xaf: {  	[dreg:$0x3] =	wrdreg $0x9  }
0xb0: {  	_ =	task.clear_ibuf [dreg:s6], $0x4FFFF;
	_ =	strace $0x9000004C  }
0xb1: {  	s29 =	simm.s32 $0x9;
	_ =	strace $0x8000004E  }
0xb2: {  	_ =	swait.ge [sflag:s29], $0x1  }
0xb3: {  	[sflag:s29] =	ssyncadd.s32 $0xFFFFFFFF  }
0xb4: {  	_ =	strace $0x9000004E  }
0xb5: {  	_ =	sfence  }
0xb6: {  	s30 =	sld [smem:$0x0];
	_ =	sdelay $0x2  }
0xb7: {  	s31 =	sshll.u32 s1, $0xD;
	s1 =	sshrl.u32 s1, $0x2  }
0xb8: {  	s3 =	sand.u32 $0x4000, s31;
	s1 =	sadd.s32 s1, s30  }
0xb9: {  	s0 =	sor.u32 s3, s0;
	s1 =	sshll.u32 s1, $0x11  }
0xba: {  	s0 =	sor.u32 s1, s0  }
0xbb: {  	s0 =	sadd.s32 $0x8F2B, s0  }
0xbc: {  	[sflag:s0] =	ssyncadd.remote.s32 $0x1  }
0xbd: {  	_ =	sfence.sel $0xFFFF  }
0xbe: {  	[dreg:$0x0] =	wrdreg $0xFFFFFFFF;
	(pc) =	sbr.abs _section_cstart, $3  }
0xbf: {  	[dreg:$0x1] =	wrdreg $0xFFFFFFFF  }
0xc0: {  	_ =	task.clear_ibuf [dreg:s6], $0x2FFFF;
	_ =	strace $0x9FFFFFFF  }
0xc1: {  	(tm) =	ssettm $0x7FFFFFFF  }
tec
execute0_lowered:
.L_overlay_start_1:
0x0: {  	(tag) =	ssettag $0x1  }
0x1: {  	v0 =	vlaneseq.u32  }
0x2: {  	v1 =	vor.u32 $0x80, v0;
	v2 =	vor.u32 $0x100, v0;
	v3 =	vor.u32 $0x180, v0  }
0x3: {  	v4 =	vor.u32 $0x200, v0;
	v5 =	vor.u32 $0x10, v0;
	v6 =	vor.u32 $0x90, v0  }
0x4: {  	v7 =	vor.u32 $0x110, v0;
	v8 =	vor.u32 $0x190, v0;
	v9 =	vor.u32 $0x210, v0  }
0x5: {  	s6 =	rddreg [dreg:$0x0];
	v10 =	vor.u32 $0x20, v0;
	v11 =	vor.u32 $0xA0, v0;
	v12 =	vor.u32 $0x120, v0  }
0x6: {  	s0 =	rddreg [dreg:$0x1];
	s1 =	simm.s32 $0x0;
	v13 =	vor.u32 $0x1A0, v0;
	v14 =	vor.u32 $0x220, v0;
	v15 =	vor.u32 $0x30, v0  }
0x7: {  	s3 =	srdreg.scid;
	s11 =	simm.s32 $0x140;
	s12 =	simm.s32 $0x2000;
	v16 =	vor.u32 $0xB0, v0;
	v17 =	vor.u32 $0x130, v0;
	v18 =	vor.u32 $0x1B0, v0  }
0x8: {  	s13 =	simm.s32 $0x1;
	s14 =	simm.s32 $0xC140;
	s15 =	simm.s32 $0x0;
	v19 =	vor.u32 $0x230, v0;
	v20 =	vor.u32 $0x40, v0;
	v21 =	vor.u32 $0xC0, v0  }
0x9: {  	s20 =	simm.s32 $0x0;
	[smem:$0x7FF] =	sst s1;
	s2 =	sadd.s32 $0x7A200, s6;
	v22 =	vor.u32 $0x140, v0;
	v23 =	vor.u32 $0x1C0, v0;
	v24 =	vor.u32 $0x240, v0  }
0xa: {  	s7 =	sand.u32 $0x1, s3;
	s4 =	sadd.s32 $0x52200, s6;
	s3 =	stileid.u32;
	v25 =	vor.u32 $0x50, v0;
	v26 =	vor.u32 $0xD0, v0;
	v27 =	vor.u32 $0x150, v0  }
0xb: {  	s5 =	sadd.s32 $0x3000, s6;
	s6 =	sadd.s32 $0xA2200, s6;
	v28 =	vor.u32 $0x1D0, v0;
	v29 =	vor.u32 $0x250, v0;
	v30 =	vor.u32 $0x60, v0;
	s8 =	ssub.s32 $0x2, s7  }
0xc: {  	v31 =	vor.u32 $0xE0, v0;
	v32 =	vor.u32 $0x160, v0;
	v33 =	vor.u32 $0x1E0, v0;
	_ =	strace $0x8000004D;
	s10 =	sshll.u32 s3, $0x1;
	s9 =	sshrl.u32 s8, $0x1  }
0xd: {  	v34 =	vor.u32 $0x260, v0;
	v35 =	vor.u32 $0x70, v0;
	v36 =	vor.u32 $0xF0, v0;
	s7 =	sor.u32 s7, s10;
	s10 =	simm.s32 $0xC000;
	s8 =	ssub.s32 s8, s9  }
0xe: {  	v37 =	vor.u32 $0x170, v0;
	v38 =	vor.u32 $0x1F0, v0;
	v39 =	vor.u32 $0x270, v0;
	s7 =	smul.u32 $0x140, s7;
	s9 =	simm.s32 $0x2;
	s8 =	smax.u32 s8, $0x1  }
.LBB2_1:
0xf: {  	s16 =	simm.s32 $0x0  }
.LBB2_2:
0x10: {  	s17 =	sshll.u32 s16, $0x6  }
0x11: {  	s18 =	sadd.s32 s7, s17  }
0x12: {  	s17 =	sshll.u32 s18, $0x4  }
0x13: {  	s18 =	smul.u32 $0x5, s18;
	s19 =	sadd.s32 s2, s17  }
0x14: {  	[tilespmem:s20], [sflag:$0x2] =	stream.linear.gather [hbm4b:s19+s20], $0x2000, $0x38;
	[tilespmem:$0xE140] =	vst v63  }
0x15: {  	_ =	swait.ge [sflag:s9], $0x2000  }
0x16: {  	s18 =	sshrl.u32 s18, $0x3;
	[sflag:s9] =	ssyncset.done $0x0  }
0x17: {  	s18 =	sadd.s32 s5, s18;
	[sflag:s9] =	ssyncadd.s32 $0xFFFFE000  }
0x18: {  	v41 =	vmov s20;
	[tilespmem:s10], [sflag:$0x2] =	stream.linear.gather [hbm4b:s18+s20], $0x140, $0x38;
	[tilespmem:$0xE140] =	vst v63  }
0x19: {  	v40 =	vmul.u32 $0x280, v41;
	_ =	swait.ge [sflag:s9], $0x140  }
0x1a: {  	[sflag:s9] =	ssyncset.done $0x0  }
0x1b: {  	v42 =	vor.u32 v0, v40;
	[sflag:s9] =	ssyncadd.s32 $0xFFFFFEC0  }
0x1c: {  	v43 =	vadd.s32 v1, v40;
	[tilespmem:s12], [sflag:$0x1] =	stream.indirect.gather [hbm4b:s4+s11], $0x80, s10, s11, $0xb8;
	[tilespmem:$0xE140] =	vst v63  }
0x1d: {  	v44 =	vadd.s32 v2, v40;
	_ =	swait.ge [sflag:s13], $0xA000  }
0x1e: {  	v45 =	vadd.s32 v3, v40;
	[sflag:s13] =	ssyncset.done $0x0  }
0x1f: {  	v41 =	vshll.u32 v41, $0x7;
	v46 =	vadd.s32 v4, v40;
	[sflag:s13] =	ssyncadd.s32 $0xFFFF6000  }
0x20: {  	v47 =	vor.u32 v0, v41;
	v42 =	vld.idx.msk [tilespmem:v42+s12+$0x0], $0xffff  }
0x21: {  	v43 =	vld.idx.msk [tilespmem:v43+s12+$0x0], $0xffff  }
0x22: {  	v44 =	vld.idx.msk [tilespmem:v44+s12+$0x0], $0xffff  }
0x23: {  	v45 =	vld.idx.msk [tilespmem:v45+s12+$0x0], $0xffff  }
0x24: {  	v46 =	vld.idx.msk [tilespmem:v46+s12+$0x0], $0xffff  }
0x25: {  	v48 =	vld.idx.msk [tilespmem:v47+s1+$0x0], $0xffff  }
0x26: {  	v42 =	vmax.f32 v42, v43  }
0x27: {  	v42 =	vmax.f32 v42, v44  }
0x28: {  	v57 =	vor.u32 v5, v40;
	v42 =	vmax.f32 v42, v45  }
0x29: {  	v58 =	vadd.s32 v6, v40;
	v42 =	vmax.f32 v42, v46  }
0x2a: {  	v59 =	vadd.s32 v7, v40;
	v42 =	vadd.f32 v42, v48  }
0x2b: {  	v60 =	vadd.s32 v8, v40  }
0x2c: {  	v61 =	vadd.s32 v9, v40;
	[tilespmem:v47+s14+$0x0] =	vst.idx.msk $0xffff, v42  }
0x2d: {  	v62 =	vor.u32 v5, v41;
	v43 =	vld.idx.msk [tilespmem:v57+s12+$0x0], $0xffff  }
0x2e: {  	v44 =	vld.idx.msk [tilespmem:v58+s12+$0x0], $0xffff  }
0x2f: {  	v45 =	vld.idx.msk [tilespmem:v59+s12+$0x0], $0xffff  }
0x30: {  	v46 =	vld.idx.msk [tilespmem:v60+s12+$0x0], $0xffff  }
0x31: {  	v42 =	vld.idx.msk [tilespmem:v61+s12+$0x0], $0xffff  }
0x32: {  	v63 =	vld.idx.msk [tilespmem:v62+s1+$0x0], $0xffff  }
0x33: {  	v43 =	vmax.f32 v43, v44  }
0x34: {  	v43 =	vmax.f32 v43, v45  }
0x35: {  	v50 =	vor.u32 v10, v40;
	v43 =	vmax.f32 v43, v46  }
0x36: {  	v51 =	vadd.s32 v11, v40;
	v42 =	vmax.f32 v43, v42  }
0x37: {  	v52 =	vadd.s32 v12, v40;
	v42 =	vadd.f32 v42, v63  }
0x38: {  	v53 =	vadd.s32 v13, v40  }
0x39: {  	v54 =	vadd.s32 v14, v40;
	[tilespmem:v62+s14+$0x0] =	vst.idx.msk $0xffff, v42  }
0x3a: {  	v55 =	vor.u32 v10, v41;
	v44 =	vld.idx.msk [tilespmem:v50+s12+$0x0], $0xffff  }
0x3b: {  	v43 =	vld.idx.msk [tilespmem:v51+s12+$0x0], $0xffff  }
0x3c: {  	v45 =	vld.idx.msk [tilespmem:v52+s12+$0x0], $0xffff  }
0x3d: {  	v46 =	vld.idx.msk [tilespmem:v53+s12+$0x0], $0xffff  }
0x3e: {  	v42 =	vld.idx.msk [tilespmem:v54+s12+$0x0], $0xffff  }
0x3f: {  	v56 =	vld.idx.msk [tilespmem:v55+s1+$0x0], $0xffff  }
0x40: {  	v43 =	vmax.f32 v44, v43  }
0x41: {  	v43 =	vmax.f32 v43, v45  }
0x42: {  	v57 =	vadd.s32 v16, v40;
	v43 =	vmax.f32 v43, v46  }
0x43: {  	v58 =	vor.u32 v15, v40;
	v42 =	vmax.f32 v43, v42  }
0x44: {  	v59 =	vadd.s32 v17, v40;
	v42 =	vadd.f32 v42, v56  }
0x45: {  	v60 =	vadd.s32 v18, v40  }
0x46: {  	v61 =	vadd.s32 v19, v40;
	[tilespmem:v55+s14+$0x0] =	vst.idx.msk $0xffff, v42  }
0x47: {  	v62 =	vor.u32 v15, v41;
	v44 =	vld.idx.msk [tilespmem:v57+s12+$0x0], $0xffff  }
0x48: {  	v43 =	vld.idx.msk [tilespmem:v58+s12+$0x0], $0xffff  }
0x49: {  	v45 =	vld.idx.msk [tilespmem:v59+s12+$0x0], $0xffff  }
0x4a: {  	v46 =	vld.idx.msk [tilespmem:v60+s12+$0x0], $0xffff  }
0x4b: {  	v42 =	vld.idx.msk [tilespmem:v61+s12+$0x0], $0xffff  }
0x4c: {  	v63 =	vld.idx.msk [tilespmem:v62+s1+$0x0], $0xffff  }
0x4d: {  	v43 =	vmax.f32 v43, v44  }
0x4e: {  	v43 =	vmax.f32 v43, v45  }
0x4f: {  	v51 =	vor.u32 v20, v40;
	v43 =	vmax.f32 v43, v46  }
0x50: {  	v52 =	vadd.s32 v21, v40;
	v42 =	vmax.f32 v43, v42  }
0x51: {  	v53 =	vadd.s32 v22, v40;
	v42 =	vadd.f32 v42, v63  }
0x52: {  	v54 =	vadd.s32 v23, v40  }
0x53: {  	v55 =	vadd.s32 v24, v40;
	[tilespmem:v62+s14+$0x0] =	vst.idx.msk $0xffff, v42  }
0x54: {  	v56 =	vor.u32 v20, v41;
	v44 =	vld.idx.msk [tilespmem:v51+s12+$0x0], $0xffff  }
0x55: {  	v43 =	vld.idx.msk [tilespmem:v52+s12+$0x0], $0xffff  }
0x56: {  	v45 =	vld.idx.msk [tilespmem:v53+s12+$0x0], $0xffff  }
0x57: {  	v46 =	vld.idx.msk [tilespmem:v54+s12+$0x0], $0xffff  }
0x58: {  	v42 =	vld.idx.msk [tilespmem:v55+s12+$0x0], $0xffff  }
0x59: {  	v57 =	vld.idx.msk [tilespmem:v56+s1+$0x0], $0xffff  }
0x5a: {  	v43 =	vmax.f32 v44, v43  }
0x5b: {  	v43 =	vmax.f32 v43, v45  }
0x5c: {  	v58 =	vadd.s32 v26, v40;
	v43 =	vmax.f32 v43, v46  }
0x5d: {  	v59 =	vor.u32 v25, v40;
	v42 =	vmax.f32 v43, v42  }
0x5e: {  	v60 =	vadd.s32 v27, v40;
	v42 =	vadd.f32 v42, v57  }
0x5f: {  	v61 =	vadd.s32 v28, v40  }
0x60: {  	v62 =	vadd.s32 v29, v40;
	[tilespmem:v56+s14+$0x0] =	vst.idx.msk $0xffff, v42  }
0x61: {  	v63 =	vor.u32 v25, v41;
	v44 =	vld.idx.msk [tilespmem:v58+s12+$0x0], $0xffff  }
0x62: {  	v43 =	vld.idx.msk [tilespmem:v59+s12+$0x0], $0xffff  }
0x63: {  	v45 =	vld.idx.msk [tilespmem:v60+s12+$0x0], $0xffff  }
0x64: {  	v46 =	vld.idx.msk [tilespmem:v61+s12+$0x0], $0xffff  }
0x65: {  	v42 =	vld.idx.msk [tilespmem:v62+s12+$0x0], $0xffff  }
0x66: {  	v47 =	vld.idx.msk [tilespmem:v63+s1+$0x0], $0xffff  }
0x67: {  	v43 =	vmax.f32 v43, v44  }
0x68: {  	v43 =	vmax.f32 v43, v45  }
0x69: {  	v43 =	vmax.f32 v43, v46  }
0x6a: {  	v49 =	vor.u32 v30, v40;
	v42 =	vmax.f32 v43, v42  }
0x6b: {  	v42 =	vadd.f32 v42, v47;
	v47 =	vadd.s32 v31, v40  }
0x6c: {  	v44 =	vadd.s32 v32, v40  }
0x6d: {  	v45 =	vadd.s32 v33, v40  }
0x6e: {  	v46 =	vadd.s32 v34, v40;
	[tilespmem:v63+s14+$0x0] =	vst.idx.msk $0xffff, v42  }
0x6f: {  	s18 =	simm.s32 $0x1;
	v42 =	vor.u32 v30, v41;
	v43 =	vld.idx.msk [tilespmem:v49+s12+$0x0], $0xffff  }
.LBB2_3:
0x70: {  	p0 =	sne.s32 s18, $0x3F;
	v47 =	vld.idx.msk [tilespmem:v47+s12+$0x0], $0xffff;
	s19 =	smov.u32 s18;
	s18 =	sadd.s32 $0x1, s18  }
0x71: {  	v48 =	vmov s19;
	v44 =	vld.idx.msk [tilespmem:v44+s12+$0x0], $0xffff  }
0x72: {  	v49 =	vmul.u32 $0x280, v48;
	v48 =	vshll.u32 v48, $0x7;
	v45 =	vld.idx.msk [tilespmem:v45+s12+$0x0], $0xffff  }
0x73: {  	v46 =	vld.idx.msk [tilespmem:v46+s12+$0x0], $0xffff  }
0x74: {  	v50 =	vor.u32 v0, v49;
	v51 =	vadd.s32 v1, v49;
	v52 =	vld.idx.msk [tilespmem:v42+s1+$0x0], $0xffff  }
0x75: {  	v53 =	vadd.s32 v2, v49  }
0x76: {  	v43 =	vmax.f32 v43, v47  }
0x77: {  	v47 =	vadd.s32 v3, v49;
	v43 =	vmax.f32 v43, v44  }
0x78: {  	v44 =	vor.u32 v35, v40;
	v43 =	vmax.f32 v43, v45  }
0x79: {  	v45 =	vadd.s32 v36, v40;
	v43 =	vmax.f32 v43, v46  }
0x7a: {  	v46 =	vadd.s32 v4, v49;
	v43 =	vadd.f32 v43, v52;
	v52 =	vadd.s32 v37, v40  }
0x7b: {  	v54 =	vadd.s32 v38, v40  }
0x7c: {  	[tilespmem:v42+s14+$0x0] =	vst.idx.msk $0xffff, v43;
	v42 =	vadd.s32 v39, v40;
	v40 =	vmov v49  }
0x7d: {  	v43 =	vld.idx.msk [tilespmem:v44+s12+$0x0], $0xffff;
	v44 =	vor.u32 v35, v41;
	v41 =	vmov v48  }
0x7e: {  	v45 =	vld.idx.msk [tilespmem:v45+s12+$0x0], $0xffff  }
0x7f: {  	v48 =	vld.idx.msk [tilespmem:v52+s12+$0x0], $0xffff  }
0x80: {  	v49 =	vld.idx.msk [tilespmem:v54+s12+$0x0], $0xffff  }
0x81: {  	v42 =	vld.idx.msk [tilespmem:v42+s12+$0x0], $0xffff  }
0x82: {  	v52 =	vld.idx.msk [tilespmem:v44+s1+$0x0], $0xffff;
	_ =	sdelay $0x1  }
0x83: {  	v43 =	vmax.f32 v43, v45  }
0x84: {  	v43 =	vmax.f32 v43, v48  }
0x85: {  	v43 =	vmax.f32 v43, v49  }
0x86: {  	v42 =	vmax.f32 v43, v42  }
0x87: {  	v42 =	vadd.f32 v42, v52;
	_ =	sdelay $0x1  }
0x88: {  	[tilespmem:v44+s14+$0x0] =	vst.idx.msk $0xffff, v42  }
0x89: {  	v43 =	vor.u32 v0, v41;
	v42 =	vld.idx.msk [tilespmem:v50+s12+$0x0], $0xffff  }
0x8a: {  	v44 =	vld.idx.msk [tilespmem:v51+s12+$0x0], $0xffff  }
0x8b: {  	v45 =	vld.idx.msk [tilespmem:v53+s12+$0x0], $0xffff  }
0x8c: {  	v47 =	vld.idx.msk [tilespmem:v47+s12+$0x0], $0xffff  }
0x8d: {  	v46 =	vld.idx.msk [tilespmem:v46+s12+$0x0], $0xffff  }
0x8e: {  	v48 =	vld.idx.msk [tilespmem:v43+s1+$0x0], $0xffff;
	_ =	sdelay $0x1  }
0x8f: {  	v42 =	vmax.f32 v42, v44  }
0x90: {  	v42 =	vmax.f32 v42, v45  }
0x91: {  	v44 =	vor.u32 v5, v40;
	v42 =	vmax.f32 v42, v47  }
0x92: {  	v45 =	vadd.s32 v6, v40;
	v42 =	vmax.f32 v42, v46  }
0x93: {  	v46 =	vadd.s32 v7, v40;
	v42 =	vadd.f32 v42, v48  }
0x94: {  	v47 =	vadd.s32 v8, v40  }
0x95: {  	[tilespmem:v43+s14+$0x0] =	vst.idx.msk $0xffff, v42;
	v42 =	vadd.s32 v9, v40  }
0x96: {  	v43 =	vld.idx.msk [tilespmem:v44+s12+$0x0], $0xffff;
	v44 =	vor.u32 v5, v41  }
0x97: {  	v45 =	vld.idx.msk [tilespmem:v45+s12+$0x0], $0xffff  }
0x98: {  	v46 =	vld.idx.msk [tilespmem:v46+s12+$0x0], $0xffff  }
0x99: {  	v47 =	vld.idx.msk [tilespmem:v47+s12+$0x0], $0xffff  }
0x9a: {  	v42 =	vld.idx.msk [tilespmem:v42+s12+$0x0], $0xffff  }
0x9b: {  	v48 =	vld.idx.msk [tilespmem:v44+s1+$0x0], $0xffff;
	_ =	sdelay $0x1  }
0x9c: {  	v43 =	vmax.f32 v43, v45  }
0x9d: {  	v43 =	vmax.f32 v43, v46  }
0x9e: {  	v45 =	vor.u32 v10, v40;
	v43 =	vmax.f32 v43, v47  }
0x9f: {  	v42 =	vmax.f32 v43, v42;
	v43 =	vadd.s32 v11, v40  }
0xa0: {  	v46 =	vadd.s32 v12, v40;
	v42 =	vadd.f32 v42, v48  }
0xa1: {  	v47 =	vadd.s32 v13, v40  }
0xa2: {  	[tilespmem:v44+s14+$0x0] =	vst.idx.msk $0xffff, v42;
	v42 =	vadd.s32 v14, v40  }
0xa3: {  	v44 =	vld.idx.msk [tilespmem:v45+s12+$0x0], $0xffff;
	v45 =	vor.u32 v10, v41  }
0xa4: {  	v43 =	vld.idx.msk [tilespmem:v43+s12+$0x0], $0xffff  }
0xa5: {  	v46 =	vld.idx.msk [tilespmem:v46+s12+$0x0], $0xffff  }
0xa6: {  	v47 =	vld.idx.msk [tilespmem:v47+s12+$0x0], $0xffff  }
0xa7: {  	v42 =	vld.idx.msk [tilespmem:v42+s12+$0x0], $0xffff  }
0xa8: {  	v48 =	vld.idx.msk [tilespmem:v45+s1+$0x0], $0xffff;
	_ =	sdelay $0x1  }
0xa9: {  	v43 =	vmax.f32 v44, v43  }
0xaa: {  	v43 =	vmax.f32 v43, v46  }
0xab: {  	v44 =	vadd.s32 v16, v40;
	v43 =	vmax.f32 v43, v47  }
0xac: {  	v42 =	vmax.f32 v43, v42;
	v43 =	vor.u32 v15, v40  }
0xad: {  	v46 =	vadd.s32 v17, v40;
	v42 =	vadd.f32 v42, v48  }
0xae: {  	v47 =	vadd.s32 v18, v40  }
0xaf: {  	[tilespmem:v45+s14+$0x0] =	vst.idx.msk $0xffff, v42;
	v42 =	vadd.s32 v19, v40  }
0xb0: {  	v45 =	vor.u32 v15, v41;
	v44 =	vld.idx.msk [tilespmem:v44+s12+$0x0], $0xffff  }
0xb1: {  	v43 =	vld.idx.msk [tilespmem:v43+s12+$0x0], $0xffff  }
0xb2: {  	v46 =	vld.idx.msk [tilespmem:v46+s12+$0x0], $0xffff  }
0xb3: {  	v47 =	vld.idx.msk [tilespmem:v47+s12+$0x0], $0xffff  }
0xb4: {  	v42 =	vld.idx.msk [tilespmem:v42+s12+$0x0], $0xffff  }
0xb5: {  	v48 =	vld.idx.msk [tilespmem:v45+s1+$0x0], $0xffff;
	_ =	sdelay $0x1  }
0xb6: {  	v43 =	vmax.f32 v43, v44  }
0xb7: {  	v43 =	vmax.f32 v43, v46  }
0xb8: {  	v44 =	vor.u32 v20, v40;
	v43 =	vmax.f32 v43, v47  }
0xb9: {  	v42 =	vmax.f32 v43, v42;
	v43 =	vadd.s32 v21, v40  }
0xba: {  	v46 =	vadd.s32 v22, v40;
	v42 =	vadd.f32 v42, v48  }
0xbb: {  	v47 =	vadd.s32 v23, v40  }
0xbc: {  	[tilespmem:v45+s14+$0x0] =	vst.idx.msk $0xffff, v42;
	v42 =	vadd.s32 v24, v40  }
0xbd: {  	v45 =	vor.u32 v20, v41;
	v44 =	vld.idx.msk [tilespmem:v44+s12+$0x0], $0xffff  }
0xbe: {  	v43 =	vld.idx.msk [tilespmem:v43+s12+$0x0], $0xffff  }
0xbf: {  	v46 =	vld.idx.msk [tilespmem:v46+s12+$0x0], $0xffff  }
0xc0: {  	v47 =	vld.idx.msk [tilespmem:v47+s12+$0x0], $0xffff  }
0xc1: {  	v42 =	vld.idx.msk [tilespmem:v42+s12+$0x0], $0xffff  }
0xc2: {  	v48 =	vld.idx.msk [tilespmem:v45+s1+$0x0], $0xffff;
	_ =	sdelay $0x1  }
0xc3: {  	v43 =	vmax.f32 v44, v43  }
0xc4: {  	v43 =	vmax.f32 v43, v46  }
0xc5: {  	v44 =	vadd.s32 v26, v40;
	v43 =	vmax.f32 v43, v47  }
0xc6: {  	v42 =	vmax.f32 v43, v42;
	v43 =	vor.u32 v25, v40  }
0xc7: {  	v46 =	vadd.s32 v27, v40;
	v42 =	vadd.f32 v42, v48  }
0xc8: {  	v47 =	vadd.s32 v28, v40  }
0xc9: {  	[tilespmem:v45+s14+$0x0] =	vst.idx.msk $0xffff, v42;
	v42 =	vadd.s32 v29, v40  }
0xca: {  	v48 =	vor.u32 v25, v41;
	v44 =	vld.idx.msk [tilespmem:v44+s12+$0x0], $0xffff  }
0xcb: {  	v43 =	vld.idx.msk [tilespmem:v43+s12+$0x0], $0xffff  }
0xcc: {  	v45 =	vld.idx.msk [tilespmem:v46+s12+$0x0], $0xffff  }
0xcd: {  	v46 =	vld.idx.msk [tilespmem:v47+s12+$0x0], $0xffff  }
0xce: {  	v42 =	vld.idx.msk [tilespmem:v42+s12+$0x0], $0xffff  }
0xcf: {  	v49 =	vld.idx.msk [tilespmem:v48+s1+$0x0], $0xffff;
	_ =	sdelay $0x1  }
0xd0: {  	v43 =	vmax.f32 v43, v44  }
0xd1: {  	v43 =	vmax.f32 v43, v45  }
0xd2: {  	v50 =	vor.u32 v30, v40;
	v43 =	vmax.f32 v43, v46  }
.Ltmp0:
0xd3: {  	v47 =	vadd.s32 v31, v40;
	v42 =	vmax.f32 v43, v42;
	(pc) =	sbr.rel @p0 .LBB2_3-.Ltmp0, $4  }
0xd4: {  	v44 =	vadd.s32 v32, v40;
	v42 =	vadd.f32 v42, v49  }
0xd5: {  	v45 =	vadd.s32 v33, v40  }
0xd6: {  	v46 =	vadd.s32 v34, v40;
	[tilespmem:v48+s14+$0x0] =	vst.idx.msk $0xffff, v42  }
0xd7: {  	v42 =	vor.u32 v30, v41;
	v43 =	vld.idx.msk [tilespmem:v50+s12+$0x0], $0xffff  }
0xd8: {  	_ =	sdelay $0x3  }
0xd9: {  	v47 =	vld.idx.msk [tilespmem:v47+s12+$0x0], $0xffff  }
0xda: {  	v44 =	vld.idx.msk [tilespmem:v44+s12+$0x0], $0xffff  }
0xdb: {  	v45 =	vld.idx.msk [tilespmem:v45+s12+$0x0], $0xffff  }
0xdc: {  	v46 =	vld.idx.msk [tilespmem:v46+s12+$0x0], $0xffff  }
0xdd: {  	v48 =	vld.idx.msk [tilespmem:v42+s1+$0x0], $0xffff  }
0xde: {  	v43 =	vmax.f32 v43, v47  }
0xdf: {  	v43 =	vmax.f32 v43, v44  }
0xe0: {  	v56 =	vor.u32 v35, v40;
	v43 =	vmax.f32 v43, v45  }
0xe1: {  	v57 =	vadd.s32 v36, v40;
	v43 =	vmax.f32 v43, v46  }
0xe2: {  	v58 =	vadd.s32 v37, v40;
	v43 =	vadd.f32 v43, v48  }
0xe3: {  	v59 =	vadd.s32 v38, v40  }
0xe4: {  	v60 =	vadd.s32 v39, v40;
	[tilespmem:v42+s14+$0x0] =	vst.idx.msk $0xffff, v43  }
0xe5: {  	v41 =	vor.u32 v35, v41;
	v42 =	vld.idx.msk [tilespmem:v56+s12+$0x0], $0xffff  }
0xe6: {  	v43 =	vld.idx.msk [tilespmem:v57+s12+$0x0], $0xffff  }
0xe7: {  	v61 =	vld.idx.msk [tilespmem:v58+s12+$0x0], $0xffff  }
0xe8: {  	v62 =	vld.idx.msk [tilespmem:v59+s12+$0x0], $0xffff  }
0xe9: {  	v40 =	vld.idx.msk [tilespmem:v60+s12+$0x0], $0xffff  }
0xea: {  	v63 =	vld.idx.msk [tilespmem:v41+s1+$0x0], $0xffff  }
0xeb: {  	v42 =	vmax.f32 v42, v43  }
0xec: {  	v42 =	vmax.f32 v42, v61  }
0xed: {  	v42 =	vmax.f32 v42, v62  }
0xee: {  	v40 =	vmax.f32 v42, v40  }
0xef: {  	s16 =	sadd.s32 $0x1, s16;
	v40 =	vadd.f32 v40, v63  }
0xf0: {  	p0 =	sne.s32 s16, $0x5  }
.Ltmp1:
0xf1: {  	s17 =	sadd.s32 s6, s17;
	[tilespmem:v41+s14+$0x0] =	vst.idx.msk $0xffff, v40;
	(pc) =	sbr.rel @p0 .LBB2_2-.Ltmp1, $4  }
0xf2: {  	[hbm4b:s17+s1] =	stream.linear.scatter [tilespmem:s14], [sflag:$0x2], $0x2000, $0x38;
	[tilespmem:$0xE140] =	vst v63  }
0xf3: {  	_ =	swait.ge [sflag:s9], $0x2000  }
0xf4: {  	[sflag:s9] =	ssyncset.done $0x0  }
0xf5: {  	[sflag:s9] =	ssyncadd.s32 $0xFFFFE000  }
0xf6: {  	s15 =	sadd.s32 $0x1, s15  }
0xf7: {  	p0 =	sne.s32 s15, s8  }
.Ltmp2:
0xf8: {  	_ = 	snop;
	(pc) =	sbr.rel @p0 .LBB2_1-.Ltmp2, $1  }
0xf9: {  	_ =	sdelay $0x3  }
0xfa: {  	_ =	sfence.sel $0x180000  }
0xfb: {  	[bflag:$0x0] =	sbarrier.arrive $0xFFFF  }
0xfc: {  	p0 =	sne.s32 s3, $0x0;
	_ =	strace $0x9000004D  }
0xfd: {  	s0 =	sadd.s32 @!p0 $0x100000, s0;
	[bflag:$0x2] =	sbarrier.arrive $0xFFFF  }
0xfe: {  	[sflag:s0] =	ssyncadd.tile.s32 @!p0 $0x1;
	_ =	shalt  }
.Lfunc_end2:
_tile_overlayer_lowered:
.L_overlay_start_2:
0xff: {  	(tag) =	ssettag $0x2  }
0x100: {  	s0 =	rddreg [dreg:$0x0];
	s2 =	stileid.u32  }
0x101: {  	s1 =	rddreg [dreg:$0x1];
	p0 =	sne.s32 s2, $0x0  }
0x102: {  	s3 =	rddreg [dreg:$0x2];
	[bflag:$0x3] =	sbarrier.arrive $0xFFFF;
	s2 =	simm.s32 @!p0 $0x1C02  }
0x103: {  	[timem:s3], [sflag:s2] =	dma.local @!p0 [hbm:s0], s1  }
0x104: {  	s0 =	simm.s32 @!p0 $0x2  }
0x105: {  	_ =	swait.ge @!p0 [sflag:s0], s1  }
0x106: {  	s1 =	ssub.s32 @!p0 $0x0, s1;
	[sflag:s0] =	ssyncset.done @!p0 $0x0  }
0x107: {  	[sflag:s0] =	ssyncadd.s32 @!p0 s1  }
0x108: {  	[bflag:$0x3] =	sbarrier.arrive $0xFFFF  }
0x109: {  	_ =	shalt  }

// kernel: kernel.9.cloned.1.call-start
scs
__scs_entry_jumppad:
0x0: {  	(pc) =	sbr.rel $0x88, $3  }
0x1: {  	(tag) =	ssettag $0x0;
	lr =	simm.s32 $0x1  }
0x2: {  	[smem:$0x3F80] =	sst lr;
	_ =	strace $0xD0000000  }
0x3: {  	_ = 	snop  }
0x4: {  	_ = 	snop  }
0x5: {  	_ = 	snop  }
0x6: {  	_ = 	snop  }
0x7: {  	_ = 	snop  }
__scs_overlays_trampoline_lowered:
0x8: {  	[smem:$0x3F8F] =	sst s0  }
0x9: {  	[smem:$0x3F90] =	sst s1  }
0xa: {  	[smem:$0x3F91] =	sst s2  }
0xb: {  	[smem:$0x3F92] =	sst s3  }
0xc: {  	[smem:$0x3F93] =	sst s4  }
0xd: {  	[smem:$0x3F94] =	sst s5  }
0xe: {  	[smem:$0x3F95] =	sst s6  }
0xf: {  	[smem:$0x3F96] =	sst s7  }
0x10: {  	[smem:$0x3F97] =	sst s8  }
0x11: {  	[smem:$0x3F98] =	sst s9;
	s0 =	simm.s32 @!p0 $0x0  }
0x12: {  	s1 =	sld [smem:$0x3F7E];
	s0 =	simm.s32 @p0 $0x1  }
0x13: {  	[smem:$0x3F99] =	sst s0;
	s0 =	simm.s32 @!p1 $0x0  }
0x14: {  	s2 =	sld [smem:$0x3F7D];
	s0 =	simm.s32 @p1 $0x1  }
0x15: {  	[smem:$0x3F9A] =	sst s0;
	s0 =	simm.s32 @!p2 $0x0  }
0x16: {  	s3 =	sld [smem:$0x3FDB];
	s0 =	simm.s32 @p2 $0x1  }
0x17: {  	s4 =	simm.s32 $0x1BF5;
	[smem:$0x3F9C] =	sst s0  }
0x18: {  	s0 =	sld [smem:$0x3F7F];
	_ =	swait.ge [sflag:s4], $0x0  }
0x19: {  	s7 =	sld [smem:$0x3F80]  }
0x1a: {  	s8 =	sadd.s32 $0xFFFFE003, lr  }
0x1b: {  	s9 =	sadd.s32 $0xFFFFFEF7, lr;
	s5 =	simm.s32 $0xFFFFFFFF;
	p2 =	slt.u32 s8, $0xFFFFF086  }
0x1c: {  	p1 =	slt.u32 s9, $0xF7A;
	s5 =	simm.s32 @!p2 $0x0  }
0x1d: {  	s5 =	simm.s32 @p1 $0x1;
	p0 =	seq.s32 s7, s2  }
0x1e: {  	s7 =	smul.u32 @!p0 $0xF7A, s2;
	p2 =	seq.s32 @!p0 s5, $0x0  }
0x1f: {  	s9 =	smul.u32 $0xF7A, s1;
	s8 =	simm.s32 @!p0 $0x1BF5;
	p2 =	por !p2, p0  }
0x20: {  	[sflag:s8] =	ssyncset.s32 @!p0 $0xFFFFF086;
	s6 =	sadd.s32 @!p0 s3, s7;
	s7 =	simm.s32 @!p0 $0x108  }
0x21: {  	s3 =	sadd.s32 s3, s9;
	s6 =	sadd.s32 @!p0 $0x88, s6;
	s7 =	simm.s32 @p2 $0x1082  }
0x22: {  	[simem:s7], [sflag:s8] =	dma.local @!p0 [hbm:s6], $0xF7A  }
0x23: {  	s9 =	sor.u32 $0xD0000000, s2;
	s6 =	simm.s32 $0x108;
	_ =	swait.ge @!p0 [sflag:s8], $0x0  }
0x24: {  	s3 =	sadd.s32 $0x88, s3;
	s6 =	simm.s32 @!p1 $0x1082;
	[sflag:s4] =	ssyncset.s32 $0xFFFFF086  }
0x25: {  	[simem:s6], [sflag:s4] =	dma.local [hbm:s3], $0xF7A  }
0x26: {  	[smem:$0x3F80] =	sst s1;
	(tag) =	ssettag s2;
	_ =	strace s9  }
0x27: {  	s1 =	sld [smem:$0x3F90]  }
0x28: {  	s2 =	sld [smem:$0x3F91]  }
0x29: {  	s4 =	sld [smem:$0x3F93]  }
0x2a: {  	p0 =	seq.s32 s5, $0x0;
	s5 =	sld [smem:$0x3F94]  }
0x2b: {  	s6 =	sld [smem:$0x3F95]  }
0x2c: {  	s7 =	sld [smem:$0x3F96]  }
0x2d: {  	s3 =	simm.s32 $0x108;
	s8 =	sld [smem:$0x3F97]  }
0x2e: {  	s3 =	simm.s32 @!p0 $0x1082;
	s9 =	sld [smem:$0x3F98]  }
0x2f: {  	lr =	sadd.s32 s0, s3;
	s0 =	sld [smem:$0x3F8F]  }
0x30: {  	s3 =	sld [smem:$0x3F92]  }
0x31: {  	[smem:$0x3F9B] =	sst s10  }
0x32: {  	s10 =	sld [smem:$0x3F99];
	_ =	sdelay $0x3  }
0x33: {  	p0 =	seq.s32 s10, $0x1;
	s10 =	sld [smem:$0x3F9B];
	_ =	sdelay $0x3  }
0x34: {  	[smem:$0x3F9B] =	sst s10  }
0x35: {  	s10 =	sld [smem:$0x3F9A];
	_ =	sdelay $0x3  }
0x36: {  	p1 =	seq.s32 s10, $0x1;
	s10 =	sld [smem:$0x3F9B];
	_ =	sdelay $0x3  }
0x37: {  	[smem:$0x3F9B] =	sst s10  }
0x38: {  	s10 =	sld [smem:$0x3F9C]  }
0x39: {  	_ = 	snop;
	(pc) =	sbr.ind lr, $3  }
0x3a: {  	_ = 	snop  }
0x3b: {  	_ = 	snop  }
0x3c: {  	p2 =	seq.s32 s10, $0x1;
	s10 =	sld [smem:$0x3F9B]  }
0x3d: {  	_ =	shalt  }
0x3e: {  	_ =	shalt  }
0x3f: {  	_ =	shalt  }
0x40: {  	_ =	shalt  }
0x41: {  	_ =	shalt  }
0x42: {  	_ =	shalt  }
0x43: {  	_ =	shalt  }
0x44: {  	_ =	shalt  }
0x45: {  	_ =	shalt  }
0x46: {  	_ =	shalt  }
0x47: {  	_ =	shalt  }
0x48: {  	_ =	shalt  }
0x49: {  	_ =	shalt  }
0x4a: {  	_ =	shalt  }
0x4b: {  	_ =	shalt  }
0x4c: {  	_ =	shalt  }
0x4d: {  	_ =	shalt  }
0x4e: {  	_ =	shalt  }
0x4f: {  	_ =	shalt  }
0x50: {  	_ =	shalt  }
0x51: {  	_ =	shalt  }
0x52: {  	_ =	shalt  }
0x53: {  	_ =	shalt  }
0x54: {  	_ =	shalt  }
0x55: {  	_ =	shalt  }
0x56: {  	_ =	shalt  }
0x57: {  	_ =	shalt  }
0x58: {  	_ =	shalt  }
0x59: {  	_ =	shalt  }
0x5a: {  	_ =	shalt  }
0x5b: {  	_ =	shalt  }
0x5c: {  	_ =	shalt  }
0x5d: {  	_ =	shalt  }
0x5e: {  	_ =	shalt  }
0x5f: {  	_ =	shalt  }
0x60: {  	_ =	shalt  }
0x61: {  	_ =	shalt  }
0x62: {  	_ =	shalt  }
0x63: {  	_ =	shalt  }
0x64: {  	_ =	shalt  }
0x65: {  	_ =	shalt  }
0x66: {  	_ =	shalt  }
0x67: {  	_ =	shalt  }
0x68: {  	_ =	shalt  }
0x69: {  	_ =	shalt  }
0x6a: {  	_ =	shalt  }
0x6b: {  	_ =	shalt  }
0x6c: {  	_ =	shalt  }
0x6d: {  	_ =	shalt  }
0x6e: {  	_ =	shalt  }
0x6f: {  	_ =	shalt  }
0x70: {  	_ =	shalt  }
0x71: {  	_ =	shalt  }
0x72: {  	_ =	shalt  }
0x73: {  	_ =	shalt  }
0x74: {  	_ =	shalt  }
0x75: {  	_ =	shalt  }
0x76: {  	_ =	shalt  }
0x77: {  	_ =	shalt  }
0x78: {  	_ =	shalt  }
0x79: {  	_ =	shalt  }
0x7a: {  	_ =	shalt  }
0x7b: {  	_ =	shalt  }
0x7c: {  	_ =	shalt  }
0x7d: {  	_ =	shalt  }
0x7e: {  	_ =	shalt  }
0x7f: {  	_ =	shalt  }
0x80: {  	_ =	shalt  }
0x81: {  	_ =	shalt  }
0x82: {  	_ =	shalt  }
0x83: {  	_ =	shalt  }
0x84: {  	_ =	shalt  }
0x85: {  	_ =	shalt  }
0x86: {  	_ =	shalt  }
0x87: {  	_ =	shalt  }
.Lfunc_end0:
.L_simem_size_0:
called_computation.1_lowered:
.L_overlay_start_0:
0x88: {  	s2 =	sld [smem:$0x3FD9]  }
0x89: {  	s3 =	sld [smem:$0x3FFE];
	_ =	sdelay $0x1  }
0x8a: {  	s1 =	srdreg.scid  }
0x8b: {  	s0 =	sand.u32 $0x1, s1  }
0x8c: {  	s16 =	sshll.u32 s0, $0xA;
	s2 =	sadd.s32 s3, s2  }
0x8d: {  	s2 =	sadd.s32 s2, s16  }
0x8e: {  	[smem:$0x3FA7] =	sst s2  }
0x8f: {  	_ = 	snop  }
0x90: {  	(tm) =	ssettm $0x1  }
0x91: {  	s17 =	sld [smem:$0x3FFB];
	_ =	sdelay $0x3  }
0x92: {  	_ =	strace s17  }
0x93: {  	s2 =	sld [smem:$0x3FFC];
	_ =	sdelay $0x3  }
0x94: {  	_ =	strace s2  }
0x95: {  	s2 =	sld [smem:$0x3FFD];
	_ =	sdelay $0x3  }
0x96: {  	_ =	strace s2  }
0x97: {  	_ =	strace $0x8FFFFFFF  }
0x98: {  	s18 =	sld [smem:$0x3FDB];
	_ =	sdelay $0x1  }
0x99: {  	s19 =	simm.s32 $_scs_section_size  }
0x9a: {  	s4 =	simm.s32 $_size__tile_overlayer_lowered;
	s5 =	simm.s32 $_tile_overlayer_lowered  }
0x9b: {  	s22 =	simm.s32 $0x1BFF;
	s21 =	sshll.u32 s5, $0x1;
	s2 =	sadd.s32 s19, s18  }
0x9c: {  	s6 =	simm.s32 $0x0;
	s20 =	sshll.u32 s4, $0x1;
	s4 =	sadd.s32 s21, s2  }
0x9d: {  	[timem:s6], [sflag:s22] =	dma.local [hbm:s4], s20  }
0x9e: {  	_ =	swait.ge [sflag:s22], s20  }
0x9f: {  	s3 =	ssub.s32 $0x0, s20;
	[sflag:s22] =	ssyncset.done $0x0  }
0xa0: {  	[sflag:s22] =	ssyncadd.s32 s3;
	_ =	sdelay $0x1  }
0xa1: {  	s23 =	simm.s32 $0x1B8B  }
0xa2: {  	_ =	swait.ge [sflag:s23], $0x1  }
0xa3: {  	[sflag:s23] =	ssyncset.done $0x0  }
0xa4: {  	s25 =	simm.s32 $0x1B8E;
	s24 =	sld [smem:$0x3FFE];
	[sflag:s23] =	ssyncadd.s32 $0xFFFFFFFF  }
0xa5: {  	s26 =	simm.s32 $execute0_lowered;
	[smem:$0x3FD2] =	sst s25  }
0xa6: {  	s4 =	sshll.u32 s26, $0x1;
	_ =	strace $0x80000046;
	[dreg:$0x1] =	wrdreg $0xFFFFFFFF  }
0xa7: {  	s28 =	simm.s32 $_size_execute0_lowered;
	s2 =	sadd.s32 s2, s4;
	[dreg:$0x0] =	wrdreg $0x0  }
0xa8: {  	s4 =	sshll.u32 s28, $0x1;
	[dreg:$0x2] =	wrdreg s2  }
0xa9: {  	[dreg:$0x3] =	wrdreg s4  }
0xaa: {  	[dreg:$0x4] =	wrdreg $0xC0  }
0xab: {  	_ =	task [dreg:s6], $0x5FFFF  }
0xac: {  	[dreg:$0x1] =	wrdreg $0xFFFFFFFF  }
0xad: {  	[dreg:$0x0] =	wrdreg $0x60  }
0xae: {  	[dreg:$0x2] =	wrdreg s24  }
0xaf: {  	[dreg:$0x3] =	wrdreg $0x9  }
0xb0: {  	_ =	task.clear_ibuf [dreg:s6], $0x4FFFF;
	_ =	strace $0x90000046  }
0xb1: {  	s29 =	simm.s32 $0x9;
	_ =	strace $0x80000048  }
0xb2: {  	_ =	swait.ge [sflag:s29], $0x1  }
0xb3: {  	[sflag:s29] =	ssyncadd.s32 $0xFFFFFFFF  }
0xb4: {  	_ =	strace $0x90000048  }
0xb5: {  	_ =	sfence  }
0xb6: {  	s30 =	sld [smem:$0x0];
	_ =	sdelay $0x2  }
0xb7: {  	s31 =	sshll.u32 s1, $0xD;
	s1 =	sshrl.u32 s1, $0x2  }
0xb8: {  	s3 =	sand.u32 $0x4000, s31;
	s1 =	sadd.s32 s1, s30  }
0xb9: {  	s0 =	sor.u32 s3, s0;
	s1 =	sshll.u32 s1, $0x11  }
0xba: {  	s0 =	sor.u32 s1, s0  }
0xbb: {  	s0 =	sadd.s32 $0x8F2B, s0  }
0xbc: {  	[sflag:s0] =	ssyncadd.remote.s32 $0x1  }
0xbd: {  	_ =	sfence.sel $0xFFFF  }
0xbe: {  	[dreg:$0x0] =	wrdreg $0xFFFFFFFF;
	(pc) =	sbr.abs _section_cstart, $3  }
0xbf: {  	[dreg:$0x1] =	wrdreg $0xFFFFFFFF  }
0xc0: {  	_ =	task.clear_ibuf [dreg:s6], $0x2FFFF;
	_ =	strace $0x9FFFFFFF  }
0xc1: {  	(tm) =	ssettm $0x7FFFFFFF  }
tec
execute0_lowered:
.L_overlay_start_1:
0x0: {  	(tag) =	ssettag $0x1  }
0x1: {  	s1 =	srdreg.scid;
	s0 =	stileid.u32  }
0x2: {  	s20 =	sand.u32 $0x1, s1;
	s29 =	sshll.u32 s0, $0x1  }
0x3: {  	s12 =	sor.u32 s20, s29  }
0x4: {  	s11 =	rddreg [dreg:$0x0];
	s19 =	smul.u32 $0x1500, s12  }
0x5: {  	s2 =	simm.s32 $0x0;
	s5 =	simm.s32 $0x540;
	s4 =	simm.s32 $0x2  }
0x6: {  	[smem:$0x7FF] =	sst s2;
	s18 =	sadd.s32 $0x2B000, s11;
	s6 =	sshrl.u32 s19, $0x3  }
0x7: {  	s1 =	rddreg [dreg:$0x1];
	_ =	strace $0x80000047;
	s3 =	sadd.s32 s18, s6  }
0x8: {  	[tilespmem:s5], [sflag:$0x2] =	stream.linear.gather [hbm4b:s3+s2], $0x540, $0x38;
	[tilespmem:$0x15A80] =	vst v63  }
0x9: {  	_ =	swait.ge [sflag:s4], $0x540  }
0xa: {  	s21 =	sadd.s32 $0x30400, s11;
	[sflag:s4] =	ssyncset.done $0x0  }
0xb: {  	s6 =	sadd.s32 s21, s6;
	[sflag:s4] =	ssyncadd.s32 $0xFFFFFAC0  }
0xc: {  	[tilespmem:s2], [sflag:$0x2] =	stream.linear.gather [hbm4b:s6+s2], $0x540, $0x38;
	[tilespmem:$0x15A80] =	vst v63  }
0xd: {  	_ =	swait.ge [sflag:s4], $0x540  }
0xe: {  	s8 =	simm.s32 $0xA80;
	[sflag:s4] =	ssyncset.done $0x0  }
0xf: {  	s9 =	simm.s32 $0x1;
	s7 =	sadd.s32 $0x17000, s11;
	[sflag:s4] =	ssyncadd.s32 $0xFFFFFAC0  }
0x10: {  	[tilespmem:s8], [sflag:$0x1] =	stream.indirect.gather [hbm4b:s7+s5], $0x40, s5, s5, $0xb8;
	[tilespmem:$0x15A80] =	vst v63  }
0x11: {  	_ =	swait.ge [sflag:s9], $0x15000  }
0x12: {  	[sflag:s9] =	ssyncset.done $0x0  }
0x13: {  	s10 =	sadd.s32 $0x3000, s11;
	[sflag:s9] =	ssyncadd.s32 $0xFFFEB000  }
0x14: {  	[tilespmem:s8], [sflag:$0x1] =	stream.indirect.gather.add.f32 [hbm:s10], $0x40, s2, s5, $0xb8;
	[tilespmem:$0x15A80] =	vst v63  }
0x15: {  	s12 =	smul.u32 $0xA800, s12;
	_ =	swait.ge [sflag:s9], $0x15000  }
0x16: {  	s22 =	sadd.s32 $0x35800, s11;
	[sflag:s9] =	ssyncset.done $0x0  }
0x17: {  	s11 =	sadd.s32 s22, s12;
	[sflag:s9] =	ssyncadd.s32 $0xFFFEB000  }
0x18: {  	[hbm4b:s11+s2] =	stream.linear.scatter [tilespmem:s8], [sflag:$0x2], $0x15000, $0x38;
	[tilespmem:$0x15A80] =	vst v63  }
0x19: {  	s14 =	sadd.s32 $0x540, s19;
	_ =	swait.ge [sflag:s4], $0x15000  }
0x1a: {  	s13 =	sshrl.u32 s14, $0x3;
	[sflag:s4] =	ssyncset.done $0x0  }
0x1b: {  	s12 =	sadd.s32 s18, s13;
	[sflag:s4] =	ssyncadd.s32 $0xFFFEB000  }
0x1c: {  	[tilespmem:s5], [sflag:$0x2] =	stream.linear.gather [hbm4b:s12+s2], $0x540, $0x38;
	[tilespmem:$0x15A80] =	vst v63  }
0x1d: {  	_ =	swait.ge [sflag:s4], $0x540  }
0x1e: {  	[sflag:s4] =	ssyncset.done $0x0  }
0x1f: {  	s13 =	sadd.s32 s21, s13;
	[sflag:s4] =	ssyncadd.s32 $0xFFFFFAC0  }
0x20: {  	[tilespmem:s2], [sflag:$0x2] =	stream.linear.gather [hbm4b:s13+s2], $0x540, $0x38;
	[tilespmem:$0x15A80] =	vst v63  }
0x21: {  	_ =	swait.ge [sflag:s4], $0x540  }
0x22: {  	[sflag:s4] =	ssyncset.done $0x0  }
0x23: {  	[sflag:s4] =	ssyncadd.s32 $0xFFFFFAC0  }
0x24: {  	[tilespmem:s8], [sflag:$0x1] =	stream.indirect.gather [hbm4b:s7+s5], $0x40, s5, s5, $0xb8;
	[tilespmem:$0x15A80] =	vst v63  }
0x25: {  	_ =	swait.ge [sflag:s9], $0x15000  }
0x26: {  	[sflag:s9] =	ssyncset.done $0x0  }
0x27: {  	[sflag:s9] =	ssyncadd.s32 $0xFFFEB000  }
0x28: {  	[tilespmem:s8], [sflag:$0x1] =	stream.indirect.gather.add.f32 [hbm:s10], $0x40, s2, s5, $0xb8;
	[tilespmem:$0x15A80] =	vst v63  }
0x29: {  	_ =	swait.ge [sflag:s9], $0x15000  }
0x2a: {  	s14 =	sshll.u32 s14, $0x3;
	[sflag:s9] =	ssyncset.done $0x0  }
0x2b: {  	s14 =	sadd.s32 s22, s14;
	[sflag:s9] =	ssyncadd.s32 $0xFFFEB000  }
0x2c: {  	[hbm4b:s14+s2] =	stream.linear.scatter [tilespmem:s8], [sflag:$0x2], $0x15000, $0x38;
	[tilespmem:$0x15A80] =	vst v63  }
0x2d: {  	s17 =	sadd.s32 $0xA80, s19;
	_ =	swait.ge [sflag:s4], $0x15000  }
0x2e: {  	s16 =	sshrl.u32 s17, $0x3;
	[sflag:s4] =	ssyncset.done $0x0  }
0x2f: {  	s15 =	sadd.s32 s18, s16;
	[sflag:s4] =	ssyncadd.s32 $0xFFFEB000  }
0x30: {  	[tilespmem:s5], [sflag:$0x2] =	stream.linear.gather [hbm4b:s15+s2], $0x540, $0x38;
	[tilespmem:$0x15A80] =	vst v63  }
0x31: {  	_ =	swait.ge [sflag:s4], $0x540  }
0x32: {  	[sflag:s4] =	ssyncset.done $0x0  }
0x33: {  	s16 =	sadd.s32 s21, s16;
	[sflag:s4] =	ssyncadd.s32 $0xFFFFFAC0  }
0x34: {  	[tilespmem:s2], [sflag:$0x2] =	stream.linear.gather [hbm4b:s16+s2], $0x540, $0x38;
	[tilespmem:$0x15A80] =	vst v63  }
0x35: {  	_ =	swait.ge [sflag:s4], $0x540  }
0x36: {  	[sflag:s4] =	ssyncset.done $0x0  }
0x37: {  	[sflag:s4] =	ssyncadd.s32 $0xFFFFFAC0  }
0x38: {  	[tilespmem:s8], [sflag:$0x1] =	stream.indirect.gather [hbm4b:s7+s5], $0x40, s5, s5, $0xb8;
	[tilespmem:$0x15A80] =	vst v63  }
0x39: {  	_ =	swait.ge [sflag:s9], $0x15000  }
0x3a: {  	[sflag:s9] =	ssyncset.done $0x0  }
0x3b: {  	[sflag:s9] =	ssyncadd.s32 $0xFFFEB000  }
0x3c: {  	[tilespmem:s8], [sflag:$0x1] =	stream.indirect.gather.add.f32 [hbm:s10], $0x40, s2, s5, $0xb8;
	[tilespmem:$0x15A80] =	vst v63  }
0x3d: {  	_ =	swait.ge [sflag:s9], $0x15000  }
0x3e: {  	s17 =	sshll.u32 s17, $0x3;
	[sflag:s9] =	ssyncset.done $0x0  }
0x3f: {  	s17 =	sadd.s32 s22, s17;
	[sflag:s9] =	ssyncadd.s32 $0xFFFEB000  }
0x40: {  	[hbm4b:s17+s2] =	stream.linear.scatter [tilespmem:s8], [sflag:$0x2], $0x15000, $0x38;
	[tilespmem:$0x15A80] =	vst v63  }
0x41: {  	s23 =	sadd.s32 $0xFC0, s19;
	_ =	swait.ge [sflag:s4], $0x15000  }
0x42: {  	s19 =	sshrl.u32 s23, $0x3;
	[sflag:s4] =	ssyncset.done $0x0  }
0x43: {  	s18 =	sadd.s32 s18, s19;
	[sflag:s4] =	ssyncadd.s32 $0xFFFEB000  }
0x44: {  	[tilespmem:s5], [sflag:$0x2] =	stream.linear.gather [hbm4b:s18+s2], $0x540, $0x38;
	[tilespmem:$0x15A80] =	vst v63  }
0x45: {  	_ =	swait.ge [sflag:s4], $0x540  }
0x46: {  	[sflag:s4] =	ssyncset.done $0x0  }
0x47: {  	s19 =	sadd.s32 s21, s19;
	[sflag:s4] =	ssyncadd.s32 $0xFFFFFAC0  }
0x48: {  	[tilespmem:s2], [sflag:$0x2] =	stream.linear.gather [hbm4b:s19+s2], $0x540, $0x38;
	[tilespmem:$0x15A80] =	vst v63  }
0x49: {  	_ =	swait.ge [sflag:s4], $0x540  }
0x4a: {  	[sflag:s4] =	ssyncset.done $0x0  }
0x4b: {  	s20 =	ssub.s32 $0x2, s20;
	[sflag:s4] =	ssyncadd.s32 $0xFFFFFAC0  }
0x4c: {  	[tilespmem:s8], [sflag:$0x1] =	stream.indirect.gather [hbm4b:s7+s5], $0x40, s5, s5, $0xb8;
	[tilespmem:$0x15A80] =	vst v63  }
0x4d: {  	s30 =	sshrl.u32 s20, $0x1;
	_ =	swait.ge [sflag:s9], $0x15000  }
0x4e: {  	s21 =	ssub.s32 s20, s30;
	[sflag:s9] =	ssyncset.done $0x0  }
0x4f: {  	s21 =	smax.u32 s21, $0x1;
	[sflag:s9] =	ssyncadd.s32 $0xFFFEB000  }
0x50: {  	[tilespmem:s8], [sflag:$0x1] =	stream.indirect.gather.add.f32 [hbm:s10], $0x40, s2, s5, $0xb8;
	[tilespmem:$0x15A80] =	vst v63  }
0x51: {  	p0 =	sne.s32 s21, $0x1;
	_ =	swait.ge [sflag:s9], $0x15000  }
.Ltmp0:
0x52: {  	s31 =	sshll.u32 s23, $0x3;
	[sflag:s9] =	ssyncset.done $0x0;
	(pc) =	sbr.rel @!p0 .LBB2_2-.Ltmp0, $4  }
0x53: {  	s20 =	sadd.s32 s22, s31;
	[sflag:s9] =	ssyncadd.s32 $0xFFFEB000  }
0x54: {  	[hbm4b:s20+s2] =	stream.linear.scatter [tilespmem:s8], [sflag:$0x2], $0x15000, $0x38;
	[tilespmem:$0x15A80] =	vst v63  }
0x55: {  	_ =	swait.ge [sflag:s4], $0x15000  }
0x56: {  	s21 =	sadd.s32 $0xFFFFFFFF, s21;
	[sflag:s4] =	ssyncset.done $0x0  }
.LBB2_1:
0x57: {  	p0 =	sne.s32 s21, $0x1;
	s21 =	sadd.s32 $0xFFFFFFFF, s21;
	[sflag:s4] =	ssyncadd.s32 $0xFFFEB000  }
0x58: {  	[tilespmem:s5], [sflag:$0x2] =	stream.linear.gather [hbm4b:s3+s2], $0x540, $0x38;
	[tilespmem:$0x15A80] =	vst v63  }
0x59: {  	_ =	swait.ge [sflag:s4], $0x540  }
0x5a: {  	[sflag:s4] =	ssyncset.done $0x0  }
0x5b: {  	[sflag:s4] =	ssyncadd.s32 $0xFFFFFAC0  }
0x5c: {  	[tilespmem:s2], [sflag:$0x2] =	stream.linear.gather [hbm4b:s6+s2], $0x540, $0x38;
	[tilespmem:$0x15A80] =	vst v63  }
0x5d: {  	_ =	swait.ge [sflag:s4], $0x540  }
0x5e: {  	[sflag:s4] =	ssyncset.done $0x0  }
0x5f: {  	[sflag:s4] =	ssyncadd.s32 $0xFFFFFAC0  }
0x60: {  	[tilespmem:s8], [sflag:$0x1] =	stream.indirect.gather [hbm4b:s7+s5], $0x40, s5, s5, $0xb8;
	[tilespmem:$0x15A80] =	vst v63  }
0x61: {  	_ =	swait.ge [sflag:s9], $0x15000  }
0x62: {  	[sflag:s9] =	ssyncset.done $0x0  }
0x63: {  	[sflag:s9] =	ssyncadd.s32 $0xFFFEB000  }
0x64: {  	[tilespmem:s8], [sflag:$0x1] =	stream.indirect.gather.add.f32 [hbm:s10], $0x40, s2, s5, $0xb8;
	[tilespmem:$0x15A80] =	vst v63  }
0x65: {  	_ =	swait.ge [sflag:s9], $0x15000  }
0x66: {  	[sflag:s9] =	ssyncset.done $0x0  }
0x67: {  	[sflag:s9] =	ssyncadd.s32 $0xFFFEB000  }
0x68: {  	[hbm4b:s11+s2] =	stream.linear.scatter [tilespmem:s8], [sflag:$0x2], $0x15000, $0x38;
	[tilespmem:$0x15A80] =	vst v63  }
0x69: {  	_ =	swait.ge [sflag:s4], $0x15000  }
0x6a: {  	[sflag:s4] =	ssyncset.done $0x0  }
0x6b: {  	[sflag:s4] =	ssyncadd.s32 $0xFFFEB000  }
0x6c: {  	[tilespmem:s5], [sflag:$0x2] =	stream.linear.gather [hbm4b:s12+s2], $0x540, $0x38;
	[tilespmem:$0x15A80] =	vst v63  }
0x6d: {  	_ =	swait.ge [sflag:s4], $0x540  }
0x6e: {  	[sflag:s4] =	ssyncset.done $0x0  }
0x6f: {  	[sflag:s4] =	ssyncadd.s32 $0xFFFFFAC0  }
0x70: {  	[tilespmem:s2], [sflag:$0x2] =	stream.linear.gather [hbm4b:s13+s2], $0x540, $0x38;
	[tilespmem:$0x15A80] =	vst v63  }
0x71: {  	_ =	swait.ge [sflag:s4], $0x540  }
0x72: {  	[sflag:s4] =	ssyncset.done $0x0  }
0x73: {  	[sflag:s4] =	ssyncadd.s32 $0xFFFFFAC0  }
0x74: {  	[tilespmem:s8], [sflag:$0x1] =	stream.indirect.gather [hbm4b:s7+s5], $0x40, s5, s5, $0xb8;
	[tilespmem:$0x15A80] =	vst v63  }
0x75: {  	_ =	swait.ge [sflag:s9], $0x15000  }
0x76: {  	[sflag:s9] =	ssyncset.done $0x0  }
0x77: {  	[sflag:s9] =	ssyncadd.s32 $0xFFFEB000  }
0x78: {  	[tilespmem:s8], [sflag:$0x1] =	stream.indirect.gather.add.f32 [hbm:s10], $0x40, s2, s5, $0xb8;
	[tilespmem:$0x15A80] =	vst v63  }
0x79: {  	_ =	swait.ge [sflag:s9], $0x15000  }
0x7a: {  	[sflag:s9] =	ssyncset.done $0x0  }
0x7b: {  	[sflag:s9] =	ssyncadd.s32 $0xFFFEB000  }
0x7c: {  	[hbm4b:s14+s2] =	stream.linear.scatter [tilespmem:s8], [sflag:$0x2], $0x15000, $0x38;
	[tilespmem:$0x15A80] =	vst v63  }
0x7d: {  	_ =	swait.ge [sflag:s4], $0x15000  }
0x7e: {  	[sflag:s4] =	ssyncset.done $0x0  }
0x7f: {  	[sflag:s4] =	ssyncadd.s32 $0xFFFEB000  }
0x80: {  	[tilespmem:s5], [sflag:$0x2] =	stream.linear.gather [hbm4b:s15+s2], $0x540, $0x38;
	[tilespmem:$0x15A80] =	vst v63  }
0x81: {  	_ =	swait.ge [sflag:s4], $0x540  }
0x82: {  	[sflag:s4] =	ssyncset.done $0x0  }
0x83: {  	[sflag:s4] =	ssyncadd.s32 $0xFFFFFAC0  }
0x84: {  	[tilespmem:s2], [sflag:$0x2] =	stream.linear.gather [hbm4b:s16+s2], $0x540, $0x38;
	[tilespmem:$0x15A80] =	vst v63  }
0x85: {  	_ =	swait.ge [sflag:s4], $0x540  }
0x86: {  	[sflag:s4] =	ssyncset.done $0x0  }
0x87: {  	[sflag:s4] =	ssyncadd.s32 $0xFFFFFAC0  }
0x88: {  	[tilespmem:s8], [sflag:$0x1] =	stream.indirect.gather [hbm4b:s7+s5], $0x40, s5, s5, $0xb8;
	[tilespmem:$0x15A80] =	vst v63  }
0x89: {  	_ =	swait.ge [sflag:s9], $0x15000  }
0x8a: {  	[sflag:s9] =	ssyncset.done $0x0  }
0x8b: {  	[sflag:s9] =	ssyncadd.s32 $0xFFFEB000  }
0x8c: {  	[tilespmem:s8], [sflag:$0x1] =	stream.indirect.gather.add.f32 [hbm:s10], $0x40, s2, s5, $0xb8;
	[tilespmem:$0x15A80] =	vst v63  }
0x8d: {  	_ =	swait.ge [sflag:s9], $0x15000  }
0x8e: {  	[sflag:s9] =	ssyncset.done $0x0  }
0x8f: {  	[sflag:s9] =	ssyncadd.s32 $0xFFFEB000  }
0x90: {  	[hbm4b:s17+s2] =	stream.linear.scatter [tilespmem:s8], [sflag:$0x2], $0x15000, $0x38;
	[tilespmem:$0x15A80] =	vst v63  }
0x91: {  	_ =	swait.ge [sflag:s4], $0x15000  }
0x92: {  	[sflag:s4] =	ssyncset.done $0x0  }
0x93: {  	[sflag:s4] =	ssyncadd.s32 $0xFFFEB000  }
0x94: {  	[tilespmem:s5], [sflag:$0x2] =	stream.linear.gather [hbm4b:s18+s2], $0x540, $0x38;
	[tilespmem:$0x15A80] =	vst v63  }
0x95: {  	_ =	swait.ge [sflag:s4], $0x540  }
0x96: {  	[sflag:s4] =	ssyncset.done $0x0  }
0x97: {  	[sflag:s4] =	ssyncadd.s32 $0xFFFFFAC0  }
0x98: {  	[tilespmem:s2], [sflag:$0x2] =	stream.linear.gather [hbm4b:s19+s2], $0x540, $0x38;
	[tilespmem:$0x15A80] =	vst v63  }
0x99: {  	_ =	swait.ge [sflag:s4], $0x540  }
0x9a: {  	[sflag:s4] =	ssyncset.done $0x0  }
0x9b: {  	[sflag:s4] =	ssyncadd.s32 $0xFFFFFAC0  }
0x9c: {  	[tilespmem:s8], [sflag:$0x1] =	stream.indirect.gather [hbm4b:s7+s5], $0x40, s5, s5, $0xb8;
	[tilespmem:$0x15A80] =	vst v63  }
0x9d: {  	_ =	swait.ge [sflag:s9], $0x15000  }
0x9e: {  	[sflag:s9] =	ssyncset.done $0x0  }
0x9f: {  	[sflag:s9] =	ssyncadd.s32 $0xFFFEB000  }
0xa0: {  	[tilespmem:s8], [sflag:$0x1] =	stream.indirect.gather.add.f32 [hbm:s10], $0x40, s2, s5, $0xb8;
	[tilespmem:$0x15A80] =	vst v63  }
0xa1: {  	_ =	swait.ge [sflag:s9], $0x15000  }
.Ltmp1:
0xa2: {  	[sflag:s9] =	ssyncset.done $0x0;
	(pc) =	sbr.rel @p0 .LBB2_1-.Ltmp1, $4  }
0xa3: {  	[sflag:s9] =	ssyncadd.s32 $0xFFFEB000  }
0xa4: {  	[hbm4b:s20+s2] =	stream.linear.scatter [tilespmem:s8], [sflag:$0x2], $0x15000, $0x38;
	[tilespmem:$0x15A80] =	vst v63  }
0xa5: {  	_ =	swait.ge [sflag:s4], $0x15000  }
0xa6: {  	[sflag:s4] =	ssyncset.done $0x0  }
.LBB2_2:
0xa7: {  	[sflag:s4] =	ssyncadd.s32 $0xFFFEB000  }
0xa8: {  	_ =	sfence.sel $0x180000  }
0xa9: {  	[bflag:$0x0] =	sbarrier.arrive $0xFFFF  }
0xaa: {  	p0 =	sne.s32 s0, $0x0;
	_ =	strace $0x90000047  }
0xab: {  	s0 =	sadd.s32 @!p0 $0x100000, s1;
	[bflag:$0x2] =	sbarrier.arrive $0xFFFF  }
0xac: {  	[sflag:s0] =	ssyncadd.tile.s32 @!p0 $0x1;
	_ =	shalt  }
.Lfunc_end2:
_tile_overlayer_lowered:
.L_overlay_start_2:
0xad: {  	(tag) =	ssettag $0x2  }
0xae: {  	s0 =	rddreg [dreg:$0x0];
	s2 =	stileid.u32  }
0xaf: {  	s1 =	rddreg [dreg:$0x1];
	p0 =	sne.s32 s2, $0x0  }
0xb0: {  	s3 =	rddreg [dreg:$0x2];
	[bflag:$0x3] =	sbarrier.arrive $0xFFFF;
	s2 =	simm.s32 @!p0 $0x1C02  }
0xb1: {  	[timem:s3], [sflag:s2] =	dma.local @!p0 [hbm:s0], s1  }
0xb2: {  	s0 =	simm.s32 @!p0 $0x2  }
0xb3: {  	_ =	swait.ge @!p0 [sflag:s0], s1  }
0xb4: {  	s1 =	ssub.s32 @!p0 $0x0, s1;
	[sflag:s0] =	ssyncset.done @!p0 $0x0  }
0xb5: {  	[sflag:s0] =	ssyncadd.s32 @!p0 s1  }
0xb6: {  	[bflag:$0x3] =	sbarrier.arrive $0xFFFF  }
0xb7: {  	_ =	shalt  }

// kernel: scatter_offload_async_start
scs
__scs_entry_jumppad:
0x0: {  	(pc) =	sbr.rel $0x88, $3  }
0x1: {  	(tag) =	ssettag $0x0;
	lr =	simm.s32 $0x1  }
0x2: {  	[smem:$0x3F80] =	sst lr;
	_ =	strace $0xD0000000  }
0x3: {  	_ = 	snop  }
0x4: {  	_ = 	snop  }
0x5: {  	_ = 	snop  }
0x6: {  	_ = 	snop  }
0x7: {  	_ = 	snop  }
__scs_overlays_trampoline_lowered:
0x8: {  	[smem:$0x3F8F] =	sst s0  }
0x9: {  	[smem:$0x3F90] =	sst s1  }
0xa: {  	[smem:$0x3F91] =	sst s2  }
0xb: {  	[smem:$0x3F92] =	sst s3  }
0xc: {  	[smem:$0x3F93] =	sst s4  }
0xd: {  	[smem:$0x3F94] =	sst s5  }
0xe: {  	[smem:$0x3F95] =	sst s6  }
0xf: {  	[smem:$0x3F96] =	sst s7  }
0x10: {  	[smem:$0x3F97] =	sst s8  }
0x11: {  	[smem:$0x3F98] =	sst s9;
	s0 =	simm.s32 @!p0 $0x0  }
0x12: {  	s1 =	sld [smem:$0x3F7E];
	s0 =	simm.s32 @p0 $0x1  }
0x13: {  	[smem:$0x3F99] =	sst s0;
	s0 =	simm.s32 @!p1 $0x0  }
0x14: {  	s2 =	sld [smem:$0x3F7D];
	s0 =	simm.s32 @p1 $0x1  }
0x15: {  	[smem:$0x3F9A] =	sst s0;
	s0 =	simm.s32 @!p2 $0x0  }
0x16: {  	s3 =	sld [smem:$0x3FDB];
	s0 =	simm.s32 @p2 $0x1  }
0x17: {  	s4 =	simm.s32 $0x1BF5;
	[smem:$0x3F9C] =	sst s0  }
0x18: {  	s0 =	sld [smem:$0x3F7F];
	_ =	swait.ge [sflag:s4], $0x0  }
0x19: {  	s7 =	sld [smem:$0x3F80]  }
0x1a: {  	s8 =	sadd.s32 $0xFFFFE003, lr  }
0x1b: {  	s9 =	sadd.s32 $0xFFFFFEF7, lr;
	s5 =	simm.s32 $0xFFFFFFFF;
	p2 =	slt.u32 s8, $0xFFFFF086  }
0x1c: {  	p1 =	slt.u32 s9, $0xF7A;
	s5 =	simm.s32 @!p2 $0x0  }
0x1d: {  	s5 =	simm.s32 @p1 $0x1;
	p0 =	seq.s32 s7, s2  }
0x1e: {  	s7 =	smul.u32 @!p0 $0xF7A, s2;
	p2 =	seq.s32 @!p0 s5, $0x0  }
0x1f: {  	s9 =	smul.u32 $0xF7A, s1;
	s8 =	simm.s32 @!p0 $0x1BF5;
	p2 =	por !p2, p0  }
0x20: {  	[sflag:s8] =	ssyncset.s32 @!p0 $0xFFFFF086;
	s6 =	sadd.s32 @!p0 s3, s7;
	s7 =	simm.s32 @!p0 $0x108  }
0x21: {  	s3 =	sadd.s32 s3, s9;
	s6 =	sadd.s32 @!p0 $0x88, s6;
	s7 =	simm.s32 @p2 $0x1082  }
0x22: {  	[simem:s7], [sflag:s8] =	dma.local @!p0 [hbm:s6], $0xF7A  }
0x23: {  	s9 =	sor.u32 $0xD0000000, s2;
	s6 =	simm.s32 $0x108;
	_ =	swait.ge @!p0 [sflag:s8], $0x0  }
0x24: {  	s3 =	sadd.s32 $0x88, s3;
	s6 =	simm.s32 @!p1 $0x1082;
	[sflag:s4] =	ssyncset.s32 $0xFFFFF086  }
0x25: {  	[simem:s6], [sflag:s4] =	dma.local [hbm:s3], $0xF7A  }
0x26: {  	[smem:$0x3F80] =	sst s1;
	(tag) =	ssettag s2;
	_ =	strace s9  }
0x27: {  	s1 =	sld [smem:$0x3F90]  }
0x28: {  	s2 =	sld [smem:$0x3F91]  }
0x29: {  	s4 =	sld [smem:$0x3F93]  }
0x2a: {  	p0 =	seq.s32 s5, $0x0;
	s5 =	sld [smem:$0x3F94]  }
0x2b: {  	s6 =	sld [smem:$0x3F95]  }
0x2c: {  	s7 =	sld [smem:$0x3F96]  }
0x2d: {  	s3 =	simm.s32 $0x108;
	s8 =	sld [smem:$0x3F97]  }
0x2e: {  	s3 =	simm.s32 @!p0 $0x1082;
	s9 =	sld [smem:$0x3F98]  }
0x2f: {  	lr =	sadd.s32 s0, s3;
	s0 =	sld [smem:$0x3F8F]  }
0x30: {  	s3 =	sld [smem:$0x3F92]  }
0x31: {  	[smem:$0x3F9B] =	sst s10  }
0x32: {  	s10 =	sld [smem:$0x3F99];
	_ =	sdelay $0x3  }
0x33: {  	p0 =	seq.s32 s10, $0x1;
	s10 =	sld [smem:$0x3F9B];
	_ =	sdelay $0x3  }
0x34: {  	[smem:$0x3F9B] =	sst s10  }
0x35: {  	s10 =	sld [smem:$0x3F9A];
	_ =	sdelay $0x3  }
0x36: {  	p1 =	seq.s32 s10, $0x1;
	s10 =	sld [smem:$0x3F9B];
	_ =	sdelay $0x3  }
0x37: {  	[smem:$0x3F9B] =	sst s10  }
0x38: {  	s10 =	sld [smem:$0x3F9C]  }
0x39: {  	_ = 	snop;
	(pc) =	sbr.ind lr, $3  }
0x3a: {  	_ = 	snop  }
0x3b: {  	_ = 	snop  }
0x3c: {  	p2 =	seq.s32 s10, $0x1;
	s10 =	sld [smem:$0x3F9B]  }
0x3d: {  	_ =	shalt  }
0x3e: {  	_ =	shalt  }
0x3f: {  	_ =	shalt  }
0x40: {  	_ =	shalt  }
0x41: {  	_ =	shalt  }
0x42: {  	_ =	shalt  }
0x43: {  	_ =	shalt  }
0x44: {  	_ =	shalt  }
0x45: {  	_ =	shalt  }
0x46: {  	_ =	shalt  }
0x47: {  	_ =	shalt  }
0x48: {  	_ =	shalt  }
0x49: {  	_ =	shalt  }
0x4a: {  	_ =	shalt  }
0x4b: {  	_ =	shalt  }
0x4c: {  	_ =	shalt  }
0x4d: {  	_ =	shalt  }
0x4e: {  	_ =	shalt  }
0x4f: {  	_ =	shalt  }
0x50: {  	_ =	shalt  }
0x51: {  	_ =	shalt  }
0x52: {  	_ =	shalt  }
0x53: {  	_ =	shalt  }
0x54: {  	_ =	shalt  }
0x55: {  	_ =	shalt  }
0x56: {  	_ =	shalt  }
0x57: {  	_ =	shalt  }
0x58: {  	_ =	shalt  }
0x59: {  	_ =	shalt  }
0x5a: {  	_ =	shalt  }
0x5b: {  	_ =	shalt  }
0x5c: {  	_ =	shalt  }
0x5d: {  	_ =	shalt  }
0x5e: {  	_ =	shalt  }
0x5f: {  	_ =	shalt  }
0x60: {  	_ =	shalt  }
0x61: {  	_ =	shalt  }
0x62: {  	_ =	shalt  }
0x63: {  	_ =	shalt  }
0x64: {  	_ =	shalt  }
0x65: {  	_ =	shalt  }
0x66: {  	_ =	shalt  }
0x67: {  	_ =	shalt  }
0x68: {  	_ =	shalt  }
0x69: {  	_ =	shalt  }
0x6a: {  	_ =	shalt  }
0x6b: {  	_ =	shalt  }
0x6c: {  	_ =	shalt  }
0x6d: {  	_ =	shalt  }
0x6e: {  	_ =	shalt  }
0x6f: {  	_ =	shalt  }
0x70: {  	_ =	shalt  }
0x71: {  	_ =	shalt  }
0x72: {  	_ =	shalt  }
0x73: {  	_ =	shalt  }
0x74: {  	_ =	shalt  }
0x75: {  	_ =	shalt  }
0x76: {  	_ =	shalt  }
0x77: {  	_ =	shalt  }
0x78: {  	_ =	shalt  }
0x79: {  	_ =	shalt  }
0x7a: {  	_ =	shalt  }
0x7b: {  	_ =	shalt  }
0x7c: {  	_ =	shalt  }
0x7d: {  	_ =	shalt  }
0x7e: {  	_ =	shalt  }
0x7f: {  	_ =	shalt  }
0x80: {  	_ =	shalt  }
0x81: {  	_ =	shalt  }
0x82: {  	_ =	shalt  }
0x83: {  	_ =	shalt  }
0x84: {  	_ =	shalt  }
0x85: {  	_ =	shalt  }
0x86: {  	_ =	shalt  }
0x87: {  	_ =	shalt  }
.Lfunc_end0:
.L_simem_size_0:
called_computation_lowered:
.L_overlay_start_0:
0x88: {  	s0 =	sld [smem:$0x3FD9]  }
0x89: {  	s1 =	sld [smem:$0x3FFE];
	_ =	sdelay $0x3  }
0x8a: {  	s0 =	sadd.s32 s1, s0  }
0x8b: {  	[smem:$0x3FA7] =	sst s0  }
0x8c: {  	_ = 	snop  }
0x8d: {  	(tm) =	ssettm $0x1  }
0x8e: {  	s15 =	sld [smem:$0x3FFB];
	_ =	sdelay $0x3  }
0x8f: {  	_ =	strace s15  }
0x90: {  	s0 =	sld [smem:$0x3FFC];
	_ =	sdelay $0x3  }
0x91: {  	_ =	strace s0  }
0x92: {  	s0 =	sld [smem:$0x3FFD];
	_ =	sdelay $0x3  }
0x93: {  	_ =	strace s0  }
0x94: {  	_ =	strace $0x8FFFFFFF  }
0x95: {  	s16 =	sld [smem:$0x3FDB];
	_ =	sdelay $0x1  }
0x96: {  	s17 =	simm.s32 $_scs_section_size  }
0x97: {  	s2 =	simm.s32 $_size__tile_overlayer_lowered;
	s3 =	simm.s32 $_tile_overlayer_lowered  }
0x98: {  	s20 =	simm.s32 $0x1BFF;
	s19 =	sshll.u32 s3, $0x1;
	s0 =	sadd.s32 s17, s16  }
0x99: {  	s4 =	simm.s32 $0x0;
	s18 =	sshll.u32 s2, $0x1;
	s2 =	sadd.s32 s19, s0  }
0x9a: {  	[timem:s4], [sflag:s20] =	dma.local [hbm:s2], s18  }
0x9b: {  	_ =	swait.ge [sflag:s20], s18  }
0x9c: {  	s1 =	ssub.s32 $0x0, s18;
	[sflag:s20] =	ssyncset.done $0x0  }
0x9d: {  	[sflag:s20] =	ssyncadd.s32 s1;
	_ =	sdelay $0x1  }
0x9e: {  	s21 =	simm.s32 $0x1B8B  }
0x9f: {  	_ =	swait.ge [sflag:s21], $0x1  }
0xa0: {  	[sflag:s21] =	ssyncset.done $0x0  }
0xa1: {  	s23 =	simm.s32 $0x1B8E;
	s22 =	sld [smem:$0x3FFE];
	[sflag:s21] =	ssyncadd.s32 $0xFFFFFFFF  }
0xa2: {  	s24 =	simm.s32 $execute0_lowered;
	[smem:$0x3FD2] =	sst s23  }
0xa3: {  	s2 =	sshll.u32 s24, $0x1;
	_ =	strace $0x80000049;
	[dreg:$0x1] =	wrdreg $0xFFFFFFFF  }
0xa4: {  	s25 =	simm.s32 $_size_execute0_lowered;
	s0 =	sadd.s32 s0, s2;
	[dreg:$0x0] =	wrdreg $0x0  }
0xa5: {  	s2 =	sshll.u32 s25, $0x1;
	[dreg:$0x2] =	wrdreg s0  }
0xa6: {  	[dreg:$0x3] =	wrdreg s2  }
0xa7: {  	[dreg:$0x4] =	wrdreg $0xC0  }
0xa8: {  	_ =	task [dreg:s4], $0x5FFFF  }
0xa9: {  	[dreg:$0x1] =	wrdreg $0xFFFFFFFF  }
0xaa: {  	[dreg:$0x0] =	wrdreg $0x60  }
0xab: {  	[dreg:$0x2] =	wrdreg s22  }
0xac: {  	[dreg:$0x3] =	wrdreg $0x9  }
0xad: {  	_ =	task.clear_ibuf [dreg:s4], $0x4FFFF;
	_ =	strace $0x90000049  }
0xae: {  	s26 =	simm.s32 $0x9;
	_ =	strace $0x8000004B  }
0xaf: {  	_ =	swait.ge [sflag:s26], $0x1  }
0xb0: {  	[sflag:s26] =	ssyncadd.s32 $0xFFFFFFFF  }
0xb1: {  	_ =	strace $0x9000004B  }
0xb2: {  	_ =	sfence  }
0xb3: {  	s28 =	sld [smem:$0x0];
	_ =	sdelay $0x1  }
0xb4: {  	s29 =	srdreg.scid  }
0xb5: {  	s30 =	sshll.u32 s29, $0xD;
	s31 =	sshrl.u32 s29, $0x2  }
0xb6: {  	s1 =	sand.u32 $0x1, s29;
	s2 =	sand.u32 $0x4000, s30;
	s0 =	sadd.s32 s31, s28  }
0xb7: {  	s1 =	sor.u32 s2, s1;
	s0 =	sshll.u32 s0, $0x11  }
0xb8: {  	s0 =	sor.u32 s0, s1  }
0xb9: {  	s0 =	sadd.s32 $0x8F2B, s0  }
0xba: {  	[sflag:s0] =	ssyncadd.remote.s32 $0x1  }
0xbb: {  	_ =	sfence.sel $0xFFFF  }
0xbc: {  	[dreg:$0x0] =	wrdreg $0xFFFFFFFF;
	(pc) =	sbr.abs _section_cstart, $3  }
0xbd: {  	[dreg:$0x1] =	wrdreg $0xFFFFFFFF  }
0xbe: {  	_ =	task.clear_ibuf [dreg:s4], $0x2FFFF;
	_ =	strace $0x9FFFFFFF  }
0xbf: {  	(tm) =	ssettm $0x7FFFFFFF  }
tec
execute0_lowered:
.L_overlay_start_1:
0x0: {  	(tag) =	ssettag $0x1  }
0x1: {  	s0 =	rddreg [dreg:$0x0];
	_ =	strace $0x8000004A;
	s1 =	simm.s32 $0x1  }
0x2: {  	s8 =	simm.s32 $0x88;
	v0 =	vimm.s32 $0x0;
	[sflag:s1] =	ssyncpa.u1 $0x0  }
0x3: {  	[tilespmem:s8+$0x30] =	vst v0  }
0x4: {  	s1 =	sadd.s32 $0x3000, s0;
	s3 =	sadd.s32 $0x185800, s0;
	[tilespmem:s8+$0x20] =	vst v0  }
0x5: {  	s4 =	sadd.s32 $0x190000, s0;
	s5 =	sadd.s32 $0x18AC00, s0;
	s0 =	simm.s32 $0x40;
	[tilespmem:s8+$0x10] =	vst v0  }
.LBB2_1:
0x6: {  	s0 =	sadd.s32 $0x40, s0  }
0x7: {  	[tilespmem:s8+$0x0] =	vst v0;
	s8 =	sadd.s32 $0x40, s8;
	p0 =	slt.u32 s0, $0x5040  }
.Ltmp0:
0x8: {  	(pc) =	sbr.rel @p0 .LBB2_1-.Ltmp0, $4  }
0x9: {  	_ = 	snop  }
0xa: {  	[tilespmem:s8+$0x30] =	vst v0  }
0xb: {  	[tilespmem:s8+$0x20] =	vst v0  }
0xc: {  	[tilespmem:s8+$0x10] =	vst v0  }
0xd: {  	s9 =	stileid.u32  }
0xe: {  	s0 =	smul.u32 $0x21, s9  }
0xf: {  	s2 =	smin.u32 s9, $0x4  }
0x10: {  	s0 =	sadd.s32 s2, s0  }
0x11: {  	p0 =	slt.u32 s9, $0x4;
	s6 =	smul.u32 $0x140, s0;
	s0 =	simm.s32 $0x2A80  }
0x12: {  	s0 =	simm.s32 @!p0 $0x2940  }
0x13: {  	s0 =	sadd.s32 s0, s6  }
0x14: {  	s7 =	smin.u32 s0, $0x29810  }
0x15: {  	s0 =	ssub.s32 s7, s6  }
0x16: {  	p0 =	sgt.s32 s0, $0x0  }
0x17: {  	s0 =	simm.s32 @!p0 $0x0  }
0x18: {  	s29 =	simm.s32 $0x2;
	s10 =	simm.s32 $0x7;
	s28 =	smulhi.u32 $0x66666667, s0  }
0x19: {  	s31 =	simm.s32 $0x8;
	s11 =	simm.s32 $0x1;
	s15 =	simm.s32 $0x0  }
0x1a: {  	p1 =	por $0x0, $0x0;
	s16 =	simm.s32 $0xA;
	s2 =	sshrl.u32 s28, $0x7  }
0x1b: {  	s20 =	simm.s32 $0x0;
	s17 =	simm.s32 $0x0;
	s30 =	smul.u32 $0x140, s2  }
.Ltmp1:
0x1c: {  	[tilespmem:s8+$0x0] =	vst v0;
	v0 =	vimm.s32 $0xFFFFFFFF;
	s19 =	simm.s32 $0x0;
	[sflag:s29] =	ssyncpa.u1 $0x0;
	(pc) =	sbr.rel .LBB2_3-.Ltmp1, $4  }
0x1d: {  	[tilespmem:$0xA108] =	vst v0;
	[sflag:s10] =	ssyncpa.u1 $0x0;
	p0 =	sne.s32 s0, s30;
	s0 =	simm.s32 $0x1  }
0x1e: {  	s10 =	simm.s32 $0x9;
	[sflag:s31] =	ssyncpa.u1 $0x0;
	s0 =	simm.s32 @!p0 $0x0  }
0x1f: {  	s13 =	sshll.u32 s9, $0x7;
	[sflag:s10] =	ssyncpa.u1 $0x0;
	s12 =	sadd.s32 s0, s2  }
0x20: {  	v0 =	vlaneseq.u32;
	s18 =	smov.u32 s6;
	p0 =	por $0x1, $0x1;
	s14 =	sadd.s32 $0x1, s12  }
.LBB2_24:
0x21: {  	s0 =	sshrl.u32 s29, $0x2  }
.LBB2_26:
0x22: {  	_ =	swait.ge [sflag:s16], s0  }
0x23: {  	s31 =	ssub.s32 $0x0, s0;
	v1 =	vmov s22;
	vm0 =	veq.s32 v0, $0x0;
	[sflag:s16] =	ssyncset.done $0x0  }
0x24: {  	vm15 =	veq.s32 v0, $0x2;
	v1 =	vsel vm0, s28, v1;
	[sflag:s16] =	ssyncadd.s32 s31  }
0x25: {  	v1 =	vsel vm15, s20, v1;
	[sflag:s16] =	ssyncpa.u1 $0x1  }
0x26: {  	[tilespmem:$0xA108] =	vst v1  }
.LBB2_27:
0x27: {  	s0 =	sadd.s32 $0x140, s18  }
0x28: {  	s2 =	smov.u32 s6;
	p2 =	slt.s32 s0, s7  }
0x29: {  	s2 =	smov.u32 @p2 s0;
	p2 =	sne.s32 s19, s14  }
.Ltmp2:
0x2a: {  	_ = 	snop;
	(pc) =	sbr.rel @!p2 .LBB2_28-.Ltmp2, $4  }
0x2b: {  	_ = 	snop  }
0x2c: {  	s20 =	smov.u32 s17  }
0x2d: {  	s31 =	sadd.s32 $0x1, s19;
	s17 =	smov.u32 s18;
	p0 =	por !p0, !p0  }
0x2e: {  	p1 =	por !p1, !p1;
	s19 =	smov.u32 s31;
	s18 =	smov.u32 s2  }
.LBB2_3:
0x2f: {  	p2 =	sge.u32 s19, s12  }
0x30: {  	s0 =	smulhi.u32 @!p2 $0xAAAAAAAB, s19  }
0x31: {  	s2 =	smov.u32 s18;
	p3 =	sgt.s32 @!p2 s18, $0x296D0  }
0x32: {  	s8 =	sshra.s32 @!p2 s18, $0x1F;
	p3 =	por !p3, p2;
	s0 =	sshrl.u32 @!p2 s0, $0x1  }
0x33: {  	s8 =	sand.u32 @!p2 s8, s18;
	s2 =	simm.s32 @p3 $0x296D0;
	s0 =	smul.u32 @!p2 $0x3, s0  }
0x34: {  	s2 =	ssub.s32 @!p2 s2, s8  }
0x35: {  	s22 =	sadd.s32 $0xFFFFFFFF, s19;
	s2 =	sadd.s32 @!p2 $0xFFFD6930, s2;
	s0 =	ssub.s32 @!p2 s19, s0  }
0x36: {  	s8 =	sshll.u32 @!p2 s2, $0x2;
	p3 =	sgt.s32 @!p2 s2, $0x13F;
	s0 =	smul.u32 @!p2 $0x500, s0  }
0x37: {  	s21 =	sand.u32 @!p2 $0x7, s18;
	s2 =	ssub.s32 @!p2 $0x500, s8;
	p3 =	por !p3, p2  }
0x38: {  	s8 =	sshrl.u32 @!p2 s18, $0x3;
	s2 =	sshrl.u32 @!p2 s2, $0x2;
	s0 =	sshrl.u32 @!p2 s0, $0x2  }
0x39: {  	s8 =	sadd.s32 @!p2 s5, s8;
	s2 =	simm.s32 @!p3 $0x0;
	s0 =	sadd.s32 @!p2 $0xA938, s0  }
0x3a: {  	[tilespmem:s0], [sflag:$0x8] =	stream.linear.gather @!p2 [hbm4b:s8+s21], s2, $0x38;
	[tilespmem:$0x1EF78] =	vst v63  }
0x3b: {  	p2 =	sge.u32 s22, s12  }
0x3c: {  	p3 =	sgt.s32 @!p2 s17, $0x296D0  }
0x3d: {  	s0 =	smov.u32 s17;
	s2 =	sshra.s32 @!p2 s17, $0x1F;
	p3 =	por !p3, p2  }
0x3e: {  	s2 =	sand.u32 @!p2 s2, s17;
	s0 =	simm.s32 @p3 $0x296D0  }
0x3f: {  	s0 =	ssub.s32 @!p2 s0, s2  }
0x40: {  	s0 =	sadd.s32 @!p2 $0xFFFD6930, s0  }
0x41: {  	s2 =	sshll.u32 @!p2 s0, $0x2  }
0x42: {  	p3 =	sgt.s32 @!p2 s0, $0x13F;
	s0 =	ssub.s32 @!p2 $0x500, s2  }
0x43: {  	p3 =	por !p3, p2;
	s0 =	sshrl.u32 @!p2 s0, $0x2  }
0x44: {  	s8 =	simm.s32 @!p2 $0x8;
	s2 =	sand.u32 @!p2 $0x1, s22;
	s0 =	simm.s32 @!p3 $0x0  }
0x45: {  	s2 =	smul.u32 @!p2 $0x500, s2;
	_ =	swait.ge @!p2 [sflag:s8], s0  }
0x46: {  	s21 =	ssub.s32 @!p2 $0x0, s0;
	[sflag:s8] =	ssyncset.done @!p2 $0x0  }
0x47: {  	s2 =	sshrl.u32 @!p2 s2, $0x2;
	[sflag:s8] =	ssyncadd.s32 @!p2 s21;
	s8 =	sshrl.u32 @!p2 s17, $0x3  }
0x48: {  	s2 =	sadd.s32 @!p2 $0xACF8, s2;
	s21 =	sand.u32 @!p2 $0x7, s17;
	s8 =	sadd.s32 @!p2 s3, s8  }
0x49: {  	[tilespmem:s2], [sflag:$0x9] =	stream.linear.gather @!p2 [hbm4b:s8+s21], s0, $0x38;
	[tilespmem:$0x1EF78] =	vst v63  }
0x4a: {  	s21 =	ssub.s32 @!p2 $0x29810, s17  }
0x4b: {  	p3 =	slt.s32 @!p2 s21, $0x1  }
0x4c: {  	p3 =	por p2, p3  }
.Ltmp3:
0x4d: {  	_ = 	snop;
	(pc) =	sbr.rel @p3 .LBB2_9-.Ltmp3, $1  }
0x4e: {  	_ =	sdelay $0x3  }
0x4f: {  	s0 =	smulhi.u32 $0xAAAAAAAB, s22;
	_ =	sdelay $0x1  }
0x50: {  	s0 =	sshrl.u32 s0, $0x1  }
0x51: {  	s0 =	smul.u32 $0x3, s0;
	_ =	sdelay $0x1  }
0x52: {  	s0 =	ssub.s32 s22, s0  }
0x53: {  	s2 =	simm.s32 $0x1;
	s0 =	smul.u32 $0x500, s0  }
.Ltmp4:
0x54: {  	s2 =	simm.s32 @!p0 $0x0;
	(pc) =	sbr.rel .LBB2_6-.Ltmp4, $4  }
0x55: {  	s2 =	smul.u32 $0x28000, s2  }
0x56: {  	p3 =	slt.s32 @!p2 s21, $0x140;
	s0 =	sshrl.u32 s0, $0x2  }
0x57: {  	p2 =	por !p3, p2;
	s2 =	sshrl.u32 s2, $0x2;
	s0 =	sadd.s32 $0xA938, s0  }
0x58: {  	s23 =	simm.s32 $0x0;
	s21 =	simm.s32 @p2 $0x140;
	s22 =	sadd.s32 $0xAF78, s2;
	v1 =	vmov s0  }
.LBB2_5:
0x59: {  	p2 =	sge.s32 s23, s21  }
.Ltmp5:
0x5a: {  	_ = 	snop;
	(pc) =	sbr.rel @p2 .LBB2_9-.Ltmp5, $2  }
0x5b: {  	_ =	sdelay $0x2  }
0x5c: {  	s22 =	sadd.s32 $0x800, s22  }
.LBB2_6:
0x5d: {  	p2 =	sle.s32 s21, s23  }
.Ltmp6:
0x5e: {  	_ = 	snop;
	(pc) =	sbr.rel @p2 .LBB2_5-.Ltmp6, $2  }
0x5f: {  	_ =	sdelay $0x2  }
0x60: {  	s24 =	smov.u32 s23;
	s23 =	sadd.s32 $0x10, s23  }
0x61: {  	s0 =	ssub.s32 s21, s24  }
0x62: {  	p2 =	slt.s32 s0, $0x10  }
0x63: {  	s0 =	simm.s32 @!p2 $0x10  }
0x64: {  	v2 =	vmov s0  }
0x65: {  	vm0 =	vgt.s32 v2, v0;
	_ =	sdelay $0x5  }
0x66: {  	v2 =	vld.idx.msk [tilespmem:v1+s24+$0x0 ss:$0x1], vm0;
	_ =	sdelay $0x2  }
0x67: {  	p2 =	slt.s32 s23, s21;
	s0 =	smov.u32 s21  }
0x68: {  	s2 =	smov.u32 s22;
	s25 =	simm.s32 $0x0;
	s0 =	smov.u32 @p2 s23  }
.LBB2_8:
0x69: {  	(v2sf) =	vpush v2, s25;
	_ =	sdelay $0xc  }
0x6a: {  	s25 =	sadd.s32 $0x1, s25  }
0x6b: {  	s31 =	sadd.s32 s25, s24  }
0x6c: {  	p2 =	slt.s32 s31, s0;
	s8 =	spop (v2sf)  }
.Ltmp7:
0x6d: {  	s8 =	sshll.u32 s8, $0x4;
	(pc) =	sbr.rel @p2 .LBB2_8-.Ltmp7, $4  }
0x6e: {  	s8 =	sand.u32 $0x1FFFFFF0, s8  }
0x6f: {  	s8 =	sadd.s32 s4, s8  }
0x70: {  	[tilespmem:s2], [sflag:$0x7] =	stream.linear.gather [hbm4b:s8+s15], $0x40, $0x38;
	[tilespmem:$0x1EF78] =	vst v63  }
0x71: {  	s2 =	sadd.s32 $0x80, s2  }
.Ltmp8:
0x72: {  	_ = 	snop;
	(pc) =	sbr.rel .LBB2_5-.Ltmp8, $1  }
0x73: {  	_ =	sdelay $0x3  }
.LBB2_9:
0x74: {  	p2 =	slt.u32 s19, $0x2  }
.Ltmp9:
0x75: {  	_ = 	snop;
	(pc) =	sbr.rel @p2 .LBB2_27-.Ltmp9, $1  }
0x76: {  	_ =	sdelay $0x3  }
0x77: {  	p2 =	sgt.s32 s20, $0x296D0;
	s0 =	smov.u32 s20  }
0x78: {  	s2 =	sshra.s32 s20, $0x1F;
	s8 =	ssub.s32 $0x29810, s20;
	s0 =	simm.s32 @!p2 $0x296D0  }
0x79: {  	s2 =	sand.u32 s2, s20;
	p2 =	slt.s32 s8, $0x140;
	s21 =	smov.u32 s8  }
0x7a: {  	s0 =	ssub.s32 s0, s2;
	s21 =	simm.s32 @!p2 $0x140  }
0x7b: {  	s0 =	sadd.s32 $0xFFFD6930, s0;
	s26 =	sshll.u32 s21, $0x6  }
0x7c: {  	s9 =	simm.s32 $0x7;
	s29 =	sshll.u32 s0, $0x2;
	s2 =	sand.u32 $0x3FFFFFC0, s26  }
0x7d: {  	p2 =	sgt.s32 s0, $0x13F;
	s30 =	ssub.s32 $0x500, s29;
	_ =	swait.ge [sflag:s9], s2  }
0x7e: {  	s2 =	ssub.s32 $0x0, s2;
	[sflag:s9] =	ssyncset.done $0x0;
	s0 =	sshrl.u32 s30, $0x2  }
0x7f: {  	[sflag:s9] =	ssyncadd.s32 s2;
	s0 =	simm.s32 @p2 $0x0  }
0x80: {  	_ =	swait.ge [sflag:s10], s0  }
0x81: {  	s0 =	ssub.s32 $0x0, s0;
	[sflag:s10] =	ssyncset.done $0x0  }
0x82: {  	[sflag:s10] =	ssyncadd.s32 s0  }
0x83: {  	v1 =	vld [tilespmem:$0xA108];
	_ =	sdelay $0x4  }
0x84: {  	(v2sf) =	vpush v1, $0x0  }
0x85: {  	(v2sf) =	vpush v1, $0x1  }
0x86: {  	(v2sf) =	vpush v1, $0x2;
	_ =	sdelay $0x3  }
0x87: {  	s0 =	sadd.s32 $0x140, s20  }
0x88: {  	p2 =	slt.s32 s7, s0  }
0x89: {  	s0 =	smov.u32 @p2 s7;
	p2 =	sgt.s32 s8, $0x0  }
0x8a: {  	s24 =	ssub.s32 s0, s20;
	s8 =	simm.s32 @!p2 $0x0  }
0x8b: {  	p2 =	slt.s32 s8, s24  }
0x8c: {  	s24 =	smov.u32 @p2 s8  }
0x8d: {  	s23 =	simm.s32 $0x1;
	p2 =	slt.s32 s24, $0x1  }
.Ltmp10:
0x8e: {  	s23 =	simm.s32 @!p1 $0x0;
	(pc) =	sbr.rel @p2 .LBB2_14-.Ltmp10, $4  }
0x8f: {  	s31 =	smul.u32 $0x500, s23  }
0x90: {  	s25 =	spop (v2sf)  }
0x91: {  	s0 =	sshrl.u32 s31, $0x2;
	s28 =	spop (v2sf)  }
0x92: {  	s21 =	sadd.s32 $0xACF8, s0;
	s20 =	spop (v2sf)  }
0x93: {  	s0 =	smin.u32 s24, $0x10  }
0x94: {  	v1 =	vmov s0  }
0x95: {  	p3 =	sgt.s32 s24, $0x10;
	vm1 =	vgt.u32 v1, v0  }
.Ltmp11:
0x96: {  	_ = 	snop;
	(pc) =	sbr.rel @!p3 .LBB2_13-.Ltmp11, $2  }
0x97: {  	_ =	sdelay $0x2  }
0x98: {  	s26 =	simm.s32 $0x10;
	s29 =	sadd.s32 $0xFFFFFFF0, s24;
	s22 =	smov.u32 s21;
	vm0 =	vmmov vm1  }
.LBB2_12:
0x99: {  	s0 =	smin.u32 s29, $0x10;
	s26 =	sadd.s32 $0x10, s26;
	v1 =	vld.msk [tilespmem:s22+$0x0 ss:$0x1], vm1  }
0x9a: {  	v2 =	vmov s0;
	p3 =	slt.s32 s26, s24  }
0x9b: {  	vm1 =	vgt.u32 v2, v0  }
.Ltmp12:
0x9c: {  	(pc) =	sbr.rel @p3 .LBB2_12-.Ltmp12, $3  }
0x9d: {  	_ =	sdelay $0x1  }
0x9e: {  	v1 =	vshll.u32 v1, $0x4  }
0x9f: {  	s29 =	sadd.s32 $0xFFFFFFF0, s29;
	[tilespmem:s22+$0x0] =	vst.msk vm0, v1;
	s22 =	sadd.s32 $0x10, s22;
	vm0 =	vmmov vm1  }
.LBB2_13:
0xa0: {  	_ =	sdelay $0x4  }
0xa1: {  	v1 =	vld.msk [tilespmem:s22+$0x0 ss:$0x1], vm1;
	_ =	sdelay $0x4  }
0xa2: {  	v1 =	vshll.u32 v1, $0x4  }
0xa3: {  	[tilespmem:s22+$0x0] =	vst.msk vm0, v1  }
.LBB2_14:
0xa4: {  	s0 =	sand.u32 $0x1, s19  }
0xa5: {  	s2 =	smul.u32 $0xA000, s0  }
0xa6: {  	p3 =	sne.s32 s28, $0xFFFFFFFF;
	s0 =	smul.u32 $0x140, s0  }
0xa7: {  	v1 =	vld @!p3 [tilespmem:s2+$0xAF78]  }
0xa8: {  	v2 =	vld.msk @!p3 [tilespmem:s0+$0xACF8], $0x1;
	_ =	sdelay $0x3  }
0xa9: {  	[tilespmem:$0x88] =	vst @!p3 v1  }
0xaa: {  	(v2sf) =	vpush @!p3 v2, $0x0;
	v1 =	vld @!p3 [tilespmem:s2+$0xAF88];
	_ =	sdelay $0x4  }
0xab: {  	[tilespmem:$0x98] =	vst @!p3 v1  }
0xac: {  	v1 =	vld @!p3 [tilespmem:s2+$0xAF98];
	_ =	sdelay $0x4  }
0xad: {  	[tilespmem:$0xA8] =	vst @!p3 v1  }
0xae: {  	v1 =	vld @!p3 [tilespmem:s2+$0xAFA8]  }
.Ltmp13:
0xaf: {  	_ = 	snop;
	(pc) =	sbr.rel @p2 .LBB2_25-.Ltmp13, $4  }
0xb0: {  	_ = 	snop  }
0xb1: {  	s26 =	spop @!p3 (v2sf)  }
0xb2: {  	s20 =	simm.s32 @!p3 $0x0;
	s22 =	smov.u32 s26  }
0xb3: {  	s26 =	smov.u32 @p3 s25;
	s22 =	smov.u32 @p3 s28;
	[tilespmem:$0xB8] =	vst @!p3 v1;
	[sflag:s16] =	ssyncpa.u1 $0x0  }
0xb4: {  	v1 =	vld.msk [tilespmem:s21+$0x0], $0x1;
	_ =	sdelay $0x4  }
0xb5: {  	(v2sf) =	vpush v1, $0x0;
	_ =	sdelay $0xe  }
0xb6: {  	s0 =	smul.u32 $0x28000, s23;
	s30 =	spop (v2sf)  }
0xb7: {  	s24 =	ssub.s32 $0x0, s24;
	p2 =	seq.s32 s26, s30  }
0xb8: {  	s28 =	sadd.s32 $0x1, s24;
	s0 =	sshrl.u32 s0, $0x2;
	p3 =	sgt.s32 @!p2 s26, $0x0  }
0xb9: {  	s23 =	sadd.s32 $0xAF98, s0;
	s0 =	smov.u32 s26;
	p3 =	por !p3, p2  }
0xba: {  	s0 =	simm.s32 @p3 $0x0;
	p3 =	seq.s32 s28, $0x0  }
.Ltmp14:
0xbb: {  	_ = 	snop;
	(pc) =	sbr.rel @p3 .LBB2_17-.Ltmp14, $4  }
0xbc: {  	_ = 	snop  }
0xbd: {  	s25 =	simm.s32 $0x0;
	s31 =	simm.s32 @!p2 $0x1;
	s2 =	smin.u32 @!p2 s0, $0x270F8  }
0xbe: {  	s29 =	sadd.s32 $0x1, s21;
	s31 =	smov.u32 @p2 s25;
	s8 =	sand.u32 @!p2 $0x3FFF8, s2  }
0xbf: {  	s0 =	simm.s32 @!p2 $0x50C8;
	s2 =	sand.u32 @!p2 $0x7, s2;
	s8 =	sadd.s32 @!p2 s1, s8  }
.LBB2_16:
0xc0: {  	s9 =	smov.u32 s31  }
0xc1: {  	[tilespmem:s0], [sflag:$0x2] =	stream.linear.gather @!p2 [hbm4b:s8+s2], $0x40, $0x38;
	[tilespmem:$0x1EF78] =	vst v63  }
0xc2: {  	s28 =	sadd.s32 $0x1, s28;
	s2 =	smov.u32 s30;
	v1 =	vld.msk [tilespmem:s29+$0x0], $0x1  }
0xc3: {  	p3 =	seq.s32 s28, $0x0;
	_ =	sdelay $0x3  }
0xc4: {  	(v2sf) =	vpush v1, $0x0;
	_ =	sdelay $0xe  }
0xc5: {  	s30 =	spop (v2sf)  }
0xc6: {  	p2 =	seq.s32 s2, s30  }
0xc7: {  	p4 =	sgt.s32 @!p2 s2, $0x0;
	s0 =	sshll.u32 @!p2 s31, $0x8;
	s31 =	sadd.s32 @!p2 $0x1, s31  }
.Ltmp15:
0xc8: {  	p4 =	por !p4, p2;
	s0 =	sshra.s32 @!p2 s0, $0x2;
	(pc) =	sbr.rel @!p3 .LBB2_16-.Ltmp15, $4  }
0xc9: {  	s31 =	smov.u32 @p2 s9;
	s2 =	simm.s32 @p4 $0x0;
	s0 =	sadd.s32 @!p2 $0x50C8, s0  }
0xca: {  	s2 =	smin.u32 @!p2 s2, $0x270F8  }
0xcb: {  	s8 =	sand.u32 @!p2 $0x3FFF8, s2;
	s2 =	sand.u32 @!p2 $0x7, s2  }
0xcc: {  	s29 =	sadd.s32 $0x1, s29;
	s8 =	sadd.s32 @!p2 s1, s8  }
.LBB2_17:
0xcd: {  	[tilespmem:s0], [sflag:$0x2] =	stream.linear.gather @!p2 [hbm4b:s8+s2], $0x40, $0x38;
	[tilespmem:$0x1EF78] =	vst v63  }
.Ltmp16:
0xce: {  	s30 =	sshll.u32 s31, $0x6;
	(pc) =	sbr.rel .LBB2_18-.Ltmp16, $4  }
0xcf: {  	s31 =	simm.s32 $0x2;
	s0 =	sand.u32 $0x3FFFFFC0, s30  }
0xd0: {  	_ =	swait.ge [sflag:s31], s0  }
0xd1: {  	s0 =	ssub.s32 $0x0, s0;
	[sflag:s31] =	ssyncset.done $0x0  }
0xd2: {  	s29 =	simm.s32 $0x0;
	[sflag:s31] =	ssyncadd.s32 s0  }
.LBB2_19:
0xd3: {  	v1 =	vld [tilespmem:s23+$0xFFFFFFE0]  }
0xd4: {  	v2 =	vld [tilespmem:s30+$0x88];
	_ =	sdelay $0x4  }
0xd5: {  	v1 =	vmax.f32 v1, v2  }
0xd6: {  	v2 =	vld [tilespmem:s30+$0x98];
	[tilespmem:s30+$0x88] =	vst v1  }
0xd7: {  	v1 =	vld [tilespmem:s23+$0xFFFFFFF0];
	_ =	sdelay $0x4  }
0xd8: {  	v1 =	vmax.f32 v1, v2  }
0xd9: {  	v2 =	vld [tilespmem:s30+$0xA8];
	[tilespmem:s30+$0x98] =	vst v1  }
0xda: {  	v1 =	vld [tilespmem:s23+$0x0];
	_ =	sdelay $0x4  }
0xdb: {  	v1 =	vmax.f32 v1, v2  }
0xdc: {  	v2 =	vld [tilespmem:s30+$0xB8];
	[tilespmem:s30+$0xA8] =	vst v1  }
0xdd: {  	v1 =	vld [tilespmem:s23+$0x10];
	_ =	sdelay $0x4  }
0xde: {  	v1 =	vmax.f32 v1, v2  }
0xdf: {  	[tilespmem:s30+$0xB8] =	vst v1  }
.LBB2_23:
0xe0: {  	s24 =	sadd.s32 $0x1, s24  }
0xe1: {  	p2 =	seq.s32 s24, $0x0  }
.Ltmp17:
0xe2: {  	_ = 	snop;
	(pc) =	sbr.rel @p2 .LBB2_24-.Ltmp17, $2  }
0xe3: {  	_ =	sdelay $0x2  }
0xe4: {  	s23 =	sadd.s32 $0x80, s23;
	s21 =	sadd.s32 $0x1, s21;
	s26 =	smov.u32 s28  }
.LBB2_18:
0xe5: {  	v1 =	vld.msk [tilespmem:s21+$0x0], $0x1;
	_ =	sdelay $0x4  }
0xe6: {  	(v2sf) =	vpush v1, $0x0;
	_ =	sdelay $0xe  }
0xe7: {  	s28 =	spop (v2sf)  }
0xe8: {  	p2 =	sne.s32 s26, s28  }
.Ltmp18:
0xe9: {  	_ = 	snop;
	(pc) =	sbr.rel @!p2 .LBB2_19-.Ltmp18, $3  }
0xea: {  	_ =	sdelay $0x1  }
0xeb: {  	s0 =	sshll.u32 s20, $0x8  }
0xec: {  	s30 =	sshra.s32 s0, $0x2  }
0xed: {  	p2 =	seq.s32 s26, s22  }
.Ltmp19:
0xee: {  	_ = 	snop;
	(pc) =	sbr.rel @!p2 .LBB2_21-.Ltmp19, $1  }
0xef: {  	_ =	sdelay $0x3  }
.Ltmp20:
0xf0: {  	s0 =	sadd.s32 $0x88, s30;
	(pc) =	sbr.rel .LBB2_22-.Ltmp20, $4  }
0xf1: {  	[spmem:s13] =	stream.linear.scatter [tilespmem:s0], [sflag:$0x1], $0x40, $0x38;
	[tilespmem:$0x1EF78] =	vst v63  }
0xf2: {  	_ =	swait.ge [sflag:s11], $0x40  }
0xf3: {  	[sflag:s11] =	ssyncset.done $0x0  }
0xf4: {  	[sflag:s11] =	ssyncadd.s32 $0xFFFFFFC0  }
.LBB2_21:
0xf5: {  	s0 =	sshll.u32 s25, $0x8  }
0xf6: {  	v2 =	vld [tilespmem:s30+$0x88];
	s0 =	sshra.s32 s0, $0x2  }
0xf7: {  	v1 =	vld [tilespmem:s0+$0x50C8];
	_ =	sdelay $0x4  }
0xf8: {  	v1 =	vmax.f32 v1, v2  }
0xf9: {  	v2 =	vld [tilespmem:s30+$0x98];
	[tilespmem:s30+$0x88] =	vst v1  }
0xfa: {  	v1 =	vld [tilespmem:s0+$0x50D8];
	_ =	sdelay $0x4  }
0xfb: {  	v1 =	vmax.f32 v1, v2  }
0xfc: {  	v2 =	vld [tilespmem:s30+$0xA8];
	[tilespmem:s30+$0x98] =	vst v1  }
0xfd: {  	v1 =	vld [tilespmem:s0+$0x50E8];
	_ =	sdelay $0x4  }
0xfe: {  	v1 =	vmax.f32 v1, v2  }
0xff: {  	v2 =	vld [tilespmem:s30+$0xB8];
	[tilespmem:s30+$0xA8] =	vst v1  }
0x100: {  	v1 =	vld [tilespmem:s0+$0x50F8];
	_ =	sdelay $0x3  }
0x101: {  	p2 =	sgt.u32 s26, $0x270F8  }
0x102: {  	s0 =	sand.u32 @!p2 $0x3FFF8, s26;
	v1 =	vmax.f32 v1, v2  }
0x103: {  	s2 =	sadd.s32 $0x88, s30;
	s8 =	sand.u32 @!p2 $0x7, s26;
	s0 =	sadd.s32 @!p2 s1, s0;
	[tilespmem:s30+$0xB8] =	vst v1  }
0x104: {  	[hbm4b:s0+s8] =	stream.linear.scatter @!p2 [tilespmem:s2], [sflag:$0xA], $0x40, $0x38;
	[tilespmem:$0x1EF78] =	vst v63  }
0x105: {  	s0 =	simm.s32 $0x0  }
0x106: {  	s0 =	simm.s32 @!p2 $0x100  }
0x107: {  	s29 =	sadd.s32 s0, s29  }
.LBB2_22:
0x108: {  	s0 =	sadd.s32 $0x1, s20  }
0x109: {  	s2 =	smulhi.u32 $0xCCCCCCCD, s0;
	_ =	sdelay $0x1  }
0x10a: {  	v1 =	vld [tilespmem:s23+$0xFFFFFFE0];
	s2 =	sshrl.u32 s2, $0x8  }
0x10b: {  	s2 =	smul.u32 $0x140, s2;
	_ =	sdelay $0x1  }
0x10c: {  	s20 =	ssub.s32 s0, s2  }
0x10d: {  	s0 =	sshll.u32 s20, $0x6  }
0x10e: {  	[tilespmem:s0+$0x88] =	vst v1  }
0x10f: {  	v1 =	vld [tilespmem:s23+$0xFFFFFFF0];
	_ =	sdelay $0x4  }
0x110: {  	[tilespmem:s0+$0x98] =	vst v1  }
0x111: {  	v1 =	vld [tilespmem:s23+$0x0];
	_ =	sdelay $0x4  }
0x112: {  	[tilespmem:s0+$0xA8] =	vst v1  }
0x113: {  	v1 =	vld [tilespmem:s23+$0x10]  }
.Ltmp21:
0x114: {  	_ = 	snop;
	(pc) =	sbr.rel .LBB2_23-.Ltmp21, $2  }
0x115: {  	_ =	sdelay $0x2  }
0x116: {  	s25 =	sadd.s32 $0x1, s25;
	[tilespmem:s0+$0xB8] =	vst v1  }
.LBB2_25:
.Ltmp22:
0x117: {  	(pc) =	sbr.rel .LBB2_26-.Ltmp22, $4  }
0x118: {  	_ = 	snop  }
0x119: {  	s0 =	simm.s32 $0x2  }
0x11a: {  	_ =	swait.ge [sflag:s0], $0x0  }
0x11b: {  	s28 =	smov.u32 s26;
	[sflag:s0] =	ssyncset.done $0x0;
	s0 =	simm.s32 $0x0  }
.LBB2_28:
0x11c: {  	_ =	sfence.sel $0x180000  }
0x11d: {  	s0 =	simm.s32 $0x7;
	[bflag:$0x0] =	sbarrier.arrive $0xFFFF  }
0x11e: {  	s25 =	simm.s32 $0x8;
	[sflag:s0] =	ssyncpa.u1 $0x1  }
0x11f: {  	s26 =	simm.s32 $0x9;
	[sflag:s25] =	ssyncpa.u1 $0x1  }
0x120: {  	s28 =	simm.s32 $0x2;
	[sflag:s26] =	ssyncpa.u1 $0x1  }
0x121: {  	[sflag:s28] =	ssyncpa.u1 $0x1  }
0x122: {  	v0 =	vld [tilespmem:$0xA108];
	_ =	sdelay $0x4  }
0x123: {  	(v2sf) =	vpush v0, $0x0  }
0x124: {  	(v2sf) =	vpush v0, $0x1;
	_ =	sdelay $0x1  }
0x125: {  	(v2sf) =	vpush v0, $0x2;
	_ =	sdelay $0xb  }
0x126: {  	s0 =	spop (v2sf)  }
0x127: {  	s2 =	spop (v2sf)  }
0x128: {  	s3 =	smov.u32 s0;
	p0 =	sne.s32 s0, s2  }
0x129: {  	s4 =	spop (v2sf);
	s3 =	simm.s32 @!p0 $0xFFFFFFFF  }
0x12a: {  	v2 =	vimm.s32 $0x1;
	v3 =	vlaneseq.u32;
	p0 =	seq.s32 s4, $0xFFFFFFFF;
	v1 =	vmov s3  }
0x12b: {  	s7 =	stileid.u32;
	v0 =	vperm.xlane v0, v2;
	p1 =	sne.s32 @!p0 s0, s2;
	v1 =	vperm.xlane v1, v3  }
0x12c: {  	vm0 =	vcmask $0x3F04;
	s6 =	simm.s32 $0xA108;
	s0 =	simm.s32 @!p0 $0x1;
	p1 =	por !p1, p0  }
0x12d: {  	s3 =	sshll.u32 s7, $0x1;
	s2 =	sshll.u32 @!p0 s4, $0x8;
	s0 =	simm.s32 @p1 $0x0;
	v0 =	vsel vm0, v1, v0  }
0x12e: {  	s5 =	sor.u32 $0x800, s3;
	s2 =	sshra.s32 @!p0 s2, $0x2;
	s0 =	sor.u32 @!p0 s0, s3;
	[tilespmem:$0xA108] =	vst v0  }
0x12f: {  	[spmem:s5] =	stream.linear.scatter [tilespmem:s6], [sflag:$0x1], $0x2, $0x38;
	[tilespmem:$0x1EF78] =	vst v63  }
0x130: {  	s2 =	sadd.s32 @!p0 $0x88, s2;
	s0 =	sshll.u32 @!p0 s0, $0x6  }
0x131: {  	[spmem:s0] =	stream.linear.scatter @!p0 [tilespmem:s2], [sflag:$0x1], $0x40, $0x38;
	[tilespmem:$0x1EF78] =	vst v63  }
0x132: {  	s2 =	simm.s32 @!p0 $0x42  }
0x133: {  	s0 =	simm.s32 $0x1;
	s2 =	simm.s32 @p0 $0x2  }
0x134: {  	_ =	swait.ge [sflag:s0], s2  }
0x135: {  	s2 =	ssub.s32 $0x0, s2;
	[sflag:s0] =	ssyncset.done $0x0  }
0x136: {  	[sflag:s0] =	ssyncadd.s32 s2  }
0x137: {  	_ =	sfence.stream.spmem  }
0x138: {  	s29 =	simm.s32 $0x3;
	[bflag:$0x0] =	sbarrier.arrive $0xFFFF  }
0x139: {  	s30 =	simm.s32 $0x4;
	[sflag:s29] =	ssyncpa.u1 $0x1  }
0x13a: {  	s31 =	simm.s32 $0x3C;
	[sflag:s30] =	ssyncpa.u1 $0x1  }
0x13b: {  	p0 =	sne.s32 s7, $0x0;
	[sflag:s31] =	ssyncpa.u1 $0x1  }
0x13c: {  	_ =	sfence @p0  }
0x13d: {  	[sflag:s0] =	ssyncpa.u1 @p0 $0x1  }
0x13e: {  	_ =	strace @p0 $0x9000004A  }
0x13f: {  	[bflag:$0x2] =	sbarrier.arrive @p0 $0xFFFF  }
0x140: {  	_ =	shalt @p0  }
.LBB2_29:
0x141: {  	_ =	sfence.stream.spmem;
	s0 =	simm.s32 $0x5  }
0x142: {  	s2 =	simm.s32 $0x800;
	s3 =	simm.s32 $0xA118;
	[sflag:s0] =	ssyncpa.u1 $0x0  }
0x143: {  	[tilespmem:s3], [sflag:$0x5] =	stream.linear.gather [spmem:s2], $0x20, $0x38;
	[tilespmem:$0x1EF78] =	vst v63  }
0x144: {  	s30 =	simm.s32 $0xA138;
	s2 =	simm.s32 $0x0  }
0x145: {  	[tilespmem:s30], [sflag:$0x5] =	stream.linear.gather [spmem:s2], $0x800, $0x38;
	[tilespmem:$0x1EF78] =	vst v63  }
.Ltmp23:
0x146: {  	_ = 	snop;
	(pc) =	sbr.rel .LBB2_30-.Ltmp23, $4  }
0x147: {  	_ =	swait.ge [sflag:s0], $0x820  }
0x148: {  	[sflag:s0] =	ssyncset.done $0x0  }
0x149: {  	s31 =	simm.s32 $0x6;
	[sflag:s0] =	ssyncadd.s32 $0xFFFFF7E0  }
0x14a: {  	s3 =	simm.s32 $0x0;
	[sflag:s31] =	ssyncpa.u1 $0x0  }
.LBB2_36:
0x14b: {  	p0 =	slt.u32 s4, $0x270F9  }
0x14c: {  	s0 =	sand.u32 @p0 $0x3FFF8, s4  }
0x14d: {  	s4 =	sand.u32 @p0 $0x7, s4;
	s5 =	simm.s32 @p0 $0xA0C8;
	s0 =	sadd.s32 @p0 s1, s0  }
0x14e: {  	[tilespmem:s5], [sflag:$0x6] =	stream.linear.gather @p0 [hbm4b:s0+s4], $0x40, $0x38;
	[tilespmem:$0x1EF78] =	vst v63  }
0x14f: {  	s0 =	simm.s32 @p0 $0x6  }
0x150: {  	_ =	swait.ge @p0 [sflag:s0], $0x40  }
0x151: {  	[sflag:s0] =	ssyncset.done @p0 $0x0  }
0x152: {  	[sflag:s0] =	ssyncadd.s32 @p0 $0xFFFFFFC0;
	s0 =	sshll.u32 @p0 s3, $0x8  }
0x153: {  	s4 =	sshrl.u32 @p0 s0, $0x2;
	v1 =	vld @p0 [tilespmem:$0xA0C8]  }
0x154: {  	v2 =	vld @p0 [tilespmem:s4+$0xA138];
	_ =	sdelay $0x4  }
0x155: {  	v1 =	vmax.f32 @p0 v1, v2  }
0x156: {  	v2 =	vld @p0 [tilespmem:s4+$0xA148];
	[tilespmem:s4+$0xA138] =	vst @p0 v1  }
0x157: {  	v1 =	vld @p0 [tilespmem:$0xA0D8];
	_ =	sdelay $0x4  }
0x158: {  	v1 =	vmax.f32 @p0 v1, v2  }
0x159: {  	v2 =	vld @p0 [tilespmem:s4+$0xA158];
	[tilespmem:s4+$0xA148] =	vst @p0 v1  }
0x15a: {  	v1 =	vld @p0 [tilespmem:$0xA0E8];
	_ =	sdelay $0x4  }
0x15b: {  	v1 =	vmax.f32 @p0 v1, v2  }
0x15c: {  	v2 =	vld @p0 [tilespmem:s4+$0xA168];
	[tilespmem:s4+$0xA158] =	vst @p0 v1  }
0x15d: {  	v1 =	vld @p0 [tilespmem:$0xA0F8];
	_ =	sdelay $0x4  }
0x15e: {  	s5 =	sshll.u32 @!p0 s3, $0x8;
	v1 =	vmax.f32 @p0 v1, v2  }
0x15f: {  	s5 =	smov.u32 @p0 s0;
	[tilespmem:s4+$0xA168] =	vst @p0 v1  }
0x160: {  	s0 =	sshrl.u32 s5, $0x2;
	[tilespmem:s2+$0xA118] =	vst.msk $0x1, v0  }
0x161: {  	v0 =	vld [tilespmem:s0+$0xA138];
	_ =	sdelay $0x2  }
0x162: {  	s31 =	sshll.u32 s2, $0x8  }
0x163: {  	s4 =	sshra.s32 s31, $0x2  }
0x164: {  	[tilespmem:s4+$0xA138] =	vst v0  }
0x165: {  	v0 =	vld [tilespmem:s0+$0xA148];
	_ =	sdelay $0x4  }
0x166: {  	[tilespmem:s4+$0xA148] =	vst v0  }
0x167: {  	v0 =	vld [tilespmem:s0+$0xA158];
	_ =	sdelay $0x4  }
0x168: {  	[tilespmem:s4+$0xA158] =	vst v0  }
0x169: {  	v0 =	vld [tilespmem:s0+$0xA168];
	_ =	sdelay $0x4  }
0x16a: {  	s2 =	sadd.s32 $0x1, s2;
	[tilespmem:s4+$0xA168] =	vst v0  }
.LBB2_37:
0x16b: {  	s3 =	sadd.s32 $0x1, s3  }
0x16c: {  	p0 =	sne.s32 s3, $0x20  }
.Ltmp24:
0x16d: {  	_ = 	snop;
	(pc) =	sbr.rel @!p0 .LBB2_38-.Ltmp24, $1  }
0x16e: {  	_ =	sdelay $0x3  }
.LBB2_30:
0x16f: {  	v0 =	vld.msk [tilespmem:s3+$0xA118], $0x1;
	_ =	sdelay $0x4  }
0x170: {  	(v2sf) =	vpush v0, $0x0;
	_ =	sdelay $0xe  }
0x171: {  	s4 =	spop (v2sf)  }
0x172: {  	p0 =	seq.s32 s4, $0xFFFFFFFF  }
.Ltmp25:
0x173: {  	_ = 	snop;
	(pc) =	sbr.rel @p0 .LBB2_37-.Ltmp25, $1  }
0x174: {  	_ =	sdelay $0x3  }
0x175: {  	p0 =	slt.s32 s2, $0x1  }
.Ltmp26:
0x176: {  	_ = 	snop;
	(pc) =	sbr.rel @p0 .LBB2_36-.Ltmp26, $1  }
0x177: {  	_ =	sdelay $0x3  }
0x178: {  	s5 =	simm.s32 $0xA118;
	p0 =	por $0x0, $0x0  }
0x179: {  	v1 =	vld.msk @!p0 [tilespmem:s5+$0x0], $0x1;
	_ =	sdelay $0x4  }
0x17a: {  	(v2sf) =	vpush @!p0 v1, $0x0;
	_ =	sdelay $0xd  }
0x17b: {  	p2 =	sne.s32 s2, $0x1  }
.Ltmp27:
0x17c: {  	s0 =	spop @!p0 (v2sf);
	(pc) =	sbr.rel @!p2 .LBB2_34-.Ltmp27, $4  }
0x17d: {  	p1 =	seq.s32 @!p0 s4, s0  }
0x17e: {  	s6 =	simm.s32 $0x0;
	p1 =	por !p1, p0  }
0x17f: {  	s0 =	simm.s32 $0xFFFFFFFF;
	s6 =	simm.s32 @p1 $0xFFFFFFFF  }
0x180: {  	s7 =	simm.s32 $0x1;
	s6 =	smov.u32 @p0 s0  }
.LBB2_33:
0x181: {  	s0 =	smov.u32 s6;
	p0 =	sne.s32 s6, $0xFFFFFFFF  }
0x182: {  	s5 =	sadd.s32 $0x1, s5;
	s6 =	smov.u32 s7;
	s7 =	sadd.s32 $0x1, s7  }
0x183: {  	p1 =	sne.s32 s2, s7;
	v1 =	vld.msk @!p0 [tilespmem:s5+$0x0], $0x1;
	_ =	sdelay $0x4  }
0x184: {  	(v2sf) =	vpush @!p0 v1, $0x0;
	_ =	sdelay $0xe  }
.Ltmp28:
0x185: {  	s8 =	spop @!p0 (v2sf);
	(pc) =	sbr.rel @p1 .LBB2_33-.Ltmp28, $4  }
0x186: {  	p2 =	seq.s32 @!p0 s4, s8  }
0x187: {  	p2 =	por !p2, p0  }
0x188: {  	s6 =	simm.s32 @p2 $0xFFFFFFFF  }
0x189: {  	s6 =	smov.u32 @p0 s0  }
.LBB2_34:
0x18a: {  	p0 =	seq.s32 s6, $0xFFFFFFFF  }
.Ltmp29:
0x18b: {  	_ = 	snop;
	(pc) =	sbr.rel @p0 .LBB2_36-.Ltmp29, $1  }
0x18c: {  	_ =	sdelay $0x3  }
0x18d: {  	s0 =	sshll.u32 s3, $0x6  }
0x18e: {  	s4 =	sshll.u32 s6, $0x8;
	s0 =	sand.u32 $0x3FFFFFC0, s0  }
0x18f: {  	s4 =	sshra.s32 s4, $0x2;
	v0 =	vld [tilespmem:s0+$0xA138]  }
0x190: {  	v1 =	vld [tilespmem:s4+$0xA138];
	_ =	sdelay $0x4  }
0x191: {  	v0 =	vmax.f32 v0, v1  }
0x192: {  	v61 =	vld [tilespmem:s4+$0xA148];
	[tilespmem:s4+$0xA138] =	vst v0  }
0x193: {  	v0 =	vld [tilespmem:s0+$0xA148];
	_ =	sdelay $0x4  }
0x194: {  	v0 =	vmax.f32 v0, v61  }
0x195: {  	v62 =	vld [tilespmem:s4+$0xA158];
	[tilespmem:s4+$0xA148] =	vst v0  }
0x196: {  	v0 =	vld [tilespmem:s0+$0xA158];
	_ =	sdelay $0x4  }
0x197: {  	v0 =	vmax.f32 v0, v62  }
0x198: {  	v63 =	vld [tilespmem:s4+$0xA168];
	[tilespmem:s4+$0xA158] =	vst v0  }
0x199: {  	v0 =	vld [tilespmem:s0+$0xA168];
	_ =	sdelay $0x1  }
.Ltmp30:
0x19a: {  	_ = 	snop;
	(pc) =	sbr.rel .LBB2_37-.Ltmp30, $3  }
0x19b: {  	_ =	sdelay $0x1  }
0x19c: {  	v0 =	vmax.f32 v0, v63  }
0x19d: {  	[tilespmem:s4+$0xA168] =	vst v0  }
.LBB2_38:
0x19e: {  	p0 =	slt.s32 s2, $0x1  }
.Ltmp31:
0x19f: {  	_ = 	snop;
	(pc) =	sbr.rel @p0 .LBB2_42-.Ltmp31, $3  }
0x1a0: {  	_ =	sdelay $0x1  }
0x1a1: {  	s0 =	simm.s32 $0x6  }
0x1a2: {  	s3 =	simm.s32 $0x0;
	[sflag:s0] =	ssyncpa.u1 $0x1  }
0x1a3: {  	s0 =	simm.s32 $0xA118  }
0x1a4: {  	v0 =	vld.msk [tilespmem:s0+$0x0], $0x1;
	_ =	sdelay $0x4  }
0x1a5: {  	(v2sf) =	vpush v0, $0x0;
	_ =	sdelay $0xe  }
0x1a6: {  	s2 =	sadd.s32 $0xFFFFFFFF, s2;
	s0 =	spop (v2sf)  }
0x1a7: {  	p1 =	sne.s32 s2, $0x0;
	p0 =	sgt.u32 s0, $0x270F8  }
.Ltmp32:
0x1a8: {  	s5 =	sand.u32 @!p0 $0x3FFF8, s0;
	(pc) =	sbr.rel @!p1 .LBB2_41-.Ltmp32, $4  }
0x1a9: {  	s4 =	simm.s32 $0xA138;
	s0 =	sand.u32 @!p0 $0x7, s0;
	s5 =	sadd.s32 @!p0 s1, s5  }
0x1aa: {  	[hbm4b:s5+s0] =	stream.linear.scatter @!p0 [tilespmem:s4], [sflag:$0x5], $0x40, $0x38;
	[tilespmem:$0x1EF78] =	vst v63  }
0x1ab: {  	s0 =	simm.s32 $0x0  }
0x1ac: {  	s5 =	simm.s32 $0xA119;
	s0 =	simm.s32 @!p0 $0x100  }
.LBB2_40:
0x1ad: {  	v0 =	vld.msk [tilespmem:s5+$0x0], $0x1;
	s2 =	sadd.s32 $0xFFFFFFFF, s2;
	s3 =	sadd.s32 s3, s0  }
0x1ae: {  	p0 =	sne.s32 s2, $0x0;
	_ =	sdelay $0x3  }
0x1af: {  	(v2sf) =	vpush v0, $0x0;
	_ =	sdelay $0xe  }
.Ltmp33:
0x1b0: {  	s6 =	spop (v2sf);
	(pc) =	sbr.rel @p0 .LBB2_40-.Ltmp33, $4  }
0x1b1: {  	s0 =	simm.s32 $0x0;
	p1 =	sgt.u32 s6, $0x270F8  }
0x1b2: {  	s4 =	sadd.s32 $0x40, s4;
	s0 =	simm.s32 @!p1 $0x100;
	s7 =	sand.u32 @!p1 $0x3FFF8, s6  }
0x1b3: {  	s5 =	sadd.s32 $0x1, s5;
	s6 =	sand.u32 @!p1 $0x7, s6;
	s7 =	sadd.s32 @!p1 s1, s7  }
0x1b4: {  	[hbm4b:s7+s6] =	stream.linear.scatter @!p1 [tilespmem:s4], [sflag:$0x5], $0x40, $0x38;
	[tilespmem:$0x1EF78] =	vst v63  }
.LBB2_41:
0x1b5: {  	s0 =	sadd.s32 s3, s0  }
0x1b6: {  	s3 =	sshrl.u32 s0, $0x2  }
.LBB2_42:
0x1b7: {  	s0 =	simm.s32 $0x5  }
0x1b8: {  	_ =	swait.ge [sflag:s0], s3  }
0x1b9: {  	s1 =	ssub.s32 $0x0, s3;
	[sflag:s0] =	ssyncset.done $0x0  }
0x1ba: {  	[sflag:s0] =	ssyncadd.s32 s1  }
0x1bb: {  	[sflag:s0] =	ssyncpa.u1 $0x1  }
0x1bc: {  	s30 =	simm.s32 $0x1;
	_ =	sfence  }
0x1bd: {  	[sflag:s30] =	ssyncpa.u1 $0x1  }
0x1be: {  	_ =	strace $0x9000004A  }
0x1bf: {  	[bflag:$0x2] =	sbarrier.arrive $0xFFFF  }
0x1c0: {  	s31 =	rddreg [dreg:$0x1]  }
0x1c1: {  	s0 =	sadd.s32 $0x100000, s31  }
0x1c2: {  	[sflag:s0] =	ssyncadd.tile.s32 $0x1;
	_ =	shalt  }
.Lfunc_end2:
_tile_overlayer_lowered:
.L_overlay_start_2:
0x1c3: {  	(tag) =	ssettag $0x2  }
0x1c4: {  	s0 =	rddreg [dreg:$0x0];
	s2 =	stileid.u32  }
0x1c5: {  	s1 =	rddreg [dreg:$0x1];
	p0 =	sne.s32 s2, $0x0  }
0x1c6: {  	s3 =	rddreg [dreg:$0x2];
	[bflag:$0x3] =	sbarrier.arrive $0xFFFF;
	s2 =	simm.s32 @!p0 $0x1C01  }
0x1c7: {  	[timem:s3], [sflag:s2] =	dma.local @!p0 [hbm:s0], s1  }
0x1c8: {  	s0 =	simm.s32 @!p0 $0x1  }
0x1c9: {  	_ =	swait.ge @!p0 [sflag:s0], s1  }
0x1ca: {  	s1 =	ssub.s32 @!p0 $0x0, s1;
	[sflag:s0] =	ssyncset.done @!p0 $0x0  }
0x1cb: {  	[sflag:s0] =	ssyncadd.s32 @!p0 s1  }
0x1cc: {  	[bflag:$0x3] =	sbarrier.arrive $0xFFFF  }
0x1cd: {  	_ =	shalt  }

</sc_bundles>
